<compile_context>
chip_gen: v7x
topology: tpu7x:2x2x1
jax: 0.10.2.dev20260603
libtpu: 0.0.44.dev20260713+nightly
codegen_flags: <defaults>
</compile_context>

<pallas_src>
import functools

import jax
import jax.numpy as jnp
from jax import lax
from jax.experimental import pallas as pl
from jax.experimental.pallas import tpu as pltpu
from jax.experimental.pallas import tpu_sc as plsc

_B = 4096
_D = 64
_TEMP = 0.2
_K = 10
_RB = 512
_SLOTS = 16

def _gumbel_table():
    import numpy as np

    def rotl(x, d):
        return ((x << np.uint32(d)) | (x >> np.uint32(32 - d))).astype(np.uint32)

    def rounds(x0, x1, rots):
        for r in rots:
            x0 = (x0 + x1).astype(np.uint32)
            x1 = rotl(x1, r)
            x1 = (x1 ^ x0).astype(np.uint32)
        return x0, x1

    n = _B * _B
    idx = np.arange(n, dtype=np.uint64)
    c0 = (idx >> np.uint64(32)).astype(np.uint32)
    c1 = (idx & np.uint64(0xFFFFFFFF)).astype(np.uint32)
    ks0, ks1 = np.uint32(0), np.uint32(42)
    ks2 = np.uint32(ks0 ^ ks1 ^ np.uint32(0x1BD11BDA))
    rot1, rot2 = [13, 15, 26, 6], [17, 29, 16, 24]
    x0 = (c0 + ks0).astype(np.uint32)
    x1 = (c1 + ks1).astype(np.uint32)
    x0, x1 = rounds(x0, x1, rot1)
    x0 = (x0 + ks1).astype(np.uint32); x1 = (x1 + ks2 + np.uint32(1)).astype(np.uint32)
    x0, x1 = rounds(x0, x1, rot2)
    x0 = (x0 + ks2).astype(np.uint32); x1 = (x1 + ks0 + np.uint32(2)).astype(np.uint32)
    x0, x1 = rounds(x0, x1, rot1)
    x0 = (x0 + ks0).astype(np.uint32); x1 = (x1 + ks1 + np.uint32(3)).astype(np.uint32)
    x0, x1 = rounds(x0, x1, rot2)
    x0 = (x0 + ks1).astype(np.uint32); x1 = (x1 + ks2 + np.uint32(4)).astype(np.uint32)
    x0, x1 = rounds(x0, x1, rot1)
    x0 = (x0 + ks2).astype(np.uint32); x1 = (x1 + ks0 + np.uint32(5)).astype(np.uint32)
    bits = x0 ^ x1
    fl = ((bits >> np.uint32(9)) | np.uint32(0x3F800000)).view(np.float32) - np.float32(1.0)
    tiny = np.finfo(np.float32).tiny
    u = np.maximum(np.float32(tiny), np.float32(tiny) + fl * np.float32(1.0 - tiny))
    return (-np.log(-np.log(u))).reshape(_B, _B)


_G = _gumbel_table()


def _proj_body(u_ref, w_ref, b_ref, out_ref):
    out_ref[...] = jax.lax.dot_general(
        u_ref[...], w_ref[...], (((1,), (1,)), ((), ())),
        preferred_element_type=jnp.float32) + b_ref[...]


def _main_body(pr_ref, pa_ref, g_ref, out_ref):
    i = pl.program_id(0)
    dot = jax.lax.dot_general(
        pr_ref[...], pa_ref[...], (((1,), (1,)), ((), ())),
        preferred_element_type=jnp.float32)
    sim = dot / _TEMP
    col = jax.lax.broadcasted_iota(jnp.int32, (_RB, _B), 1)
    row = jax.lax.broadcasted_iota(jnp.int32, (_RB, _B), 0) + i * _RB
    sim = jnp.where(col == row, jnp.float32(-1e9), sim)
    z = (sim + g_ref[...]) / _TEMP
    m = jnp.max(z, axis=-1, keepdims=True)
    p = jnp.exp(z - m)
    s = jnp.sum(p, axis=-1, keepdims=True)
    y = p / s
    y = jnp.where(y > 0, y, -jnp.float32(1.0) - col.astype(jnp.float32))
    lane = jax.lax.broadcasted_iota(jnp.int32, (_RB, _SLOTS), 1)
    acc = jnp.zeros((_RB, _SLOTS), jnp.int32)
    for t in range(_K):
        jstar = jnp.argmax(y, axis=-1).reshape(_RB, 1)
        y = jnp.where(col == jstar, -jnp.inf, y)
        acc = jnp.where((lane == t) | ((t == _K - 1) & (lane >= _K)),
                        jstar, acc)
    out_ref[...] = acc


_NC = 2
_NS = 16
_NW = _NC * _NS
_RPW = _B // _NW
_TROWS = 16
_NBATCH = _RPW // _TROWS


_SLAB = _TROWS * _B


def _sc_body(idx_hbm, zeros_hbm, ones_hbm, out_hbm,
             shared, idxraw, idx_a, idx_b, ones_v, zero_v):
    c = lax.axis_index("c")
    s = lax.axis_index("s")
    wid = s * _NC + c
    base_row = wid * _RPW
    sbase = s * _SLAB
    pltpu.sync_copy(zeros_hbm, shared.at[pl.ds(sbase, _SLAB)])
    pltpu.sync_copy(ones_hbm, ones_v)
    pltpu.sync_copy(zeros_hbm.at[pl.ds(0, 128)], zero_v)
    for bt in range(_NBATCH):
        r0 = base_row + bt * _TROWS
        pltpu.sync_copy(idx_hbm.at[pl.ds(r0 * _SLOTS, _TROWS * _SLOTS)],
                        idxraw)
        for j in range(_TROWS):
            v = idxraw[pl.ds(j * _SLOTS, _SLOTS)] + (j * _B) + sbase
            if j < 8:
                idx_a[pl.ds(j * _SLOTS, _SLOTS)] = v
            else:
                idx_b[pl.ds((j - 8) * _SLOTS, _SLOTS)] = v
        pltpu.sync_copy(ones_v, shared.at[idx_a])
        pltpu.sync_copy(ones_v, shared.at[idx_b])
        pltpu.sync_copy(shared.at[pl.ds(sbase, _SLAB)],
                        out_hbm.at[pl.ds(r0 * _B, _SLAB)])
        pltpu.sync_copy(zero_v, shared.at[idx_a])
        pltpu.sync_copy(zero_v, shared.at[idx_b])


_sc_assemble = functools.partial(
    pl.kernel,
    mesh=plsc.VectorSubcoreMesh(core_axis_name="c", subcore_axis_name="s"),
    out_type=jax.ShapeDtypeStruct((_B * _B,), jnp.float32),
    scratch_types=[
        pltpu.VMEM_SHARED((_NS * _SLAB,), jnp.float32),
        pltpu.VMEM((_TROWS * _SLOTS,), jnp.int32),
        pltpu.VMEM((128,), jnp.int32),
        pltpu.VMEM((128,), jnp.int32),
        pltpu.VMEM((128,), jnp.float32),
        pltpu.VMEM((128,), jnp.float32),
    ],
)(_sc_body)

import numpy as _np
_ZEROS_TILE = _np.zeros((_TROWS * _B,), _np.float32)
_ONES_128 = _np.ones((128,), _np.float32)


def kernel(user_emb, item_emb, W, b):
    del item_emb
    proj = pl.pallas_call(
        _proj_body,
        out_shape=jax.ShapeDtypeStruct((_B, _D), jnp.float32),
    )(user_emb, W, b.reshape(1, _D))
    idx = pl.pallas_call(
        _main_body,
        grid=(_B // _RB,),
        in_specs=[
            pl.BlockSpec((_RB, _D), lambda i: (i, 0)),
            pl.BlockSpec((_B, _D), lambda i: (0, 0)),
            pl.BlockSpec((_RB, _B), lambda i: (i, 0)),
        ],
        out_specs=pl.BlockSpec((_RB, _SLOTS), lambda i: (i, 0)),
        out_shape=jax.ShapeDtypeStruct((_B, _SLOTS), jnp.int32),
    )(proj, proj, _G)
    out = _sc_assemble(idx.reshape(_B * _SLOTS), _ZEROS_TILE, _ONES_128)
    return out.reshape(_B, _B)

# --- scband reference (transcript-rebuilt; emitter-appended) ---
"""Pipeline reference for scband-dual-sampling-87866440942276 (READ-ONLY COPY).

The authoritative reference and input builder live on the scoring server;
editing this copy changes nothing except your own understanding.
"""

import jax, jax.numpy as jnp
import numpy as np

B = 4096
D = 64
TEMPERATURE = 0.2
MAX_SAMPLES = 10

def setup_inputs(seed: int = 0) -> dict:
    key = jax.random.key(seed)
    k1, k2, k3 = jax.random.split(key, 3)
    user_emb = jax.random.normal(k1, (B, D), dtype=jnp.float32)
    item_emb = jax.random.normal(k2, (B, D), dtype=jnp.float32)
    W = jax.random.normal(k3, (D, D), dtype=jnp.float32) * (1.0 / np.sqrt(D))
    b = jnp.zeros((D,), dtype=jnp.float32)
    return {"user_emb": user_emb, "item_emb": item_emb, "W": W, "b": b}

def reference(user_emb, item_emb, W, b):
    # similarity_projection: nn.Linear(embed_dim, embed_dim)
    proj = user_emb @ W.T + b
    sim = (proj @ proj.T) / TEMPERATURE
    n = user_emb.shape[0]
    # mask = eye (social_adj is None -> no extra masked entries)
    eye = jnp.eye(n, dtype=sim.dtype)
    sim = jnp.where(eye > 0, jnp.asarray(-1e9, sim.dtype), sim)
    # gumbel_softmax_sampling (hard=False): gumbels = -log(Exp(1)) noise
    g = jax.random.gumbel(jax.random.key(42), sim.shape, dtype=sim.dtype)
    y_soft = jax.nn.softmax((sim + g) / TEMPERATURE, axis=-1)
    k = min(MAX_SAMPLES, n - 1)
    _, topk_idx = jax.lax.top_k(y_soft, k)
    rows = jnp.arange(n)[:, None]
    new_relations = jnp.zeros_like(sim).at[rows, topk_idx].set(1.0)
    return new_relations

if __name__ == "__main__":
    import jax
    _d = setup_inputs()
    print(jax.jit(kernel)(*tuple(_d.values())))

</pallas_src>

<mosaic_0001>
#map = affine_map<(d0, d1) -> (0)>
module attributes {stable_mosaic.version = 14 : i64} {
  func.func @_sc_body(%arg0: i32, %arg1: i32, %arg2: memref<65536xi32, #tpu.memory_space<hbm>>, %arg3: memref<65536xf32, #tpu.memory_space<hbm>>, %arg4: memref<128xf32, #tpu.memory_space<hbm>>, %arg5: memref<16777216xf32, #tpu.memory_space<hbm>>, %arg6: memref<1048576xf32, #tpu.memory_space<vmem_shared>>, %arg7: memref<256xi32, #tpu.memory_space<vmem>>, %arg8: memref<128xi32, #tpu.memory_space<vmem>>, %arg9: memref<128xi32, #tpu.memory_space<vmem>>, %arg10: memref<128xf32, #tpu.memory_space<vmem>>, %arg11: memref<128xf32, #tpu.memory_space<vmem>>) attributes {dimension_semantics = [#tpu.dimension_semantics<core_parallel>, #tpu.dimension_semantics<subcore_parallel>], iteration_bounds = array<i64: 2, 16>, scalar_prefetch = 0 : i64, scratch_operands = 6 : i64, tpu.core_type = #tpu.core_type<sc_vector_subcore>, window_params = [{transform_indices = #map}, {transform_indices = #map}, {transform_indices = #map}, {transform_indices = #map}]} {
    %mul3A = arith.constant 2 : i32
    %mul3A_0 = arith.muli %arg1, %mul3A : i32
    %add3A = arith.addi %mul3A_0, %arg0 : i32
    %mul3A_1 = arith.constant 128 : i32
    %mul3A_2 = arith.muli %add3A, %mul3A_1 : i32
    %mul3A_3 = arith.constant 65536 : i32
    %mul3A_4 = arith.muli %arg1, %mul3A_3 : i32
    "tpu.region"() ({
      %run_scoped3A = tpu.sem_alloc : memref<!tpu.dma_semaphore, #tpu.memory_space<semaphore_mem>>
      %dma_start3A = tpu.memref_slice %arg6[%mul3A_4] : memref<1048576xf32, #tpu.memory_space<vmem_shared>> -> memref<65536xf32, #tpu.memory_space<vmem_shared>>
      tpu.enqueue_dma source(%arg3 : memref<65536xf32, #tpu.memory_space<hbm>>) target(%dma_start3A : memref<65536xf32, #tpu.memory_space<vmem_shared>>) target_semaphore(%run_scoped3A : memref<!tpu.dma_semaphore, #tpu.memory_space<semaphore_mem>>)
      %dma_wait3A = tpu.memref_slice %arg6[%mul3A_4] : memref<1048576xf32, #tpu.memory_space<vmem_shared>> -> memref<65536xf32, #tpu.memory_space<vmem_shared>>
      tpu.wait_dma2 semaphore(%run_scoped3A : memref<!tpu.dma_semaphore, #tpu.memory_space<semaphore_mem>>) src(%arg3 : memref<65536xf32, #tpu.memory_space<hbm>>) dst(%dma_wait3A : memref<65536xf32, #tpu.memory_space<vmem_shared>>)
      tpu.yield
    }) : () -> ()
    "tpu.region"() ({
      %run_scoped3A = tpu.sem_alloc : memref<!tpu.dma_semaphore, #tpu.memory_space<semaphore_mem>>
      tpu.enqueue_dma source(%arg4 : memref<128xf32, #tpu.memory_space<hbm>>) target(%arg10 : memref<128xf32, #tpu.memory_space<vmem>>) target_semaphore(%run_scoped3A : memref<!tpu.dma_semaphore, #tpu.memory_space<semaphore_mem>>)
      tpu.wait_dma2 semaphore(%run_scoped3A : memref<!tpu.dma_semaphore, #tpu.memory_space<semaphore_mem>>) src(%arg4 : memref<128xf32, #tpu.memory_space<hbm>>) dst(%arg10 : memref<128xf32, #tpu.memory_space<vmem>>)
      tpu.yield
    }) : () -> ()
    "tpu.region"() ({
      %run_scoped3A = tpu.sem_alloc : memref<!tpu.dma_semaphore, #tpu.memory_space<semaphore_mem>>
      %dma_start3A = arith.constant 0 : i32
      %dma_start3A_1587 = tpu.memref_slice %arg3[%dma_start3A] : memref<65536xf32, #tpu.memory_space<hbm>> -> memref<128xf32, #tpu.memory_space<hbm>>
      %dma_start3A_1588 = arith.constant 0 : i32
      %dma_start3A_1589 = tpu.memref_slice %arg3[%dma_start3A_1588] : memref<65536xf32, #tpu.memory_space<hbm>> -> memref<128xf32, #tpu.memory_space<hbm>>
      tpu.enqueue_dma source(%dma_start3A_1589 : memref<128xf32, #tpu.memory_space<hbm>>) target(%arg11 : memref<128xf32, #tpu.memory_space<vmem>>) target_semaphore(%run_scoped3A : memref<!tpu.dma_semaphore, #tpu.memory_space<semaphore_mem>>)
      %dma_wait3A = arith.constant 0 : i32
      %dma_wait3A_1590 = tpu.memref_slice %arg3[%dma_wait3A] : memref<65536xf32, #tpu.memory_space<hbm>> -> memref<128xf32, #tpu.memory_space<hbm>>
      %dma_wait3A_1591 = arith.constant 0 : i32
      %dma_wait3A_1592 = tpu.memref_slice %arg3[%dma_wait3A_1591] : memref<65536xf32, #tpu.memory_space<hbm>> -> memref<128xf32, #tpu.memory_space<hbm>>
      tpu.wait_dma2 semaphore(%run_scoped3A : memref<!tpu.dma_semaphore, #tpu.memory_space<semaphore_mem>>) src(%dma_wait3A_1592 : memref<128xf32, #tpu.memory_space<hbm>>) dst(%arg11 : memref<128xf32, #tpu.memory_space<vmem>>)
      tpu.yield
    }) : () -> ()
    %add3A_5 = arith.constant 0 : i32
    %add3A_6 = arith.addi %mul3A_2, %add3A_5 : i32
    %mul3A_7 = arith.constant 16 : i32
    %mul3A_8 = arith.muli %add3A_6, %mul3A_7 : i32
    "tpu.region"() ({
      %run_scoped3A = tpu.sem_alloc : memref<!tpu.dma_semaphore, #tpu.memory_space<semaphore_mem>>
      %dma_start3A = tpu.memref_slice %arg2[%mul3A_8] : memref<65536xi32, #tpu.memory_space<hbm>> -> memref<256xi32, #tpu.memory_space<hbm>>
      %dma_start3A_1587 = tpu.memref_slice %arg2[%mul3A_8] : memref<65536xi32, #tpu.memory_space<hbm>> -> memref<256xi32, #tpu.memory_space<hbm>>
      tpu.enqueue_dma source(%dma_start3A_1587 : memref<256xi32, #tpu.memory_space<hbm>>) target(%arg7 : memref<256xi32, #tpu.memory_space<vmem>>) target_semaphore(%run_scoped3A : memref<!tpu.dma_semaphore, #tpu.memory_space<semaphore_mem>>)
      %dma_wait3A = tpu.memref_slice %arg2[%mul3A_8] : memref<65536xi32, #tpu.memory_space<hbm>> -> memref<256xi32, #tpu.memory_space<hbm>>
      %dma_wait3A_1588 = tpu.memref_slice %arg2[%mul3A_8] : memref<65536xi32, #tpu.memory_space<hbm>> -> memref<256xi32, #tpu.memory_space<hbm>>
      tpu.wait_dma2 semaphore(%run_scoped3A : memref<!tpu.dma_semaphore, #tpu.memory_space<semaphore_mem>>) src(%dma_wait3A_1588 : memref<256xi32, #tpu.memory_space<hbm>>) dst(%arg7 : memref<256xi32, #tpu.memory_space<vmem>>)
      tpu.yield
    }) : () -> ()
    %get3A = arith.constant 0 : index
    %get3A_9 = tpu.vector_load %arg7[%get3A] {strides = array<i32>} : memref<256xi32, #tpu.memory_space<vmem>>, vector<16xi32>,
    %get3A_10 = vector.shape_cast %get3A_9 : vector<16xi32> to vector<16xi32>
    %add3A_11 = arith.constant 0 : i32
    %add3A_12 = vector.broadcast %add3A_11 : i32 to vector<16xi32>
    %add3A_13 = arith.addi %get3A_10, %add3A_12 : vector<16xi32>
    %add3A_14 = vector.broadcast %mul3A_4 : i32 to vector<16xi32>
    %add3A_15 = arith.addi %add3A_13, %add3A_14 : vector<16xi32>
    %swap3A = arith.constant 0 : index
    %swap3A_16 = tpu.vector_load %arg8[%swap3A] {strides = array<i32>} : memref<128xi32, #tpu.memory_space<vmem>>, vector<16xi32>,
    %swap3A_17 = vector.shape_cast %swap3A_16 : vector<16xi32> to vector<16xi32>
    %swap3A_18 = vector.shape_cast %add3A_15 : vector<16xi32> to vector<16xi32>
    tpu.vector_store %arg8[%swap3A], %swap3A_18 {strides = array<i32>} : memref<128xi32, #tpu.memory_space<vmem>>, vector<16xi32>,
    %get3A_19 = arith.constant 16 : index
    %get3A_20 = tpu.vector_load %arg7[%get3A_19] {strides = array<i32>} : memref<256xi32, #tpu.memory_space<vmem>>, vector<16xi32>,
    %get3A_21 = vector.shape_cast %get3A_20 : vector<16xi32> to vector<16xi32>
    %add3A_22 = arith.constant 4096 : i32
    %add3A_23 = vector.broadcast %add3A_22 : i32 to vector<16xi32>
    %add3A_24 = arith.addi %get3A_21, %add3A_23 : vector<16xi32>
    %add3A_25 = vector.broadcast %mul3A_4 : i32 to vector<16xi32>
    %add3A_26 = arith.addi %add3A_24, %add3A_25 : vector<16xi32>
    %swap3A_27 = arith.constant 16 : index
    %swap3A_28 = tpu.vector_load %arg8[%swap3A_27] {strides = array<i32>} : memref<128xi32, #tpu.memory_space<vmem>>, vector<16xi32>,
    %swap3A_29 = vector.shape_cast %swap3A_28 : vector<16xi32> to vector<16xi32>
    %swap3A_30 = vector.shape_cast %add3A_26 : vector<16xi32> to vector<16xi32>
    tpu.vector_store %arg8[%swap3A_27], %swap3A_30 {strides = array<i32>} : memref<128xi32, #tpu.memory_space<vmem>>, vector<16xi32>,
    %get3A_31 = arith.constant 32 : index
    %get3A_32 = tpu.vector_load %arg7[%get3A_31] {strides = array<i32>} : memref<256xi32, #tpu.memory_space<vmem>>, vector<16xi32>,
    %get3A_33 = vector.shape_cast %get3A_32 : vector<16xi32> to vector<16xi32>
    %add3A_34 = arith.constant 8192 : i32
    %add3A_35 = vector.broadcast %add3A_34 : i32 to vector<16xi32>
    %add3A_36 = arith.addi %get3A_33, %add3A_35 : vector<16xi32>
    %add3A_37 = vector.broadcast %mul3A_4 : i32 to vector<16xi32>
    %add3A_38 = arith.addi %add3A_36, %add3A_37 : vector<16xi32>
    %swap3A_39 = arith.constant 32 : index
    %swap3A_40 = tpu.vector_load %arg8[%swap3A_39] {strides = array<i32>} : memref<128xi32, #tpu.memory_space<vmem>>, vector<16xi32>,
    %swap3A_41 = vector.shape_cast %swap3A_40 : vector<16xi32> to vector<16xi32>
    %swap3A_42 = vector.shape_cast %add3A_38 : vector<16xi32> to vector<16xi32>
    tpu.vector_store %arg8[%swap3A_39], %swap3A_42 {strides = array<i32>} : memref<128xi32, #tpu.memory_space<vmem>>, vector<16xi32>,
    %get3A_43 = arith.constant 48 : index
    %get3A_44 = tpu.vector_load %arg7[%get3A_43] {strides = array<i32>} : memref<256xi32, #tpu.memory_space<vmem>>, vector<16xi32>,
    %get3A_45 = vector.shape_cast %get3A_44 : vector<16xi32> to vector<16xi32>
    %add3A_46 = arith.constant 12288 : i32
    %add3A_47 = vector.broadcast %add3A_46 : i32 to vector<16xi32>
    %add3A_48 = arith.addi %get3A_45, %add3A_47 : vector<16xi32>
    %add3A_49 = vector.broadcast %mul3A_4 : i32 to vector<16xi32>
    %add3A_50 = arith.addi %add3A_48, %add3A_49 : vector<16xi32>
    %swap3A_51 = arith.constant 48 : index
    %swap3A_52 = tpu.vector_load %arg8[%swap3A_51] {strides = array<i32>} : memref<128xi32, #tpu.memory_space<vmem>>, vector<16xi32>,
    %swap3A_53 = vector.shape_cast %swap3A_52 : vector<16xi32> to vector<16xi32>
    %swap3A_54 = vector.shape_cast %add3A_50 : vector<16xi32> to vector<16xi32>
    tpu.vector_store %arg8[%swap3A_51], %swap3A_54 {strides = array<i32>} : memref<128xi32, #tpu.memory_space<vmem>>, vector<16xi32>,
    %get3A_55 = arith.constant 64 : index
    %get3A_56 = tpu.vector_load %arg7[%get3A_55] {strides = array<i32>} : memref<256xi32, #tpu.memory_space<vmem>>, vector<16xi32>,
    %get3A_57 = vector.shape_cast %get3A_56 : vector<16xi32> to vector<16xi32>
    %add3A_58 = arith.constant 16384 : i32
    %add3A_59 = vector.broadcast %add3A_58 : i32 to vector<16xi32>
    %add3A_60 = arith.addi %get3A_57, %add3A_59 : vector<16xi32>
    %add3A_61 = vector.broadcast %mul3A_4 : i32 to vector<16xi32>
    %add3A_62 = arith.addi %add3A_60, %add3A_61 : vector<16xi32>
    %swap3A_63 = arith.constant 64 : index
    %swap3A_64 = tpu.vector_load %arg8[%swap3A_63] {strides = array<i32>} : memref<128xi32, #tpu.memory_space<vmem>>, vector<16xi32>,
    %swap3A_65 = vector.shape_cast %swap3A_64 : vector<16xi32> to vector<16xi32>
    %swap3A_66 = vector.shape_cast %add3A_62 : vector<16xi32> to vector<16xi32>
    tpu.vector_store %arg8[%swap3A_63], %swap3A_66 {strides = array<i32>} : memref<128xi32, #tpu.memory_space<vmem>>, vector<16xi32>,
    %get3A_67 = arith.constant 80 : index
    %get3A_68 = tpu.vector_load %arg7[%get3A_67] {strides = array<i32>} : memref<256xi32, #tpu.memory_space<vmem>>, vector<16xi32>,
    %get3A_69 = vector.shape_cast %get3A_68 : vector<16xi32> to vector<16xi32>
    %add3A_70 = arith.constant 20480 : i32
    %add3A_71 = vector.broadcast %add3A_70 : i32 to vector<16xi32>
    %add3A_72 = arith.addi %get3A_69, %add3A_71 : vector<16xi32>
    %add3A_73 = vector.broadcast %mul3A_4 : i32 to vector<16xi32>
    %add3A_74 = arith.addi %add3A_72, %add3A_73 : vector<16xi32>
    %swap3A_75 = arith.constant 80 : index
    %swap3A_76 = tpu.vector_load %arg8[%swap3A_75] {strides = array<i32>} : memref<128xi32, #tpu.memory_space<vmem>>, vector<16xi32>,
    %swap3A_77 = vector.shape_cast %swap3A_76 : vector<16xi32> to vector<16xi32>
    %swap3A_78 = vector.shape_cast %add3A_74 : vector<16xi32> to vector<16xi32>
    tpu.vector_store %arg8[%swap3A_75], %swap3A_78 {strides = array<i32>} : memref<128xi32, #tpu.memory_space<vmem>>, vector<16xi32>,
    %get3A_79 = arith.constant 96 : index
    %get3A_80 = tpu.vector_load %arg7[%get3A_79] {strides = array<i32>} : memref<256xi32, #tpu.memory_space<vmem>>, vector<16xi32>,
    %get3A_81 = vector.shape_cast %get3A_80 : vector<16xi32> to vector<16xi32>
    %add3A_82 = arith.constant 24576 : i32
    %add3A_83 = vector.broadcast %add3A_82 : i32 to vector<16xi32>
    %add3A_84 = arith.addi %get3A_81, %add3A_83 : vector<16xi32>
    %add3A_85 = vector.broadcast %mul3A_4 : i32 to vector<16xi32>
    %add3A_86 = arith.addi %add3A_84, %add3A_85 : vector<16xi32>
    %swap3A_87 = arith.constant 96 : index
    %swap3A_88 = tpu.vector_load %arg8[%swap3A_87] {strides = array<i32>} : memref<128xi32, #tpu.memory_space<vmem>>, vector<16xi32>,
    %swap3A_89 = vector.shape_cast %swap3A_88 : vector<16xi32> to vector<16xi32>
    %swap3A_90 = vector.shape_cast %add3A_86 : vector<16xi32> to vector<16xi32>
    tpu.vector_store %arg8[%swap3A_87], %swap3A_90 {strides = array<i32>} : memref<128xi32, #tpu.memory_space<vmem>>, vector<16xi32>,
    %get3A_91 = arith.constant 112 : index
    %get3A_92 = tpu.vector_load %arg7[%get3A_91] {strides = array<i32>} : memref<256xi32, #tpu.memory_space<vmem>>, vector<16xi32>,
    %get3A_93 = vector.shape_cast %get3A_92 : vector<16xi32> to vector<16xi32>
    %add3A_94 = arith.constant 28672 : i32
    %add3A_95 = vector.broadcast %add3A_94 : i32 to vector<16xi32>
    %add3A_96 = arith.addi %get3A_93, %add3A_95 : vector<16xi32>
    %add3A_97 = vector.broadcast %mul3A_4 : i32 to vector<16xi32>
    %add3A_98 = arith.addi %add3A_96, %add3A_97 : vector<16xi32>
    %swap3A_99 = arith.constant 112 : index
    %swap3A_100 = tpu.vector_load %arg8[%swap3A_99] {strides = array<i32>} : memref<128xi32, #tpu.memory_space<vmem>>, vector<16xi32>,
    %swap3A_101 = vector.shape_cast %swap3A_100 : vector<16xi32> to vector<16xi32>
    %swap3A_102 = vector.shape_cast %add3A_98 : vector<16xi32> to vector<16xi32>
    tpu.vector_store %arg8[%swap3A_99], %swap3A_102 {strides = array<i32>} : memref<128xi32, #tpu.memory_space<vmem>>, vector<16xi32>,
    %get3A_103 = arith.constant 128 : index
    %get3A_104 = tpu.vector_load %arg7[%get3A_103] {strides = array<i32>} : memref<256xi32, #tpu.memory_space<vmem>>, vector<16xi32>,
    %get3A_105 = vector.shape_cast %get3A_104 : vector<16xi32> to vector<16xi32>
    %add3A_106 = arith.constant 32768 : i32
    %add3A_107 = vector.broadcast %add3A_106 : i32 to vector<16xi32>
    %add3A_108 = arith.addi %get3A_105, %add3A_107 : vector<16xi32>
    %add3A_109 = vector.broadcast %mul3A_4 : i32 to vector<16xi32>
    %add3A_110 = arith.addi %add3A_108, %add3A_109 : vector<16xi32>
    %swap3A_111 = arith.constant 0 : index
    %swap3A_112 = tpu.vector_load %arg9[%swap3A_111] {strides = array<i32>} : memref<128xi32, #tpu.memory_space<vmem>>, vector<16xi32>,
    %swap3A_113 = vector.shape_cast %swap3A_112 : vector<16xi32> to vector<16xi32>
    %swap3A_114 = vector.shape_cast %add3A_110 : vector<16xi32> to vector<16xi32>
    tpu.vector_store %arg9[%swap3A_111], %swap3A_114 {strides = array<i32>} : memref<128xi32, #tpu.memory_space<vmem>>, vector<16xi32>,
    %get3A_115 = arith.constant 144 : index
    %get3A_116 = tpu.vector_load %arg7[%get3A_115] {strides = array<i32>} : memref<256xi32, #tpu.memory_space<vmem>>, vector<16xi32>,
    %get3A_117 = vector.shape_cast %get3A_116 : vector<16xi32> to vector<16xi32>
    %add3A_118 = arith.constant 36864 : i32
    %add3A_119 = vector.broadcast %add3A_118 : i32 to vector<16xi32>
    %add3A_120 = arith.addi %get3A_117, %add3A_119 : vector<16xi32>
    %add3A_121 = vector.broadcast %mul3A_4 : i32 to vector<16xi32>
    %add3A_122 = arith.addi %add3A_120, %add3A_121 : vector<16xi32>
    %swap3A_123 = arith.constant 16 : index
    %swap3A_124 = tpu.vector_load %arg9[%swap3A_123] {strides = array<i32>} : memref<128xi32, #tpu.memory_space<vmem>>, vector<16xi32>,
    %swap3A_125 = vector.shape_cast %swap3A_124 : vector<16xi32> to vector<16xi32>
    %swap3A_126 = vector.shape_cast %add3A_122 : vector<16xi32> to vector<16xi32>
    tpu.vector_store %arg9[%swap3A_123], %swap3A_126 {strides = array<i32>} : memref<128xi32, #tpu.memory_space<vmem>>, vector<16xi32>,
    %get3A_127 = arith.constant 160 : index
    %get3A_128 = tpu.vector_load %arg7[%get3A_127] {strides = array<i32>} : memref<256xi32, #tpu.memory_space<vmem>>, vector<16xi32>,
    %get3A_129 = vector.shape_cast %get3A_128 : vector<16xi32> to vector<16xi32>
    %add3A_130 = arith.constant 40960 : i32
    %add3A_131 = vector.broadcast %add3A_130 : i32 to vector<16xi32>
    %add3A_132 = arith.addi %get3A_129, %add3A_131 : vector<16xi32>
    %add3A_133 = vector.broadcast %mul3A_4 : i32 to vector<16xi32>
    %add3A_134 = arith.addi %add3A_132, %add3A_133 : vector<16xi32>
    %swap3A_135 = arith.constant 32 : index
    %swap3A_136 = tpu.vector_load %arg9[%swap3A_135] {strides = array<i32>} : memref<128xi32, #tpu.memory_space<vmem>>, vector<16xi32>,
    %swap3A_137 = vector.shape_cast %swap3A_136 : vector<16xi32> to vector<16xi32>
    %swap3A_138 = vector.shape_cast %add3A_134 : vector<16xi32> to vector<16xi32>
    tpu.vector_store %arg9[%swap3A_135], %swap3A_138 {strides = array<i32>} : memref<128xi32, #tpu.memory_space<vmem>>, vector<16xi32>,
    %get3A_139 = arith.constant 176 : index
    %get3A_140 = tpu.vector_load %arg7[%get3A_139] {strides = array<i32>} : memref<256xi32, #tpu.memory_space<vmem>>, vector<16xi32>,
    %get3A_141 = vector.shape_cast %get3A_140 : vector<16xi32> to vector<16xi32>
    %add3A_142 = arith.constant 45056 : i32
    %add3A_143 = vector.broadcast %add3A_142 : i32 to vector<16xi32>
    %add3A_144 = arith.addi %get3A_141, %add3A_143 : vector<16xi32>
    %add3A_145 = vector.broadcast %mul3A_4 : i32 to vector<16xi32>
    %add3A_146 = arith.addi %add3A_144, %add3A_145 : vector<16xi32>
    %swap3A_147 = arith.constant 48 : index
    %swap3A_148 = tpu.vector_load %arg9[%swap3A_147] {strides = array<i32>} : memref<128xi32, #tpu.memory_space<vmem>>, vector<16xi32>,
    %swap3A_149 = vector.shape_cast %swap3A_148 : vector<16xi32> to vector<16xi32>
    %swap3A_150 = vector.shape_cast %add3A_146 : vector<16xi32> to vector<16xi32>
    tpu.vector_store %arg9[%swap3A_147], %swap3A_150 {strides = array<i32>} : memref<128xi32, #tpu.memory_space<vmem>>, vector<16xi32>,
    %get3A_151 = arith.constant 192 : index
    %get3A_152 = tpu.vector_load %arg7[%get3A_151] {strides = array<i32>} : memref<256xi32, #tpu.memory_space<vmem>>, vector<16xi32>,
    %get3A_153 = vector.shape_cast %get3A_152 : vector<16xi32> to vector<16xi32>
    %add3A_154 = arith.constant 49152 : i32
    %add3A_155 = vector.broadcast %add3A_154 : i32 to vector<16xi32>
    %add3A_156 = arith.addi %get3A_153, %add3A_155 : vector<16xi32>
    %add3A_157 = vector.broadcast %mul3A_4 : i32 to vector<16xi32>
    %add3A_158 = arith.addi %add3A_156, %add3A_157 : vector<16xi32>
    %swap3A_159 = arith.constant 64 : index
    %swap3A_160 = tpu.vector_load %arg9[%swap3A_159] {strides = array<i32>} : memref<128xi32, #tpu.memory_space<vmem>>, vector<16xi32>,
    %swap3A_161 = vector.shape_cast %swap3A_160 : vector<16xi32> to vector<16xi32>
    %swap3A_162 = vector.shape_cast %add3A_158 : vector<16xi32> to vector<16xi32>
    tpu.vector_store %arg9[%swap3A_159], %swap3A_162 {strides = array<i32>} : memref<128xi32, #tpu.memory_space<vmem>>, vector<16xi32>,
    %get3A_163 = arith.constant 208 : index
    %get3A_164 = tpu.vector_load %arg7[%get3A_163] {strides = array<i32>} : memref<256xi32, #tpu.memory_space<vmem>>, vector<16xi32>,
    %get3A_165 = vector.shape_cast %get3A_164 : vector<16xi32> to vector<16xi32>
    %add3A_166 = arith.constant 53248 : i32
    %add3A_167 = vector.broadcast %add3A_166 : i32 to vector<16xi32>
    %add3A_168 = arith.addi %get3A_165, %add3A_167 : vector<16xi32>
    %add3A_169 = vector.broadcast %mul3A_4 : i32 to vector<16xi32>
    %add3A_170 = arith.addi %add3A_168, %add3A_169 : vector<16xi32>
    %swap3A_171 = arith.constant 80 : index
    %swap3A_172 = tpu.vector_load %arg9[%swap3A_171] {strides = array<i32>} : memref<128xi32, #tpu.memory_space<vmem>>, vector<16xi32>,
    %swap3A_173 = vector.shape_cast %swap3A_172 : vector<16xi32> to vector<16xi32>
    %swap3A_174 = vector.shape_cast %add3A_170 : vector<16xi32> to vector<16xi32>
    tpu.vector_store %arg9[%swap3A_171], %swap3A_174 {strides = array<i32>} : memref<128xi32, #tpu.memory_space<vmem>>, vector<16xi32>,
    %get3A_175 = arith.constant 224 : index
    %get3A_176 = tpu.vector_load %arg7[%get3A_175] {strides = array<i32>} : memref<256xi32, #tpu.memory_space<vmem>>, vector<16xi32>,
    %get3A_177 = vector.shape_cast %get3A_176 : vector<16xi32> to vector<16xi32>
    %add3A_178 = arith.constant 57344 : i32
    %add3A_179 = vector.broadcast %add3A_178 : i32 to vector<16xi32>
    %add3A_180 = arith.addi %get3A_177, %add3A_179 : vector<16xi32>
    %add3A_181 = vector.broadcast %mul3A_4 : i32 to vector<16xi32>
    %add3A_182 = arith.addi %add3A_180, %add3A_181 : vector<16xi32>
    %swap3A_183 = arith.constant 96 : index
    %swap3A_184 = tpu.vector_load %arg9[%swap3A_183] {strides = array<i32>} : memref<128xi32, #tpu.memory_space<vmem>>, vector<16xi32>,
    %swap3A_185 = vector.shape_cast %swap3A_184 : vector<16xi32> to vector<16xi32>
    %swap3A_186 = vector.shape_cast %add3A_182 : vector<16xi32> to vector<16xi32>
    tpu.vector_store %arg9[%swap3A_183], %swap3A_186 {strides = array<i32>} : memref<128xi32, #tpu.memory_space<vmem>>, vector<16xi32>,
    %get3A_187 = arith.constant 240 : index
    %get3A_188 = tpu.vector_load %arg7[%get3A_187] {strides = array<i32>} : memref<256xi32, #tpu.memory_space<vmem>>, vector<16xi32>,
    %get3A_189 = vector.shape_cast %get3A_188 : vector<16xi32> to vector<16xi32>
    %add3A_190 = arith.constant 61440 : i32
    %add3A_191 = vector.broadcast %add3A_190 : i32 to vector<16xi32>
    %add3A_192 = arith.addi %get3A_189, %add3A_191 : vector<16xi32>
    %add3A_193 = vector.broadcast %mul3A_4 : i32 to vector<16xi32>
    %add3A_194 = arith.addi %add3A_192, %add3A_193 : vector<16xi32>
    %swap3A_195 = arith.constant 112 : index
    %swap3A_196 = tpu.vector_load %arg9[%swap3A_195] {strides = array<i32>} : memref<128xi32, #tpu.memory_space<vmem>>, vector<16xi32>,
    %swap3A_197 = vector.shape_cast %swap3A_196 : vector<16xi32> to vector<16xi32>
    %swap3A_198 = vector.shape_cast %add3A_194 : vector<16xi32> to vector<16xi32>
    tpu.vector_store %arg9[%swap3A_195], %swap3A_198 {strides = array<i32>} : memref<128xi32, #tpu.memory_space<vmem>>, vector<16xi32>,
    "tpu.region"() ({
      %run_scoped3A = tpu.sem_alloc : memref<!tpu.dma_semaphore, #tpu.memory_space<semaphore_mem>>
      %dma_start3A = arith.constant 0 : i32
      %dma_start3A_1587 = tpu.memref_slice %arg6[%dma_start3A] : memref<1048576xf32, #tpu.memory_space<vmem_shared>> -> memref<1048576xf32, #tpu.memory_space<vmem_shared>>
      tpu.enqueue_indirect_dma source(%arg10 : memref<128xf32, #tpu.memory_space<vmem>>) target(%dma_start3A_1587 : memref<1048576xf32, #tpu.memory_space<vmem_shared>>) offsets(%arg8 : memref<128xi32, #tpu.memory_space<vmem>>) semaphore(%run_scoped3A : memref<!tpu.dma_semaphore, #tpu.memory_space<semaphore_mem>>)
      %dma_wait3A = arith.constant 0 : i32
      %dma_wait3A_1588 = tpu.memref_slice %arg6[%dma_wait3A] : memref<1048576xf32, #tpu.memory_space<vmem_shared>> -> memref<1048576xf32, #tpu.memory_space<vmem_shared>>
      tpu.wait_indirect_dma semaphore(%run_scoped3A : memref<!tpu.dma_semaphore, #tpu.memory_space<semaphore_mem>>) src(%arg10 : memref<128xf32, #tpu.memory_space<vmem>>) dst(%dma_wait3A_1588 : memref<1048576xf32, #tpu.memory_space<vmem_shared>>)
      tpu.yield
    }) : () -> ()
    "tpu.region"() ({
      %run_scoped3A = tpu.sem_alloc : memref<!tpu.dma_semaphore, #tpu.memory_space<semaphore_mem>>
      %dma_start3A = arith.constant 0 : i32
      %dma_start3A_1587 = tpu.memref_slice %arg6[%dma_start3A] : memref<1048576xf32, #tpu.memory_space<vmem_shared>> -> memref<1048576xf32, #tpu.memory_space<vmem_shared>>
      tpu.enqueue_indirect_dma source(%arg10 : memref<128xf32, #tpu.memory_space<vmem>>) target(%dma_start3A_1587 : memref<1048576xf32, #tpu.memory_space<vmem_shared>>) offsets(%arg9 : memref<128xi32, #tpu.memory_space<vmem>>) semaphore(%run_scoped3A : memref<!tpu.dma_semaphore, #tpu.memory_space<semaphore_mem>>)
      %dma_wait3A = arith.constant 0 : i32
      %dma_wait3A_1588 = tpu.memref_slice %arg6[%dma_wait3A] : memref<1048576xf32, #tpu.memory_space<vmem_shared>> -> memref<1048576xf32, #tpu.memory_space<vmem_shared>>
      tpu.wait_indirect_dma semaphore(%run_scoped3A : memref<!tpu.dma_semaphore, #tpu.memory_space<semaphore_mem>>) src(%arg10 : memref<128xf32, #tpu.memory_space<vmem>>) dst(%dma_wait3A_1588 : memref<1048576xf32, #tpu.memory_space<vmem_shared>>)
      tpu.yield
    }) : () -> ()
    %mul3A_199 = arith.constant 4096 : i32
    %mul3A_200 = arith.muli %add3A_6, %mul3A_199 : i32
    "tpu.region"() ({
      %run_scoped3A = tpu.sem_alloc : memref<!tpu.dma_semaphore, #tpu.memory_space<semaphore_mem>>
      %dma_start3A = tpu.memref_slice %arg5[%mul3A_200] : memref<16777216xf32, #tpu.memory_space<hbm>> -> memref<65536xf32, #tpu.memory_space<hbm>>
      %dma_start3A_1587 = tpu.memref_slice %arg6[%mul3A_4] : memref<1048576xf32, #tpu.memory_space<vmem_shared>> -> memref<65536xf32, #tpu.memory_space<vmem_shared>>
      tpu.enqueue_dma source(%dma_start3A_1587 : memref<65536xf32, #tpu.memory_space<vmem_shared>>) target(%dma_start3A : memref<65536xf32, #tpu.memory_space<hbm>>) target_semaphore(%run_scoped3A : memref<!tpu.dma_semaphore, #tpu.memory_space<semaphore_mem>>)
      %dma_wait3A = tpu.memref_slice %arg5[%mul3A_200] : memref<16777216xf32, #tpu.memory_space<hbm>> -> memref<65536xf32, #tpu.memory_space<hbm>>
      %dma_wait3A_1588 = tpu.memref_slice %arg6[%mul3A_4] : memref<1048576xf32, #tpu.memory_space<vmem_shared>> -> memref<65536xf32, #tpu.memory_space<vmem_shared>>
      tpu.wait_dma2 semaphore(%run_scoped3A : memref<!tpu.dma_semaphore, #tpu.memory_space<semaphore_mem>>) src(%dma_wait3A_1588 : memref<65536xf32, #tpu.memory_space<vmem_shared>>) dst(%dma_wait3A : memref<65536xf32, #tpu.memory_space<hbm>>)
      tpu.yield
    }) : () -> ()
    "tpu.region"() ({
      %run_scoped3A = tpu.sem_alloc : memref<!tpu.dma_semaphore, #tpu.memory_space<semaphore_mem>>
      %dma_start3A = arith.constant 0 : i32
      %dma_start3A_1587 = tpu.memref_slice %arg6[%dma_start3A] : memref<1048576xf32, #tpu.memory_space<vmem_shared>> -> memref<1048576xf32, #tpu.memory_space<vmem_shared>>
      tpu.enqueue_indirect_dma source(%arg11 : memref<128xf32, #tpu.memory_space<vmem>>) target(%dma_start3A_1587 : memref<1048576xf32, #tpu.memory_space<vmem_shared>>) offsets(%arg8 : memref<128xi32, #tpu.memory_space<vmem>>) semaphore(%run_scoped3A : memref<!tpu.dma_semaphore, #tpu.memory_space<semaphore_mem>>)
      %dma_wait3A = arith.constant 0 : i32
      %dma_wait3A_1588 = tpu.memref_slice %arg6[%dma_wait3A] : memref<1048576xf32, #tpu.memory_space<vmem_shared>> -> memref<1048576xf32, #tpu.memory_space<vmem_shared>>
      tpu.wait_indirect_dma semaphore(%run_scoped3A : memref<!tpu.dma_semaphore, #tpu.memory_space<semaphore_mem>>) src(%arg11 : memref<128xf32, #tpu.memory_space<vmem>>) dst(%dma_wait3A_1588 : memref<1048576xf32, #tpu.memory_space<vmem_shared>>)
      tpu.yield
    }) : () -> ()
    "tpu.region"() ({
      %run_scoped3A = tpu.sem_alloc : memref<!tpu.dma_semaphore, #tpu.memory_space<semaphore_mem>>
      %dma_start3A = arith.constant 0 : i32
      %dma_start3A_1587 = tpu.memref_slice %arg6[%dma_start3A] : memref<1048576xf32, #tpu.memory_space<vmem_shared>> -> memref<1048576xf32, #tpu.memory_space<vmem_shared>>
      tpu.enqueue_indirect_dma source(%arg11 : memref<128xf32, #tpu.memory_space<vmem>>) target(%dma_start3A_1587 : memref<1048576xf32, #tpu.memory_space<vmem_shared>>) offsets(%arg9 : memref<128xi32, #tpu.memory_space<vmem>>) semaphore(%run_scoped3A : memref<!tpu.dma_semaphore, #tpu.memory_space<semaphore_mem>>)
      %dma_wait3A = arith.constant 0 : i32
      %dma_wait3A_1588 = tpu.memref_slice %arg6[%dma_wait3A] : memref<1048576xf32, #tpu.memory_space<vmem_shared>> -> memref<1048576xf32, #tpu.memory_space<vmem_shared>>
      tpu.wait_indirect_dma semaphore(%run_scoped3A : memref<!tpu.dma_semaphore, #tpu.memory_space<semaphore_mem>>) src(%arg11 : memref<128xf32, #tpu.memory_space<vmem>>) dst(%dma_wait3A_1588 : memref<1048576xf32, #tpu.memory_space<vmem_shared>>)
      tpu.yield
    }) : () -> ()
    %add3A_201 = arith.constant 16 : i32
    %add3A_202 = arith.addi %mul3A_2, %add3A_201 : i32
    %mul3A_203 = arith.constant 16 : i32
    %mul3A_204 = arith.muli %add3A_202, %mul3A_203 : i32
    "tpu.region"() ({
      %run_scoped3A = tpu.sem_alloc : memref<!tpu.dma_semaphore, #tpu.memory_space<semaphore_mem>>
      %dma_start3A = tpu.memref_slice %arg2[%mul3A_204] : memref<65536xi32, #tpu.memory_space<hbm>> -> memref<256xi32, #tpu.memory_space<hbm>>
      %dma_start3A_1587 = tpu.memref_slice %arg2[%mul3A_204] : memref<65536xi32, #tpu.memory_space<hbm>> -> memref<256xi32, #tpu.memory_space<hbm>>
      tpu.enqueue_dma source(%dma_start3A_1587 : memref<256xi32, #tpu.memory_space<hbm>>) target(%arg7 : memref<256xi32, #tpu.memory_space<vmem>>) target_semaphore(%run_scoped3A : memref<!tpu.dma_semaphore, #tpu.memory_space<semaphore_mem>>)
      %dma_wait3A = tpu.memref_slice %arg2[%mul3A_204] : memref<65536xi32, #tpu.memory_space<hbm>> -> memref<256xi32, #tpu.memory_space<hbm>>
      %dma_wait3A_1588 = tpu.memref_slice %arg2[%mul3A_204] : memref<65536xi32, #tpu.memory_space<hbm>> -> memref<256xi32, #tpu.memory_space<hbm>>
      tpu.wait_dma2 semaphore(%run_scoped3A : memref<!tpu.dma_semaphore, #tpu.memory_space<semaphore_mem>>) src(%dma_wait3A_1588 : memref<256xi32, #tpu.memory_space<hbm>>) dst(%arg7 : memref<256xi32, #tpu.memory_space<vmem>>)
      tpu.yield
    }) : () -> ()
    %get3A_205 = arith.constant 0 : index
    %get3A_206 = tpu.vector_load %arg7[%get3A_205] {strides = array<i32>} : memref<256xi32, #tpu.memory_space<vmem>>, vector<16xi32>,
    %get3A_207 = vector.shape_cast %get3A_206 : vector<16xi32> to vector<16xi32>
    %add3A_208 = arith.constant 0 : i32
    %add3A_209 = vector.broadcast %add3A_208 : i32 to vector<16xi32>
    %add3A_210 = arith.addi %get3A_207, %add3A_209 : vector<16xi32>
    %add3A_211 = vector.broadcast %mul3A_4 : i32 to vector<16xi32>
    %add3A_212 = arith.addi %add3A_210, %add3A_211 : vector<16xi32>
    %swap3A_213 = arith.constant 0 : index
    %swap3A_214 = tpu.vector_load %arg8[%swap3A_213] {strides = array<i32>} : memref<128xi32, #tpu.memory_space<vmem>>, vector<16xi32>,
    %swap3A_215 = vector.shape_cast %swap3A_214 : vector<16xi32> to vector<16xi32>
    %swap3A_216 = vector.shape_cast %add3A_212 : vector<16xi32> to vector<16xi32>
    tpu.vector_store %arg8[%swap3A_213], %swap3A_216 {strides = array<i32>} : memref<128xi32, #tpu.memory_space<vmem>>, vector<16xi32>,
    %get3A_217 = arith.constant 16 : index
    %get3A_218 = tpu.vector_load %arg7[%get3A_217] {strides = array<i32>} : memref<256xi32, #tpu.memory_space<vmem>>, vector<16xi32>,
    %get3A_219 = vector.shape_cast %get3A_218 : vector<16xi32> to vector<16xi32>
    %add3A_220 = arith.constant 4096 : i32
    %add3A_221 = vector.broadcast %add3A_220 : i32 to vector<16xi32>
    %add3A_222 = arith.addi %get3A_219, %add3A_221 : vector<16xi32>
    %add3A_223 = vector.broadcast %mul3A_4 : i32 to vector<16xi32>
    %add3A_224 = arith.addi %add3A_222, %add3A_223 : vector<16xi32>
    %swap3A_225 = arith.constant 16 : index
    %swap3A_226 = tpu.vector_load %arg8[%swap3A_225] {strides = array<i32>} : memref<128xi32, #tpu.memory_space<vmem>>, vector<16xi32>,
    %swap3A_227 = vector.shape_cast %swap3A_226 : vector<16xi32> to vector<16xi32>
    %swap3A_228 = vector.shape_cast %add3A_224 : vector<16xi32> to vector<16xi32>
    tpu.vector_store %arg8[%swap3A_225], %swap3A_228 {strides = array<i32>} : memref<128xi32, #tpu.memory_space<vmem>>, vector<16xi32>,
    %get3A_229 = arith.constant 32 : index
    %get3A_230 = tpu.vector_load %arg7[%get3A_229] {strides = array<i32>} : memref<256xi32, #tpu.memory_space<vmem>>, vector<16xi32>,
    %get3A_231 = vector.shape_cast %get3A_230 : vector<16xi32> to vector<16xi32>
    %add3A_232 = arith.constant 8192 : i32
    %add3A_233 = vector.broadcast %add3A_232 : i32 to vector<16xi32>
    %add3A_234 = arith.addi %get3A_231, %add3A_233 : vector<16xi32>
    %add3A_235 = vector.broadcast %mul3A_4 : i32 to vector<16xi32>
    %add3A_236 = arith.addi %add3A_234, %add3A_235 : vector<16xi32>
    %swap3A_237 = arith.constant 32 : index
    %swap3A_238 = tpu.vector_load %arg8[%swap3A_237] {strides = array<i32>} : memref<128xi32, #tpu.memory_space<vmem>>, vector<16xi32>,
    %swap3A_239 = vector.shape_cast %swap3A_238 : vector<16xi32> to vector<16xi32>
    %swap3A_240 = vector.shape_cast %add3A_236 : vector<16xi32> to vector<16xi32>
    tpu.vector_store %arg8[%swap3A_237], %swap3A_240 {strides = array<i32>} : memref<128xi32, #tpu.memory_space<vmem>>, vector<16xi32>,
    %get3A_241 = arith.constant 48 : index
    %get3A_242 = tpu.vector_load %arg7[%get3A_241] {strides = array<i32>} : memref<256xi32, #tpu.memory_space<vmem>>, vector<16xi32>,
    %get3A_243 = vector.shape_cast %get3A_242 : vector<16xi32> to vector<16xi32>
    %add3A_244 = arith.constant 12288 : i32
    %add3A_245 = vector.broadcast %add3A_244 : i32 to vector<16xi32>
    %add3A_246 = arith.addi %get3A_243, %add3A_245 : vector<16xi32>
    %add3A_247 = vector.broadcast %mul3A_4 : i32 to vector<16xi32>
    %add3A_248 = arith.addi %add3A_246, %add3A_247 : vector<16xi32>
    %swap3A_249 = arith.constant 48 : index
    %swap3A_250 = tpu.vector_load %arg8[%swap3A_249] {strides = array<i32>} : memref<128xi32, #tpu.memory_space<vmem>>, vector<16xi32>,
    %swap3A_251 = vector.shape_cast %swap3A_250 : vector<16xi32> to vector<16xi32>
    %swap3A_252 = vector.shape_cast %add3A_248 : vector<16xi32> to vector<16xi32>
    tpu.vector_store %arg8[%swap3A_249], %swap3A_252 {strides = array<i32>} : memref<128xi32, #tpu.memory_space<vmem>>, vector<16xi32>,
    %get3A_253 = arith.constant 64 : index
    %get3A_254 = tpu.vector_load %arg7[%get3A_253] {strides = array<i32>} : memref<256xi32, #tpu.memory_space<vmem>>, vector<16xi32>,
    %get3A_255 = vector.shape_cast %get3A_254 : vector<16xi32> to vector<16xi32>
    %add3A_256 = arith.constant 16384 : i32
    %add3A_257 = vector.broadcast %add3A_256 : i32 to vector<16xi32>
    %add3A_258 = arith.addi %get3A_255, %add3A_257 : vector<16xi32>
    %add3A_259 = vector.broadcast %mul3A_4 : i32 to vector<16xi32>
    %add3A_260 = arith.addi %add3A_258, %add3A_259 : vector<16xi32>
    %swap3A_261 = arith.constant 64 : index
    %swap3A_262 = tpu.vector_load %arg8[%swap3A_261] {strides = array<i32>} : memref<128xi32, #tpu.memory_space<vmem>>, vector<16xi32>,
    %swap3A_263 = vector.shape_cast %swap3A_262 : vector<16xi32> to vector<16xi32>
    %swap3A_264 = vector.shape_cast %add3A_260 : vector<16xi32> to vector<16xi32>
    tpu.vector_store %arg8[%swap3A_261], %swap3A_264 {strides = array<i32>} : memref<128xi32, #tpu.memory_space<vmem>>, vector<16xi32>,
    %get3A_265 = arith.constant 80 : index
    %get3A_266 = tpu.vector_load %arg7[%get3A_265] {strides = array<i32>} : memref<256xi32, #tpu.memory_space<vmem>>, vector<16xi32>,
    %get3A_267 = vector.shape_cast %get3A_266 : vector<16xi32> to vector<16xi32>
    %add3A_268 = arith.constant 20480 : i32
    %add3A_269 = vector.broadcast %add3A_268 : i32 to vector<16xi32>
    %add3A_270 = arith.addi %get3A_267, %add3A_269 : vector<16xi32>
    %add3A_271 = vector.broadcast %mul3A_4 : i32 to vector<16xi32>
    %add3A_272 = arith.addi %add3A_270, %add3A_271 : vector<16xi32>
    %swap3A_273 = arith.constant 80 : index
    %swap3A_274 = tpu.vector_load %arg8[%swap3A_273] {strides = array<i32>} : memref<128xi32, #tpu.memory_space<vmem>>, vector<16xi32>,
    %swap3A_275 = vector.shape_cast %swap3A_274 : vector<16xi32> to vector<16xi32>
    %swap3A_276 = vector.shape_cast %add3A_272 : vector<16xi32> to vector<16xi32>
    tpu.vector_store %arg8[%swap3A_273], %swap3A_276 {strides = array<i32>} : memref<128xi32, #tpu.memory_space<vmem>>, vector<16xi32>,
    %get3A_277 = arith.constant 96 : index
    %get3A_278 = tpu.vector_load %arg7[%get3A_277] {strides = array<i32>} : memref<256xi32, #tpu.memory_space<vmem>>, vector<16xi32>,
    %get3A_279 = vector.shape_cast %get3A_278 : vector<16xi32> to vector<16xi32>
    %add3A_280 = arith.constant 24576 : i32
    %add3A_281 = vector.broadcast %add3A_280 : i32 to vector<16xi32>
    %add3A_282 = arith.addi %get3A_279, %add3A_281 : vector<16xi32>
    %add3A_283 = vector.broadcast %mul3A_4 : i32 to vector<16xi32>
    %add3A_284 = arith.addi %add3A_282, %add3A_283 : vector<16xi32>
    %swap3A_285 = arith.constant 96 : index
    %swap3A_286 = tpu.vector_load %arg8[%swap3A_285] {strides = array<i32>} : memref<128xi32, #tpu.memory_space<vmem>>, vector<16xi32>,
    %swap3A_287 = vector.shape_cast %swap3A_286 : vector<16xi32> to vector<16xi32>
    %swap3A_288 = vector.shape_cast %add3A_284 : vector<16xi32> to vector<16xi32>
    tpu.vector_store %arg8[%swap3A_285], %swap3A_288 {strides = array<i32>} : memref<128xi32, #tpu.memory_space<vmem>>, vector<16xi32>,
    %get3A_289 = arith.constant 112 : index
    %get3A_290 = tpu.vector_load %arg7[%get3A_289] {strides = array<i32>} : memref<256xi32, #tpu.memory_space<vmem>>, vector<16xi32>,
    %get3A_291 = vector.shape_cast %get3A_290 : vector<16xi32> to vector<16xi32>
    %add3A_292 = arith.constant 28672 : i32
    %add3A_293 = vector.broadcast %add3A_292 : i32 to vector<16xi32>
    %add3A_294 = arith.addi %get3A_291, %add3A_293 : vector<16xi32>
    %add3A_295 = vector.broadcast %mul3A_4 : i32 to vector<16xi32>
    %add3A_296 = arith.addi %add3A_294, %add3A_295 : vector<16xi32>
    %swap3A_297 = arith.constant 112 : index
    %swap3A_298 = tpu.vector_load %arg8[%swap3A_297] {strides = array<i32>} : memref<128xi32, #tpu.memory_space<vmem>>, vector<16xi32>,
    %swap3A_299 = vector.shape_cast %swap3A_298 : vector<16xi32> to vector<16xi32>
    %swap3A_300 = vector.shape_cast %add3A_296 : vector<16xi32> to vector<16xi32>
    tpu.vector_store %arg8[%swap3A_297], %swap3A_300 {strides = array<i32>} : memref<128xi32, #tpu.memory_space<vmem>>, vector<16xi32>,
    %get3A_301 = arith.constant 128 : index
    %get3A_302 = tpu.vector_load %arg7[%get3A_301] {strides = array<i32>} : memref<256xi32, #tpu.memory_space<vmem>>, vector<16xi32>,
    %get3A_303 = vector.shape_cast %get3A_302 : vector<16xi32> to vector<16xi32>
    %add3A_304 = arith.constant 32768 : i32
    %add3A_305 = vector.broadcast %add3A_304 : i32 to vector<16xi32>
    %add3A_306 = arith.addi %get3A_303, %add3A_305 : vector<16xi32>
    %add3A_307 = vector.broadcast %mul3A_4 : i32 to vector<16xi32>
    %add3A_308 = arith.addi %add3A_306, %add3A_307 : vector<16xi32>
    %swap3A_309 = arith.constant 0 : index
    %swap3A_310 = tpu.vector_load %arg9[%swap3A_309] {strides = array<i32>} : memref<128xi32, #tpu.memory_space<vmem>>, vector<16xi32>,
    %swap3A_311 = vector.shape_cast %swap3A_310 : vector<16xi32> to vector<16xi32>
    %swap3A_312 = vector.shape_cast %add3A_308 : vector<16xi32> to vector<16xi32>
    tpu.vector_store %arg9[%swap3A_309], %swap3A_312 {strides = array<i32>} : memref<128xi32, #tpu.memory_space<vmem>>, vector<16xi32>,
    %get3A_313 = arith.constant 144 : index
    %get3A_314 = tpu.vector_load %arg7[%get3A_313] {strides = array<i32>} : memref<256xi32, #tpu.memory_space<vmem>>, vector<16xi32>,
    %get3A_315 = vector.shape_cast %get3A_314 : vector<16xi32> to vector<16xi32>
    %add3A_316 = arith.constant 36864 : i32
    %add3A_317 = vector.broadcast %add3A_316 : i32 to vector<16xi32>
    %add3A_318 = arith.addi %get3A_315, %add3A_317 : vector<16xi32>
    %add3A_319 = vector.broadcast %mul3A_4 : i32 to vector<16xi32>
    %add3A_320 = arith.addi %add3A_318, %add3A_319 : vector<16xi32>
    %swap3A_321 = arith.constant 16 : index
    %swap3A_322 = tpu.vector_load %arg9[%swap3A_321] {strides = array<i32>} : memref<128xi32, #tpu.memory_space<vmem>>, vector<16xi32>,
    %swap3A_323 = vector.shape_cast %swap3A_322 : vector<16xi32> to vector<16xi32>
    %swap3A_324 = vector.shape_cast %add3A_320 : vector<16xi32> to vector<16xi32>
    tpu.vector_store %arg9[%swap3A_321], %swap3A_324 {strides = array<i32>} : memref<128xi32, #tpu.memory_space<vmem>>, vector<16xi32>,
    %get3A_325 = arith.constant 160 : index
    %get3A_326 = tpu.vector_load %arg7[%get3A_325] {strides = array<i32>} : memref<256xi32, #tpu.memory_space<vmem>>, vector<16xi32>,
    %get3A_327 = vector.shape_cast %get3A_326 : vector<16xi32> to vector<16xi32>
    %add3A_328 = arith.constant 40960 : i32
    %add3A_329 = vector.broadcast %add3A_328 : i32 to vector<16xi32>
    %add3A_330 = arith.addi %get3A_327, %add3A_329 : vector<16xi32>
    %add3A_331 = vector.broadcast %mul3A_4 : i32 to vector<16xi32>
    %add3A_332 = arith.addi %add3A_330, %add3A_331 : vector<16xi32>
    %swap3A_333 = arith.constant 32 : index
    %swap3A_334 = tpu.vector_load %arg9[%swap3A_333] {strides = array<i32>} : memref<128xi32, #tpu.memory_space<vmem>>, vector<16xi32>,
    %swap3A_335 = vector.shape_cast %swap3A_334 : vector<16xi32> to vector<16xi32>
    %swap3A_336 = vector.shape_cast %add3A_332 : vector<16xi32> to vector<16xi32>
    tpu.vector_store %arg9[%swap3A_333], %swap3A_336 {strides = array<i32>} : memref<128xi32, #tpu.memory_space<vmem>>, vector<16xi32>,
    %get3A_337 = arith.constant 176 : index
    %get3A_338 = tpu.vector_load %arg7[%get3A_337] {strides = array<i32>} : memref<256xi32, #tpu.memory_space<vmem>>, vector<16xi32>,
    %get3A_339 = vector.shape_cast %get3A_338 : vector<16xi32> to vector<16xi32>
    %add3A_340 = arith.constant 45056 : i32
    %add3A_341 = vector.broadcast %add3A_340 : i32 to vector<16xi32>
    %add3A_342 = arith.addi %get3A_339, %add3A_341 : vector<16xi32>
    %add3A_343 = vector.broadcast %mul3A_4 : i32 to vector<16xi32>
    %add3A_344 = arith.addi %add3A_342, %add3A_343 : vector<16xi32>
    %swap3A_345 = arith.constant 48 : index
    %swap3A_346 = tpu.vector_load %arg9[%swap3A_345] {strides = array<i32>} : memref<128xi32, #tpu.memory_space<vmem>>, vector<16xi32>,
    %swap3A_347 = vector.shape_cast %swap3A_346 : vector<16xi32> to vector<16xi32>
    %swap3A_348 = vector.shape_cast %add3A_344 : vector<16xi32> to vector<16xi32>
    tpu.vector_store %arg9[%swap3A_345], %swap3A_348 {strides = array<i32>} : memref<128xi32, #tpu.memory_space<vmem>>, vector<16xi32>,
    %get3A_349 = arith.constant 192 : index
    %get3A_350 = tpu.vector_load %arg7[%get3A_349] {strides = array<i32>} : memref<256xi32, #tpu.memory_space<vmem>>, vector<16xi32>,
    %get3A_351 = vector.shape_cast %get3A_350 : vector<16xi32> to vector<16xi32>
    %add3A_352 = arith.constant 49152 : i32
    %add3A_353 = vector.broadcast %add3A_352 : i32 to vector<16xi32>
    %add3A_354 = arith.addi %get3A_351, %add3A_353 : vector<16xi32>
    %add3A_355 = vector.broadcast %mul3A_4 : i32 to vector<16xi32>
    %add3A_356 = arith.addi %add3A_354, %add3A_355 : vector<16xi32>
    %swap3A_357 = arith.constant 64 : index
    %swap3A_358 = tpu.vector_load %arg9[%swap3A_357] {strides = array<i32>} : memref<128xi32, #tpu.memory_space<vmem>>, vector<16xi32>,
    %swap3A_359 = vector.shape_cast %swap3A_358 : vector<16xi32> to vector<16xi32>
    %swap3A_360 = vector.shape_cast %add3A_356 : vector<16xi32> to vector<16xi32>
    tpu.vector_store %arg9[%swap3A_357], %swap3A_360 {strides = array<i32>} : memref<128xi32, #tpu.memory_space<vmem>>, vector<16xi32>,
    %get3A_361 = arith.constant 208 : index
    %get3A_362 = tpu.vector_load %arg7[%get3A_361] {strides = array<i32>} : memref<256xi32, #tpu.memory_space<vmem>>, vector<16xi32>,
    %get3A_363 = vector.shape_cast %get3A_362 : vector<16xi32> to vector<16xi32>
    %add3A_364 = arith.constant 53248 : i32
    %add3A_365 = vector.broadcast %add3A_364 : i32 to vector<16xi32>
    %add3A_366 = arith.addi %get3A_363, %add3A_365 : vector<16xi32>
    %add3A_367 = vector.broadcast %mul3A_4 : i32 to vector<16xi32>
    %add3A_368 = arith.addi %add3A_366, %add3A_367 : vector<16xi32>
    %swap3A_369 = arith.constant 80 : index
    %swap3A_370 = tpu.vector_load %arg9[%swap3A_369] {strides = array<i32>} : memref<128xi32, #tpu.memory_space<vmem>>, vector<16xi32>,
    %swap3A_371 = vector.shape_cast %swap3A_370 : vector<16xi32> to vector<16xi32>
    %swap3A_372 = vector.shape_cast %add3A_368 : vector<16xi32> to vector<16xi32>
    tpu.vector_store %arg9[%swap3A_369], %swap3A_372 {strides = array<i32>} : memref<128xi32, #tpu.memory_space<vmem>>, vector<16xi32>,
    %get3A_373 = arith.constant 224 : index
    %get3A_374 = tpu.vector_load %arg7[%get3A_373] {strides = array<i32>} : memref<256xi32, #tpu.memory_space<vmem>>, vector<16xi32>,
    %get3A_375 = vector.shape_cast %get3A_374 : vector<16xi32> to vector<16xi32>
    %add3A_376 = arith.constant 57344 : i32
    %add3A_377 = vector.broadcast %add3A_376 : i32 to vector<16xi32>
    %add3A_378 = arith.addi %get3A_375, %add3A_377 : vector<16xi32>
    %add3A_379 = vector.broadcast %mul3A_4 : i32 to vector<16xi32>
    %add3A_380 = arith.addi %add3A_378, %add3A_379 : vector<16xi32>
    %swap3A_381 = arith.constant 96 : index
    %swap3A_382 = tpu.vector_load %arg9[%swap3A_381] {strides = array<i32>} : memref<128xi32, #tpu.memory_space<vmem>>, vector<16xi32>,
    %swap3A_383 = vector.shape_cast %swap3A_382 : vector<16xi32> to vector<16xi32>
    %swap3A_384 = vector.shape_cast %add3A_380 : vector<16xi32> to vector<16xi32>
    tpu.vector_store %arg9[%swap3A_381], %swap3A_384 {strides = array<i32>} : memref<128xi32, #tpu.memory_space<vmem>>, vector<16xi32>,
    %get3A_385 = arith.constant 240 : index
    %get3A_386 = tpu.vector_load %arg7[%get3A_385] {strides = array<i32>} : memref<256xi32, #tpu.memory_space<vmem>>, vector<16xi32>,
    %get3A_387 = vector.shape_cast %get3A_386 : vector<16xi32> to vector<16xi32>
    %add3A_388 = arith.constant 61440 : i32
    %add3A_389 = vector.broadcast %add3A_388 : i32 to vector<16xi32>
    %add3A_390 = arith.addi %get3A_387, %add3A_389 : vector<16xi32>
    %add3A_391 = vector.broadcast %mul3A_4 : i32 to vector<16xi32>
    %add3A_392 = arith.addi %add3A_390, %add3A_391 : vector<16xi32>
    %swap3A_393 = arith.constant 112 : index
    %swap3A_394 = tpu.vector_load %arg9[%swap3A_393] {strides = array<i32>} : memref<128xi32, #tpu.memory_space<vmem>>, vector<16xi32>,
    %swap3A_395 = vector.shape_cast %swap3A_394 : vector<16xi32> to vector<16xi32>
    %swap3A_396 = vector.shape_cast %add3A_392 : vector<16xi32> to vector<16xi32>
    tpu.vector_store %arg9[%swap3A_393], %swap3A_396 {strides = array<i32>} : memref<128xi32, #tpu.memory_space<vmem>>, vector<16xi32>,
    "tpu.region"() ({
      %run_scoped3A = tpu.sem_alloc : memref<!tpu.dma_semaphore, #tpu.memory_space<semaphore_mem>>
      %dma_start3A = arith.constant 0 : i32
      %dma_start3A_1587 = tpu.memref_slice %arg6[%dma_start3A] : memref<1048576xf32, #tpu.memory_space<vmem_shared>> -> memref<1048576xf32, #tpu.memory_space<vmem_shared>>
      tpu.enqueue_indirect_dma source(%arg10 : memref<128xf32, #tpu.memory_space<vmem>>) target(%dma_start3A_1587 : memref<1048576xf32, #tpu.memory_space<vmem_shared>>) offsets(%arg8 : memref<128xi32, #tpu.memory_space<vmem>>) semaphore(%run_scoped3A : memref<!tpu.dma_semaphore, #tpu.memory_space<semaphore_mem>>)
      %dma_wait3A = arith.constant 0 : i32
      %dma_wait3A_1588 = tpu.memref_slice %arg6[%dma_wait3A] : memref<1048576xf32, #tpu.memory_space<vmem_shared>> -> memref<1048576xf32, #tpu.memory_space<vmem_shared>>
      tpu.wait_indirect_dma semaphore(%run_scoped3A : memref<!tpu.dma_semaphore, #tpu.memory_space<semaphore_mem>>) src(%arg10 : memref<128xf32, #tpu.memory_space<vmem>>) dst(%dma_wait3A_1588 : memref<1048576xf32, #tpu.memory_space<vmem_shared>>)
      tpu.yield
    }) : () -> ()
    "tpu.region"() ({
      %run_scoped3A = tpu.sem_alloc : memref<!tpu.dma_semaphore, #tpu.memory_space<semaphore_mem>>
      %dma_start3A = arith.constant 0 : i32
      %dma_start3A_1587 = tpu.memref_slice %arg6[%dma_start3A] : memref<1048576xf32, #tpu.memory_space<vmem_shared>> -> memref<1048576xf32, #tpu.memory_space<vmem_shared>>
      tpu.enqueue_indirect_dma source(%arg10 : memref<128xf32, #tpu.memory_space<vmem>>) target(%dma_start3A_1587 : memref<1048576xf32, #tpu.memory_space<vmem_shared>>) offsets(%arg9 : memref<128xi32, #tpu.memory_space<vmem>>) semaphore(%run_scoped3A : memref<!tpu.dma_semaphore, #tpu.memory_space<semaphore_mem>>)
      %dma_wait3A = arith.constant 0 : i32
      %dma_wait3A_1588 = tpu.memref_slice %arg6[%dma_wait3A] : memref<1048576xf32, #tpu.memory_space<vmem_shared>> -> memref<1048576xf32, #tpu.memory_space<vmem_shared>>
      tpu.wait_indirect_dma semaphore(%run_scoped3A : memref<!tpu.dma_semaphore, #tpu.memory_space<semaphore_mem>>) src(%arg10 : memref<128xf32, #tpu.memory_space<vmem>>) dst(%dma_wait3A_1588 : memref<1048576xf32, #tpu.memory_space<vmem_shared>>)
      tpu.yield
    }) : () -> ()
    %mul3A_397 = arith.constant 4096 : i32
    %mul3A_398 = arith.muli %add3A_202, %mul3A_397 : i32
    "tpu.region"() ({
      %run_scoped3A = tpu.sem_alloc : memref<!tpu.dma_semaphore, #tpu.memory_space<semaphore_mem>>
      %dma_start3A = tpu.memref_slice %arg5[%mul3A_398] : memref<16777216xf32, #tpu.memory_space<hbm>> -> memref<65536xf32, #tpu.memory_space<hbm>>
      %dma_start3A_1587 = tpu.memref_slice %arg6[%mul3A_4] : memref<1048576xf32, #tpu.memory_space<vmem_shared>> -> memref<65536xf32, #tpu.memory_space<vmem_shared>>
      tpu.enqueue_dma source(%dma_start3A_1587 : memref<65536xf32, #tpu.memory_space<vmem_shared>>) target(%dma_start3A : memref<65536xf32, #tpu.memory_space<hbm>>) target_semaphore(%run_scoped3A : memref<!tpu.dma_semaphore, #tpu.memory_space<semaphore_mem>>)
      %dma_wait3A = tpu.memref_slice %arg5[%mul3A_398] : memref<16777216xf32, #tpu.memory_space<hbm>> -> memref<65536xf32, #tpu.memory_space<hbm>>
      %dma_wait3A_1588 = tpu.memref_slice %arg6[%mul3A_4] : memref<1048576xf32, #tpu.memory_space<vmem_shared>> -> memref<65536xf32, #tpu.memory_space<vmem_shared>>
      tpu.wait_dma2 semaphore(%run_scoped3A : memref<!tpu.dma_semaphore, #tpu.memory_space<semaphore_mem>>) src(%dma_wait3A_1588 : memref<65536xf32, #tpu.memory_space<vmem_shared>>) dst(%dma_wait3A : memref<65536xf32, #tpu.memory_space<hbm>>)
      tpu.yield
    }) : () -> ()
    "tpu.region"() ({
      %run_scoped3A = tpu.sem_alloc : memref<!tpu.dma_semaphore, #tpu.memory_space<semaphore_mem>>
      %dma_start3A = arith.constant 0 : i32
      %dma_start3A_1587 = tpu.memref_slice %arg6[%dma_start3A] : memref<1048576xf32, #tpu.memory_space<vmem_shared>> -> memref<1048576xf32, #tpu.memory_space<vmem_shared>>
      tpu.enqueue_indirect_dma source(%arg11 : memref<128xf32, #tpu.memory_space<vmem>>) target(%dma_start3A_1587 : memref<1048576xf32, #tpu.memory_space<vmem_shared>>) offsets(%arg8 : memref<128xi32, #tpu.memory_space<vmem>>) semaphore(%run_scoped3A : memref<!tpu.dma_semaphore, #tpu.memory_space<semaphore_mem>>)
      %dma_wait3A = arith.constant 0 : i32
      %dma_wait3A_1588 = tpu.memref_slice %arg6[%dma_wait3A] : memref<1048576xf32, #tpu.memory_space<vmem_shared>> -> memref<1048576xf32, #tpu.memory_space<vmem_shared>>
      tpu.wait_indirect_dma semaphore(%run_scoped3A : memref<!tpu.dma_semaphore, #tpu.memory_space<semaphore_mem>>) src(%arg11 : memref<128xf32, #tpu.memory_space<vmem>>) dst(%dma_wait3A_1588 : memref<1048576xf32, #tpu.memory_space<vmem_shared>>)
      tpu.yield
    }) : () -> ()
    "tpu.region"() ({
      %run_scoped3A = tpu.sem_alloc : memref<!tpu.dma_semaphore, #tpu.memory_space<semaphore_mem>>
      %dma_start3A = arith.constant 0 : i32
      %dma_start3A_1587 = tpu.memref_slice %arg6[%dma_start3A] : memref<1048576xf32, #tpu.memory_space<vmem_shared>> -> memref<1048576xf32, #tpu.memory_space<vmem_shared>>
      tpu.enqueue_indirect_dma source(%arg11 : memref<128xf32, #tpu.memory_space<vmem>>) target(%dma_start3A_1587 : memref<1048576xf32, #tpu.memory_space<vmem_shared>>) offsets(%arg9 : memref<128xi32, #tpu.memory_space<vmem>>) semaphore(%run_scoped3A : memref<!tpu.dma_semaphore, #tpu.memory_space<semaphore_mem>>)
      %dma_wait3A = arith.constant 0 : i32
      %dma_wait3A_1588 = tpu.memref_slice %arg6[%dma_wait3A] : memref<1048576xf32, #tpu.memory_space<vmem_shared>> -> memref<1048576xf32, #tpu.memory_space<vmem_shared>>
      tpu.wait_indirect_dma semaphore(%run_scoped3A : memref<!tpu.dma_semaphore, #tpu.memory_space<semaphore_mem>>) src(%arg11 : memref<128xf32, #tpu.memory_space<vmem>>) dst(%dma_wait3A_1588 : memref<1048576xf32, #tpu.memory_space<vmem_shared>>)
      tpu.yield
    }) : () -> ()
    %add3A_399 = arith.constant 32 : i32
    %add3A_400 = arith.addi %mul3A_2, %add3A_399 : i32
    %mul3A_401 = arith.constant 16 : i32
    %mul3A_402 = arith.muli %add3A_400, %mul3A_401 : i32
    "tpu.region"() ({
      %run_scoped3A = tpu.sem_alloc : memref<!tpu.dma_semaphore, #tpu.memory_space<semaphore_mem>>
      %dma_start3A = tpu.memref_slice %arg2[%mul3A_402] : memref<65536xi32, #tpu.memory_space<hbm>> -> memref<256xi32, #tpu.memory_space<hbm>>
      %dma_start3A_1587 = tpu.memref_slice %arg2[%mul3A_402] : memref<65536xi32, #tpu.memory_space<hbm>> -> memref<256xi32, #tpu.memory_space<hbm>>
      tpu.enqueue_dma source(%dma_start3A_1587 : memref<256xi32, #tpu.memory_space<hbm>>) target(%arg7 : memref<256xi32, #tpu.memory_space<vmem>>) target_semaphore(%run_scoped3A : memref<!tpu.dma_semaphore, #tpu.memory_space<semaphore_mem>>)
      %dma_wait3A = tpu.memref_slice %arg2[%mul3A_402] : memref<65536xi32, #tpu.memory_space<hbm>> -> memref<256xi32, #tpu.memory_space<hbm>>
      %dma_wait3A_1588 = tpu.memref_slice %arg2[%mul3A_402] : memref<65536xi32, #tpu.memory_space<hbm>> -> memref<256xi32, #tpu.memory_space<hbm>>
      tpu.wait_dma2 semaphore(%run_scoped3A : memref<!tpu.dma_semaphore, #tpu.memory_space<semaphore_mem>>) src(%dma_wait3A_1588 : memref<256xi32, #tpu.memory_space<hbm>>) dst(%arg7 : memref<256xi32, #tpu.memory_space<vmem>>)
      tpu.yield
    }) : () -> ()
    %get3A_403 = arith.constant 0 : index
    %get3A_404 = tpu.vector_load %arg7[%get3A_403] {strides = array<i32>} : memref<256xi32, #tpu.memory_space<vmem>>, vector<16xi32>,
    %get3A_405 = vector.shape_cast %get3A_404 : vector<16xi32> to vector<16xi32>
    %add3A_406 = arith.constant 0 : i32
    %add3A_407 = vector.broadcast %add3A_406 : i32 to vector<16xi32>
    %add3A_408 = arith.addi %get3A_405, %add3A_407 : vector<16xi32>
    %add3A_409 = vector.broadcast %mul3A_4 : i32 to vector<16xi32>
    %add3A_410 = arith.addi %add3A_408, %add3A_409 : vector<16xi32>
    %swap3A_411 = arith.constant 0 : index
    %swap3A_412 = tpu.vector_load %arg8[%swap3A_411] {strides = array<i32>} : memref<128xi32, #tpu.memory_space<vmem>>, vector<16xi32>,
    %swap3A_413 = vector.shape_cast %swap3A_412 : vector<16xi32> to vector<16xi32>
    %swap3A_414 = vector.shape_cast %add3A_410 : vector<16xi32> to vector<16xi32>
    tpu.vector_store %arg8[%swap3A_411], %swap3A_414 {strides = array<i32>} : memref<128xi32, #tpu.memory_space<vmem>>, vector<16xi32>,
    %get3A_415 = arith.constant 16 : index
    %get3A_416 = tpu.vector_load %arg7[%get3A_415] {strides = array<i32>} : memref<256xi32, #tpu.memory_space<vmem>>, vector<16xi32>,
    %get3A_417 = vector.shape_cast %get3A_416 : vector<16xi32> to vector<16xi32>
    %add3A_418 = arith.constant 4096 : i32
    %add3A_419 = vector.broadcast %add3A_418 : i32 to vector<16xi32>
    %add3A_420 = arith.addi %get3A_417, %add3A_419 : vector<16xi32>
    %add3A_421 = vector.broadcast %mul3A_4 : i32 to vector<16xi32>
    %add3A_422 = arith.addi %add3A_420, %add3A_421 : vector<16xi32>
    %swap3A_423 = arith.constant 16 : index
    %swap3A_424 = tpu.vector_load %arg8[%swap3A_423] {strides = array<i32>} : memref<128xi32, #tpu.memory_space<vmem>>, vector<16xi32>,
    %swap3A_425 = vector.shape_cast %swap3A_424 : vector<16xi32> to vector<16xi32>
    %swap3A_426 = vector.shape_cast %add3A_422 : vector<16xi32> to vector<16xi32>
    tpu.vector_store %arg8[%swap3A_423], %swap3A_426 {strides = array<i32>} : memref<128xi32, #tpu.memory_space<vmem>>, vector<16xi32>,
    %get3A_427 = arith.constant 32 : index
    %get3A_428 = tpu.vector_load %arg7[%get3A_427] {strides = array<i32>} : memref<256xi32, #tpu.memory_space<vmem>>, vector<16xi32>,
    %get3A_429 = vector.shape_cast %get3A_428 : vector<16xi32> to vector<16xi32>
    %add3A_430 = arith.constant 8192 : i32
    %add3A_431 = vector.broadcast %add3A_430 : i32 to vector<16xi32>
    %add3A_432 = arith.addi %get3A_429, %add3A_431 : vector<16xi32>
    %add3A_433 = vector.broadcast %mul3A_4 : i32 to vector<16xi32>
    %add3A_434 = arith.addi %add3A_432, %add3A_433 : vector<16xi32>
    %swap3A_435 = arith.constant 32 : index
    %swap3A_436 = tpu.vector_load %arg8[%swap3A_435] {strides = array<i32>} : memref<128xi32, #tpu.memory_space<vmem>>, vector<16xi32>,
    %swap3A_437 = vector.shape_cast %swap3A_436 : vector<16xi32> to vector<16xi32>
    %swap3A_438 = vector.shape_cast %add3A_434 : vector<16xi32> to vector<16xi32>
    tpu.vector_store %arg8[%swap3A_435], %swap3A_438 {strides = array<i32>} : memref<128xi32, #tpu.memory_space<vmem>>, vector<16xi32>,
    %get3A_439 = arith.constant 48 : index
    %get3A_440 = tpu.vector_load %arg7[%get3A_439] {strides = array<i32>} : memref<256xi32, #tpu.memory_space<vmem>>, vector<16xi32>,
    %get3A_441 = vector.shape_cast %get3A_440 : vector<16xi32> to vector<16xi32>
    %add3A_442 = arith.constant 12288 : i32
    %add3A_443 = vector.broadcast %add3A_442 : i32 to vector<16xi32>
    %add3A_444 = arith.addi %get3A_441, %add3A_443 : vector<16xi32>
    %add3A_445 = vector.broadcast %mul3A_4 : i32 to vector<16xi32>
    %add3A_446 = arith.addi %add3A_444, %add3A_445 : vector<16xi32>
    %swap3A_447 = arith.constant 48 : index
    %swap3A_448 = tpu.vector_load %arg8[%swap3A_447] {strides = array<i32>} : memref<128xi32, #tpu.memory_space<vmem>>, vector<16xi32>,
    %swap3A_449 = vector.shape_cast %swap3A_448 : vector<16xi32> to vector<16xi32>
    %swap3A_450 = vector.shape_cast %add3A_446 : vector<16xi32> to vector<16xi32>
    tpu.vector_store %arg8[%swap3A_447], %swap3A_450 {strides = array<i32>} : memref<128xi32, #tpu.memory_space<vmem>>, vector<16xi32>,
    %get3A_451 = arith.constant 64 : index
    %get3A_452 = tpu.vector_load %arg7[%get3A_451] {strides = array<i32>} : memref<256xi32, #tpu.memory_space<vmem>>, vector<16xi32>,
    %get3A_453 = vector.shape_cast %get3A_452 : vector<16xi32> to vector<16xi32>
    %add3A_454 = arith.constant 16384 : i32
    %add3A_455 = vector.broadcast %add3A_454 : i32 to vector<16xi32>
    %add3A_456 = arith.addi %get3A_453, %add3A_455 : vector<16xi32>
    %add3A_457 = vector.broadcast %mul3A_4 : i32 to vector<16xi32>
    %add3A_458 = arith.addi %add3A_456, %add3A_457 : vector<16xi32>
    %swap3A_459 = arith.constant 64 : index
    %swap3A_460 = tpu.vector_load %arg8[%swap3A_459] {strides = array<i32>} : memref<128xi32, #tpu.memory_space<vmem>>, vector<16xi32>,
    %swap3A_461 = vector.shape_cast %swap3A_460 : vector<16xi32> to vector<16xi32>
    %swap3A_462 = vector.shape_cast %add3A_458 : vector<16xi32> to vector<16xi32>
    tpu.vector_store %arg8[%swap3A_459], %swap3A_462 {strides = array<i32>} : memref<128xi32, #tpu.memory_space<vmem>>, vector<16xi32>,
    %get3A_463 = arith.constant 80 : index
    %get3A_464 = tpu.vector_load %arg7[%get3A_463] {strides = array<i32>} : memref<256xi32, #tpu.memory_space<vmem>>, vector<16xi32>,
    %get3A_465 = vector.shape_cast %get3A_464 : vector<16xi32> to vector<16xi32>
    %add3A_466 = arith.constant 20480 : i32
    %add3A_467 = vector.broadcast %add3A_466 : i32 to vector<16xi32>
    %add3A_468 = arith.addi %get3A_465, %add3A_467 : vector<16xi32>
    %add3A_469 = vector.broadcast %mul3A_4 : i32 to vector<16xi32>
    %add3A_470 = arith.addi %add3A_468, %add3A_469 : vector<16xi32>
    %swap3A_471 = arith.constant 80 : index
    %swap3A_472 = tpu.vector_load %arg8[%swap3A_471] {strides = array<i32>} : memref<128xi32, #tpu.memory_space<vmem>>, vector<16xi32>,
    %swap3A_473 = vector.shape_cast %swap3A_472 : vector<16xi32> to vector<16xi32>
    %swap3A_474 = vector.shape_cast %add3A_470 : vector<16xi32> to vector<16xi32>
    tpu.vector_store %arg8[%swap3A_471], %swap3A_474 {strides = array<i32>} : memref<128xi32, #tpu.memory_space<vmem>>, vector<16xi32>,
    %get3A_475 = arith.constant 96 : index
    %get3A_476 = tpu.vector_load %arg7[%get3A_475] {strides = array<i32>} : memref<256xi32, #tpu.memory_space<vmem>>, vector<16xi32>,
    %get3A_477 = vector.shape_cast %get3A_476 : vector<16xi32> to vector<16xi32>
    %add3A_478 = arith.constant 24576 : i32
    %add3A_479 = vector.broadcast %add3A_478 : i32 to vector<16xi32>
    %add3A_480 = arith.addi %get3A_477, %add3A_479 : vector<16xi32>
    %add3A_481 = vector.broadcast %mul3A_4 : i32 to vector<16xi32>
    %add3A_482 = arith.addi %add3A_480, %add3A_481 : vector<16xi32>
    %swap3A_483 = arith.constant 96 : index
    %swap3A_484 = tpu.vector_load %arg8[%swap3A_483] {strides = array<i32>} : memref<128xi32, #tpu.memory_space<vmem>>, vector<16xi32>,
    %swap3A_485 = vector.shape_cast %swap3A_484 : vector<16xi32> to vector<16xi32>
    %swap3A_486 = vector.shape_cast %add3A_482 : vector<16xi32> to vector<16xi32>
    tpu.vector_store %arg8[%swap3A_483], %swap3A_486 {strides = array<i32>} : memref<128xi32, #tpu.memory_space<vmem>>, vector<16xi32>,
    %get3A_487 = arith.constant 112 : index
    %get3A_488 = tpu.vector_load %arg7[%get3A_487] {strides = array<i32>} : memref<256xi32, #tpu.memory_space<vmem>>, vector<16xi32>,
    %get3A_489 = vector.shape_cast %get3A_488 : vector<16xi32> to vector<16xi32>
    %add3A_490 = arith.constant 28672 : i32
    %add3A_491 = vector.broadcast %add3A_490 : i32 to vector<16xi32>
    %add3A_492 = arith.addi %get3A_489, %add3A_491 : vector<16xi32>
    %add3A_493 = vector.broadcast %mul3A_4 : i32 to vector<16xi32>
    %add3A_494 = arith.addi %add3A_492, %add3A_493 : vector<16xi32>
    %swap3A_495 = arith.constant 112 : index
    %swap3A_496 = tpu.vector_load %arg8[%swap3A_495] {strides = array<i32>} : memref<128xi32, #tpu.memory_space<vmem>>, vector<16xi32>,
    %swap3A_497 = vector.shape_cast %swap3A_496 : vector<16xi32> to vector<16xi32>
    %swap3A_498 = vector.shape_cast %add3A_494 : vector<16xi32> to vector<16xi32>
    tpu.vector_store %arg8[%swap3A_495], %swap3A_498 {strides = array<i32>} : memref<128xi32, #tpu.memory_space<vmem>>, vector<16xi32>,
    %get3A_499 = arith.constant 128 : index
    %get3A_500 = tpu.vector_load %arg7[%get3A_499] {strides = array<i32>} : memref<256xi32, #tpu.memory_space<vmem>>, vector<16xi32>,
    %get3A_501 = vector.shape_cast %get3A_500 : vector<16xi32> to vector<16xi32>
    %add3A_502 = arith.constant 32768 : i32
    %add3A_503 = vector.broadcast %add3A_502 : i32 to vector<16xi32>
    %add3A_504 = arith.addi %get3A_501, %add3A_503 : vector<16xi32>
    %add3A_505 = vector.broadcast %mul3A_4 : i32 to vector<16xi32>
    %add3A_506 = arith.addi %add3A_504, %add3A_505 : vector<16xi32>
    %swap3A_507 = arith.constant 0 : index
    %swap3A_508 = tpu.vector_load %arg9[%swap3A_507] {strides = array<i32>} : memref<128xi32, #tpu.memory_space<vmem>>, vector<16xi32>,
    %swap3A_509 = vector.shape_cast %swap3A_508 : vector<16xi32> to vector<16xi32>
    %swap3A_510 = vector.shape_cast %add3A_506 : vector<16xi32> to vector<16xi32>
    tpu.vector_store %arg9[%swap3A_507], %swap3A_510 {strides = array<i32>} : memref<128xi32, #tpu.memory_space<vmem>>, vector<16xi32>,
    %get3A_511 = arith.constant 144 : index
    %get3A_512 = tpu.vector_load %arg7[%get3A_511] {strides = array<i32>} : memref<256xi32, #tpu.memory_space<vmem>>, vector<16xi32>,
    %get3A_513 = vector.shape_cast %get3A_512 : vector<16xi32> to vector<16xi32>
    %add3A_514 = arith.constant 36864 : i32
    %add3A_515 = vector.broadcast %add3A_514 : i32 to vector<16xi32>
    %add3A_516 = arith.addi %get3A_513, %add3A_515 : vector<16xi32>
    %add3A_517 = vector.broadcast %mul3A_4 : i32 to vector<16xi32>
    %add3A_518 = arith.addi %add3A_516, %add3A_517 : vector<16xi32>
    %swap3A_519 = arith.constant 16 : index
    %swap3A_520 = tpu.vector_load %arg9[%swap3A_519] {strides = array<i32>} : memref<128xi32, #tpu.memory_space<vmem>>, vector<16xi32>,
    %swap3A_521 = vector.shape_cast %swap3A_520 : vector<16xi32> to vector<16xi32>
    %swap3A_522 = vector.shape_cast %add3A_518 : vector<16xi32> to vector<16xi32>
    tpu.vector_store %arg9[%swap3A_519], %swap3A_522 {strides = array<i32>} : memref<128xi32, #tpu.memory_space<vmem>>, vector<16xi32>,
    %get3A_523 = arith.constant 160 : index
    %get3A_524 = tpu.vector_load %arg7[%get3A_523] {strides = array<i32>} : memref<256xi32, #tpu.memory_space<vmem>>, vector<16xi32>,
    %get3A_525 = vector.shape_cast %get3A_524 : vector<16xi32> to vector<16xi32>
    %add3A_526 = arith.constant 40960 : i32
    %add3A_527 = vector.broadcast %add3A_526 : i32 to vector<16xi32>
    %add3A_528 = arith.addi %get3A_525, %add3A_527 : vector<16xi32>
    %add3A_529 = vector.broadcast %mul3A_4 : i32 to vector<16xi32>
    %add3A_530 = arith.addi %add3A_528, %add3A_529 : vector<16xi32>
    %swap3A_531 = arith.constant 32 : index
    %swap3A_532 = tpu.vector_load %arg9[%swap3A_531] {strides = array<i32>} : memref<128xi32, #tpu.memory_space<vmem>>, vector<16xi32>,
    %swap3A_533 = vector.shape_cast %swap3A_532 : vector<16xi32> to vector<16xi32>
    %swap3A_534 = vector.shape_cast %add3A_530 : vector<16xi32> to vector<16xi32>
    tpu.vector_store %arg9[%swap3A_531], %swap3A_534 {strides = array<i32>} : memref<128xi32, #tpu.memory_space<vmem>>, vector<16xi32>,
    %get3A_535 = arith.constant 176 : index
    %get3A_536 = tpu.vector_load %arg7[%get3A_535] {strides = array<i32>} : memref<256xi32, #tpu.memory_space<vmem>>, vector<16xi32>,
    %get3A_537 = vector.shape_cast %get3A_536 : vector<16xi32> to vector<16xi32>
    %add3A_538 = arith.constant 45056 : i32
    %add3A_539 = vector.broadcast %add3A_538 : i32 to vector<16xi32>
    %add3A_540 = arith.addi %get3A_537, %add3A_539 : vector<16xi32>
    %add3A_541 = vector.broadcast %mul3A_4 : i32 to vector<16xi32>
    %add3A_542 = arith.addi %add3A_540, %add3A_541 : vector<16xi32>
    %swap3A_543 = arith.constant 48 : index
    %swap3A_544 = tpu.vector_load %arg9[%swap3A_543] {strides = array<i32>} : memref<128xi32, #tpu.memory_space<vmem>>, vector<16xi32>,
    %swap3A_545 = vector.shape_cast %swap3A_544 : vector<16xi32> to vector<16xi32>
    %swap3A_546 = vector.shape_cast %add3A_542 : vector<16xi32> to vector<16xi32>
    tpu.vector_store %arg9[%swap3A_543], %swap3A_546 {strides = array<i32>} : memref<128xi32, #tpu.memory_space<vmem>>, vector<16xi32>,
    %get3A_547 = arith.constant 192 : index
    %get3A_548 = tpu.vector_load %arg7[%get3A_547] {strides = array<i32>} : memref<256xi32, #tpu.memory_space<vmem>>, vector<16xi32>,
    %get3A_549 = vector.shape_cast %get3A_548 : vector<16xi32> to vector<16xi32>
    %add3A_550 = arith.constant 49152 : i32
    %add3A_551 = vector.broadcast %add3A_550 : i32 to vector<16xi32>
    %add3A_552 = arith.addi %get3A_549, %add3A_551 : vector<16xi32>
    %add3A_553 = vector.broadcast %mul3A_4 : i32 to vector<16xi32>
    %add3A_554 = arith.addi %add3A_552, %add3A_553 : vector<16xi32>
    %swap3A_555 = arith.constant 64 : index
    %swap3A_556 = tpu.vector_load %arg9[%swap3A_555] {strides = array<i32>} : memref<128xi32, #tpu.memory_space<vmem>>, vector<16xi32>,
    %swap3A_557 = vector.shape_cast %swap3A_556 : vector<16xi32> to vector<16xi32>
    %swap3A_558 = vector.shape_cast %add3A_554 : vector<16xi32> to vector<16xi32>
    tpu.vector_store %arg9[%swap3A_555], %swap3A_558 {strides = array<i32>} : memref<128xi32, #tpu.memory_space<vmem>>, vector<16xi32>,
    %get3A_559 = arith.constant 208 : index
    %get3A_560 = tpu.vector_load %arg7[%get3A_559] {strides = array<i32>} : memref<256xi32, #tpu.memory_space<vmem>>, vector<16xi32>,
    %get3A_561 = vector.shape_cast %get3A_560 : vector<16xi32> to vector<16xi32>
    %add3A_562 = arith.constant 53248 : i32
    %add3A_563 = vector.broadcast %add3A_562 : i32 to vector<16xi32>
    %add3A_564 = arith.addi %get3A_561, %add3A_563 : vector<16xi32>
    %add3A_565 = vector.broadcast %mul3A_4 : i32 to vector<16xi32>
    %add3A_566 = arith.addi %add3A_564, %add3A_565 : vector<16xi32>
    %swap3A_567 = arith.constant 80 : index
    %swap3A_568 = tpu.vector_load %arg9[%swap3A_567] {strides = array<i32>} : memref<128xi32, #tpu.memory_space<vmem>>, vector<16xi32>,
    %swap3A_569 = vector.shape_cast %swap3A_568 : vector<16xi32> to vector<16xi32>
    %swap3A_570 = vector.shape_cast %add3A_566 : vector<16xi32> to vector<16xi32>
    tpu.vector_store %arg9[%swap3A_567], %swap3A_570 {strides = array<i32>} : memref<128xi32, #tpu.memory_space<vmem>>, vector<16xi32>,
    %get3A_571 = arith.constant 224 : index
    %get3A_572 = tpu.vector_load %arg7[%get3A_571] {strides = array<i32>} : memref<256xi32, #tpu.memory_space<vmem>>, vector<16xi32>,
    %get3A_573 = vector.shape_cast %get3A_572 : vector<16xi32> to vector<16xi32>
    %add3A_574 = arith.constant 57344 : i32
    %add3A_575 = vector.broadcast %add3A_574 : i32 to vector<16xi32>
    %add3A_576 = arith.addi %get3A_573, %add3A_575 : vector<16xi32>
    %add3A_577 = vector.broadcast %mul3A_4 : i32 to vector<16xi32>
    %add3A_578 = arith.addi %add3A_576, %add3A_577 : vector<16xi32>
    %swap3A_579 = arith.constant 96 : index
    %swap3A_580 = tpu.vector_load %arg9[%swap3A_579] {strides = array<i32>} : memref<128xi32, #tpu.memory_space<vmem>>, vector<16xi32>,
    %swap3A_581 = vector.shape_cast %swap3A_580 : vector<16xi32> to vector<16xi32>
    %swap3A_582 = vector.shape_cast %add3A_578 : vector<16xi32> to vector<16xi32>
    tpu.vector_store %arg9[%swap3A_579], %swap3A_582 {strides = array<i32>} : memref<128xi32, #tpu.memory_space<vmem>>, vector<16xi32>,
    %get3A_583 = arith.constant 240 : index
    %get3A_584 = tpu.vector_load %arg7[%get3A_583] {strides = array<i32>} : memref<256xi32, #tpu.memory_space<vmem>>, vector<16xi32>,
    %get3A_585 = vector.shape_cast %get3A_584 : vector<16xi32> to vector<16xi32>
    %add3A_586 = arith.constant 61440 : i32
    %add3A_587 = vector.broadcast %add3A_586 : i32 to vector<16xi32>
    %add3A_588 = arith.addi %get3A_585, %add3A_587 : vector<16xi32>
    %add3A_589 = vector.broadcast %mul3A_4 : i32 to vector<16xi32>
    %add3A_590 = arith.addi %add3A_588, %add3A_589 : vector<16xi32>
    %swap3A_591 = arith.constant 112 : index
    %swap3A_592 = tpu.vector_load %arg9[%swap3A_591] {strides = array<i32>} : memref<128xi32, #tpu.memory_space<vmem>>, vector<16xi32>,
    %swap3A_593 = vector.shape_cast %swap3A_592 : vector<16xi32> to vector<16xi32>
    %swap3A_594 = vector.shape_cast %add3A_590 : vector<16xi32> to vector<16xi32>
    tpu.vector_store %arg9[%swap3A_591], %swap3A_594 {strides = array<i32>} : memref<128xi32, #tpu.memory_space<vmem>>, vector<16xi32>,
    "tpu.region"() ({
      %run_scoped3A = tpu.sem_alloc : memref<!tpu.dma_semaphore, #tpu.memory_space<semaphore_mem>>
      %dma_start3A = arith.constant 0 : i32
      %dma_start3A_1587 = tpu.memref_slice %arg6[%dma_start3A] : memref<1048576xf32, #tpu.memory_space<vmem_shared>> -> memref<1048576xf32, #tpu.memory_space<vmem_shared>>
      tpu.enqueue_indirect_dma source(%arg10 : memref<128xf32, #tpu.memory_space<vmem>>) target(%dma_start3A_1587 : memref<1048576xf32, #tpu.memory_space<vmem_shared>>) offsets(%arg8 : memref<128xi32, #tpu.memory_space<vmem>>) semaphore(%run_scoped3A : memref<!tpu.dma_semaphore, #tpu.memory_space<semaphore_mem>>)
      %dma_wait3A = arith.constant 0 : i32
      %dma_wait3A_1588 = tpu.memref_slice %arg6[%dma_wait3A] : memref<1048576xf32, #tpu.memory_space<vmem_shared>> -> memref<1048576xf32, #tpu.memory_space<vmem_shared>>
      tpu.wait_indirect_dma semaphore(%run_scoped3A : memref<!tpu.dma_semaphore, #tpu.memory_space<semaphore_mem>>) src(%arg10 : memref<128xf32, #tpu.memory_space<vmem>>) dst(%dma_wait3A_1588 : memref<1048576xf32, #tpu.memory_space<vmem_shared>>)
      tpu.yield
    }) : () -> ()
    "tpu.region"() ({
      %run_scoped3A = tpu.sem_alloc : memref<!tpu.dma_semaphore, #tpu.memory_space<semaphore_mem>>
      %dma_start3A = arith.constant 0 : i32
      %dma_start3A_1587 = tpu.memref_slice %arg6[%dma_start3A] : memref<1048576xf32, #tpu.memory_space<vmem_shared>> -> memref<1048576xf32, #tpu.memory_space<vmem_shared>>
      tpu.enqueue_indirect_dma source(%arg10 : memref<128xf32, #tpu.memory_space<vmem>>) target(%dma_start3A_1587 : memref<1048576xf32, #tpu.memory_space<vmem_shared>>) offsets(%arg9 : memref<128xi32, #tpu.memory_space<vmem>>) semaphore(%run_scoped3A : memref<!tpu.dma_semaphore, #tpu.memory_space<semaphore_mem>>)
      %dma_wait3A = arith.constant 0 : i32
      %dma_wait3A_1588 = tpu.memref_slice %arg6[%dma_wait3A] : memref<1048576xf32, #tpu.memory_space<vmem_shared>> -> memref<1048576xf32, #tpu.memory_space<vmem_shared>>
      tpu.wait_indirect_dma semaphore(%run_scoped3A : memref<!tpu.dma_semaphore, #tpu.memory_space<semaphore_mem>>) src(%arg10 : memref<128xf32, #tpu.memory_space<vmem>>) dst(%dma_wait3A_1588 : memref<1048576xf32, #tpu.memory_space<vmem_shared>>)
      tpu.yield
    }) : () -> ()
    %mul3A_595 = arith.constant 4096 : i32
    %mul3A_596 = arith.muli %add3A_400, %mul3A_595 : i32
    "tpu.region"() ({
      %run_scoped3A = tpu.sem_alloc : memref<!tpu.dma_semaphore, #tpu.memory_space<semaphore_mem>>
      %dma_start3A = tpu.memref_slice %arg5[%mul3A_596] : memref<16777216xf32, #tpu.memory_space<hbm>> -> memref<65536xf32, #tpu.memory_space<hbm>>
      %dma_start3A_1587 = tpu.memref_slice %arg6[%mul3A_4] : memref<1048576xf32, #tpu.memory_space<vmem_shared>> -> memref<65536xf32, #tpu.memory_space<vmem_shared>>
      tpu.enqueue_dma source(%dma_start3A_1587 : memref<65536xf32, #tpu.memory_space<vmem_shared>>) target(%dma_start3A : memref<65536xf32, #tpu.memory_space<hbm>>) target_semaphore(%run_scoped3A : memref<!tpu.dma_semaphore, #tpu.memory_space<semaphore_mem>>)
      %dma_wait3A = tpu.memref_slice %arg5[%mul3A_596] : memref<16777216xf32, #tpu.memory_space<hbm>> -> memref<65536xf32, #tpu.memory_space<hbm>>
      %dma_wait3A_1588 = tpu.memref_slice %arg6[%mul3A_4] : memref<1048576xf32, #tpu.memory_space<vmem_shared>> -> memref<65536xf32, #tpu.memory_space<vmem_shared>>
      tpu.wait_dma2 semaphore(%run_scoped3A : memref<!tpu.dma_semaphore, #tpu.memory_space<semaphore_mem>>) src(%dma_wait3A_1588 : memref<65536xf32, #tpu.memory_space<vmem_shared>>) dst(%dma_wait3A : memref<65536xf32, #tpu.memory_space<hbm>>)
      tpu.yield
    }) : () -> ()
    "tpu.region"() ({
      %run_scoped3A = tpu.sem_alloc : memref<!tpu.dma_semaphore, #tpu.memory_space<semaphore_mem>>
      %dma_start3A = arith.constant 0 : i32
      %dma_start3A_1587 = tpu.memref_slice %arg6[%dma_start3A] : memref<1048576xf32, #tpu.memory_space<vmem_shared>> -> memref<1048576xf32, #tpu.memory_space<vmem_shared>>
      tpu.enqueue_indirect_dma source(%arg11 : memref<128xf32, #tpu.memory_space<vmem>>) target(%dma_start3A_1587 : memref<1048576xf32, #tpu.memory_space<vmem_shared>>) offsets(%arg8 : memref<128xi32, #tpu.memory_space<vmem>>) semaphore(%run_scoped3A : memref<!tpu.dma_semaphore, #tpu.memory_space<semaphore_mem>>)
      %dma_wait3A = arith.constant 0 : i32
      %dma_wait3A_1588 = tpu.memref_slice %arg6[%dma_wait3A] : memref<1048576xf32, #tpu.memory_space<vmem_shared>> -> memref<1048576xf32, #tpu.memory_space<vmem_shared>>
      tpu.wait_indirect_dma semaphore(%run_scoped3A : memref<!tpu.dma_semaphore, #tpu.memory_space<semaphore_mem>>) src(%arg11 : memref<128xf32, #tpu.memory_space<vmem>>) dst(%dma_wait3A_1588 : memref<1048576xf32, #tpu.memory_space<vmem_shared>>)
      tpu.yield
    }) : () -> ()
    "tpu.region"() ({
      %run_scoped3A = tpu.sem_alloc : memref<!tpu.dma_semaphore, #tpu.memory_space<semaphore_mem>>
      %dma_start3A = arith.constant 0 : i32
      %dma_start3A_1587 = tpu.memref_slice %arg6[%dma_start3A] : memref<1048576xf32, #tpu.memory_space<vmem_shared>> -> memref<1048576xf32, #tpu.memory_space<vmem_shared>>
      tpu.enqueue_indirect_dma source(%arg11 : memref<128xf32, #tpu.memory_space<vmem>>) target(%dma_start3A_1587 : memref<1048576xf32, #tpu.memory_space<vmem_shared>>) offsets(%arg9 : memref<128xi32, #tpu.memory_space<vmem>>) semaphore(%run_scoped3A : memref<!tpu.dma_semaphore, #tpu.memory_space<semaphore_mem>>)
      %dma_wait3A = arith.constant 0 : i32
      %dma_wait3A_1588 = tpu.memref_slice %arg6[%dma_wait3A] : memref<1048576xf32, #tpu.memory_space<vmem_shared>> -> memref<1048576xf32, #tpu.memory_space<vmem_shared>>
      tpu.wait_indirect_dma semaphore(%run_scoped3A : memref<!tpu.dma_semaphore, #tpu.memory_space<semaphore_mem>>) src(%arg11 : memref<128xf32, #tpu.memory_space<vmem>>) dst(%dma_wait3A_1588 : memref<1048576xf32, #tpu.memory_space<vmem_shared>>)
      tpu.yield
    }) : () -> ()
    %add3A_597 = arith.constant 48 : i32
    %add3A_598 = arith.addi %mul3A_2, %add3A_597 : i32
    %mul3A_599 = arith.constant 16 : i32
    %mul3A_600 = arith.muli %add3A_598, %mul3A_599 : i32
    "tpu.region"() ({
      %run_scoped3A = tpu.sem_alloc : memref<!tpu.dma_semaphore, #tpu.memory_space<semaphore_mem>>
      %dma_start3A = tpu.memref_slice %arg2[%mul3A_600] : memref<65536xi32, #tpu.memory_space<hbm>> -> memref<256xi32, #tpu.memory_space<hbm>>
      %dma_start3A_1587 = tpu.memref_slice %arg2[%mul3A_600] : memref<65536xi32, #tpu.memory_space<hbm>> -> memref<256xi32, #tpu.memory_space<hbm>>
      tpu.enqueue_dma source(%dma_start3A_1587 : memref<256xi32, #tpu.memory_space<hbm>>) target(%arg7 : memref<256xi32, #tpu.memory_space<vmem>>) target_semaphore(%run_scoped3A : memref<!tpu.dma_semaphore, #tpu.memory_space<semaphore_mem>>)
      %dma_wait3A = tpu.memref_slice %arg2[%mul3A_600] : memref<65536xi32, #tpu.memory_space<hbm>> -> memref<256xi32, #tpu.memory_space<hbm>>
      %dma_wait3A_1588 = tpu.memref_slice %arg2[%mul3A_600] : memref<65536xi32, #tpu.memory_space<hbm>> -> memref<256xi32, #tpu.memory_space<hbm>>
      tpu.wait_dma2 semaphore(%run_scoped3A : memref<!tpu.dma_semaphore, #tpu.memory_space<semaphore_mem>>) src(%dma_wait3A_1588 : memref<256xi32, #tpu.memory_space<hbm>>) dst(%arg7 : memref<256xi32, #tpu.memory_space<vmem>>)
      tpu.yield
    }) : () -> ()
    %get3A_601 = arith.constant 0 : index
    %get3A_602 = tpu.vector_load %arg7[%get3A_601] {strides = array<i32>} : memref<256xi32, #tpu.memory_space<vmem>>, vector<16xi32>,
    %get3A_603 = vector.shape_cast %get3A_602 : vector<16xi32> to vector<16xi32>
    %add3A_604 = arith.constant 0 : i32
    %add3A_605 = vector.broadcast %add3A_604 : i32 to vector<16xi32>
    %add3A_606 = arith.addi %get3A_603, %add3A_605 : vector<16xi32>
    %add3A_607 = vector.broadcast %mul3A_4 : i32 to vector<16xi32>
    %add3A_608 = arith.addi %add3A_606, %add3A_607 : vector<16xi32>
    %swap3A_609 = arith.constant 0 : index
    %swap3A_610 = tpu.vector_load %arg8[%swap3A_609] {strides = array<i32>} : memref<128xi32, #tpu.memory_space<vmem>>, vector<16xi32>,
    %swap3A_611 = vector.shape_cast %swap3A_610 : vector<16xi32> to vector<16xi32>
    %swap3A_612 = vector.shape_cast %add3A_608 : vector<16xi32> to vector<16xi32>
    tpu.vector_store %arg8[%swap3A_609], %swap3A_612 {strides = array<i32>} : memref<128xi32, #tpu.memory_space<vmem>>, vector<16xi32>,
    %get3A_613 = arith.constant 16 : index
    %get3A_614 = tpu.vector_load %arg7[%get3A_613] {strides = array<i32>} : memref<256xi32, #tpu.memory_space<vmem>>, vector<16xi32>,
    %get3A_615 = vector.shape_cast %get3A_614 : vector<16xi32> to vector<16xi32>
    %add3A_616 = arith.constant 4096 : i32
    %add3A_617 = vector.broadcast %add3A_616 : i32 to vector<16xi32>
    %add3A_618 = arith.addi %get3A_615, %add3A_617 : vector<16xi32>
    %add3A_619 = vector.broadcast %mul3A_4 : i32 to vector<16xi32>
    %add3A_620 = arith.addi %add3A_618, %add3A_619 : vector<16xi32>
    %swap3A_621 = arith.constant 16 : index
    %swap3A_622 = tpu.vector_load %arg8[%swap3A_621] {strides = array<i32>} : memref<128xi32, #tpu.memory_space<vmem>>, vector<16xi32>,
    %swap3A_623 = vector.shape_cast %swap3A_622 : vector<16xi32> to vector<16xi32>
    %swap3A_624 = vector.shape_cast %add3A_620 : vector<16xi32> to vector<16xi32>
    tpu.vector_store %arg8[%swap3A_621], %swap3A_624 {strides = array<i32>} : memref<128xi32, #tpu.memory_space<vmem>>, vector<16xi32>,
    %get3A_625 = arith.constant 32 : index
    %get3A_626 = tpu.vector_load %arg7[%get3A_625] {strides = array<i32>} : memref<256xi32, #tpu.memory_space<vmem>>, vector<16xi32>,
    %get3A_627 = vector.shape_cast %get3A_626 : vector<16xi32> to vector<16xi32>
    %add3A_628 = arith.constant 8192 : i32
    %add3A_629 = vector.broadcast %add3A_628 : i32 to vector<16xi32>
    %add3A_630 = arith.addi %get3A_627, %add3A_629 : vector<16xi32>
    %add3A_631 = vector.broadcast %mul3A_4 : i32 to vector<16xi32>
    %add3A_632 = arith.addi %add3A_630, %add3A_631 : vector<16xi32>
    %swap3A_633 = arith.constant 32 : index
    %swap3A_634 = tpu.vector_load %arg8[%swap3A_633] {strides = array<i32>} : memref<128xi32, #tpu.memory_space<vmem>>, vector<16xi32>,
    %swap3A_635 = vector.shape_cast %swap3A_634 : vector<16xi32> to vector<16xi32>
    %swap3A_636 = vector.shape_cast %add3A_632 : vector<16xi32> to vector<16xi32>
    tpu.vector_store %arg8[%swap3A_633], %swap3A_636 {strides = array<i32>} : memref<128xi32, #tpu.memory_space<vmem>>, vector<16xi32>,
    %get3A_637 = arith.constant 48 : index
    %get3A_638 = tpu.vector_load %arg7[%get3A_637] {strides = array<i32>} : memref<256xi32, #tpu.memory_space<vmem>>, vector<16xi32>,
    %get3A_639 = vector.shape_cast %get3A_638 : vector<16xi32> to vector<16xi32>
    %add3A_640 = arith.constant 12288 : i32
    %add3A_641 = vector.broadcast %add3A_640 : i32 to vector<16xi32>
    %add3A_642 = arith.addi %get3A_639, %add3A_641 : vector<16xi32>
    %add3A_643 = vector.broadcast %mul3A_4 : i32 to vector<16xi32>
    %add3A_644 = arith.addi %add3A_642, %add3A_643 : vector<16xi32>
    %swap3A_645 = arith.constant 48 : index
    %swap3A_646 = tpu.vector_load %arg8[%swap3A_645] {strides = array<i32>} : memref<128xi32, #tpu.memory_space<vmem>>, vector<16xi32>,
    %swap3A_647 = vector.shape_cast %swap3A_646 : vector<16xi32> to vector<16xi32>
    %swap3A_648 = vector.shape_cast %add3A_644 : vector<16xi32> to vector<16xi32>
    tpu.vector_store %arg8[%swap3A_645], %swap3A_648 {strides = array<i32>} : memref<128xi32, #tpu.memory_space<vmem>>, vector<16xi32>,
    %get3A_649 = arith.constant 64 : index
    %get3A_650 = tpu.vector_load %arg7[%get3A_649] {strides = array<i32>} : memref<256xi32, #tpu.memory_space<vmem>>, vector<16xi32>,
    %get3A_651 = vector.shape_cast %get3A_650 : vector<16xi32> to vector<16xi32>
    %add3A_652 = arith.constant 16384 : i32
    %add3A_653 = vector.broadcast %add3A_652 : i32 to vector<16xi32>
    %add3A_654 = arith.addi %get3A_651, %add3A_653 : vector<16xi32>
    %add3A_655 = vector.broadcast %mul3A_4 : i32 to vector<16xi32>
    %add3A_656 = arith.addi %add3A_654, %add3A_655 : vector<16xi32>
    %swap3A_657 = arith.constant 64 : index
    %swap3A_658 = tpu.vector_load %arg8[%swap3A_657] {strides = array<i32>} : memref<128xi32, #tpu.memory_space<vmem>>, vector<16xi32>,
    %swap3A_659 = vector.shape_cast %swap3A_658 : vector<16xi32> to vector<16xi32>
    %swap3A_660 = vector.shape_cast %add3A_656 : vector<16xi32> to vector<16xi32>
    tpu.vector_store %arg8[%swap3A_657], %swap3A_660 {strides = array<i32>} : memref<128xi32, #tpu.memory_space<vmem>>, vector<16xi32>,
    %get3A_661 = arith.constant 80 : index
    %get3A_662 = tpu.vector_load %arg7[%get3A_661] {strides = array<i32>} : memref<256xi32, #tpu.memory_space<vmem>>, vector<16xi32>,
    %get3A_663 = vector.shape_cast %get3A_662 : vector<16xi32> to vector<16xi32>
    %add3A_664 = arith.constant 20480 : i32
    %add3A_665 = vector.broadcast %add3A_664 : i32 to vector<16xi32>
    %add3A_666 = arith.addi %get3A_663, %add3A_665 : vector<16xi32>
    %add3A_667 = vector.broadcast %mul3A_4 : i32 to vector<16xi32>
    %add3A_668 = arith.addi %add3A_666, %add3A_667 : vector<16xi32>
    %swap3A_669 = arith.constant 80 : index
    %swap3A_670 = tpu.vector_load %arg8[%swap3A_669] {strides = array<i32>} : memref<128xi32, #tpu.memory_space<vmem>>, vector<16xi32>,
    %swap3A_671 = vector.shape_cast %swap3A_670 : vector<16xi32> to vector<16xi32>
    %swap3A_672 = vector.shape_cast %add3A_668 : vector<16xi32> to vector<16xi32>
    tpu.vector_store %arg8[%swap3A_669], %swap3A_672 {strides = array<i32>} : memref<128xi32, #tpu.memory_space<vmem>>, vector<16xi32>,
    %get3A_673 = arith.constant 96 : index
    %get3A_674 = tpu.vector_load %arg7[%get3A_673] {strides = array<i32>} : memref<256xi32, #tpu.memory_space<vmem>>, vector<16xi32>,
    %get3A_675 = vector.shape_cast %get3A_674 : vector<16xi32> to vector<16xi32>
    %add3A_676 = arith.constant 24576 : i32
    %add3A_677 = vector.broadcast %add3A_676 : i32 to vector<16xi32>
    %add3A_678 = arith.addi %get3A_675, %add3A_677 : vector<16xi32>
    %add3A_679 = vector.broadcast %mul3A_4 : i32 to vector<16xi32>
    %add3A_680 = arith.addi %add3A_678, %add3A_679 : vector<16xi32>
    %swap3A_681 = arith.constant 96 : index
    %swap3A_682 = tpu.vector_load %arg8[%swap3A_681] {strides = array<i32>} : memref<128xi32, #tpu.memory_space<vmem>>, vector<16xi32>,
    %swap3A_683 = vector.shape_cast %swap3A_682 : vector<16xi32> to vector<16xi32>
    %swap3A_684 = vector.shape_cast %add3A_680 : vector<16xi32> to vector<16xi32>
    tpu.vector_store %arg8[%swap3A_681], %swap3A_684 {strides = array<i32>} : memref<128xi32, #tpu.memory_space<vmem>>, vector<16xi32>,
    %get3A_685 = arith.constant 112 : index
    %get3A_686 = tpu.vector_load %arg7[%get3A_685] {strides = array<i32>} : memref<256xi32, #tpu.memory_space<vmem>>, vector<16xi32>,
    %get3A_687 = vector.shape_cast %get3A_686 : vector<16xi32> to vector<16xi32>
    %add3A_688 = arith.constant 28672 : i32
    %add3A_689 = vector.broadcast %add3A_688 : i32 to vector<16xi32>
    %add3A_690 = arith.addi %get3A_687, %add3A_689 : vector<16xi32>
    %add3A_691 = vector.broadcast %mul3A_4 : i32 to vector<16xi32>
    %add3A_692 = arith.addi %add3A_690, %add3A_691 : vector<16xi32>
    %swap3A_693 = arith.constant 112 : index
    %swap3A_694 = tpu.vector_load %arg8[%swap3A_693] {strides = array<i32>} : memref<128xi32, #tpu.memory_space<vmem>>, vector<16xi32>,
    %swap3A_695 = vector.shape_cast %swap3A_694 : vector<16xi32> to vector<16xi32>
    %swap3A_696 = vector.shape_cast %add3A_692 : vector<16xi32> to vector<16xi32>
    tpu.vector_store %arg8[%swap3A_693], %swap3A_696 {strides = array<i32>} : memref<128xi32, #tpu.memory_space<vmem>>, vector<16xi32>,
    %get3A_697 = arith.constant 128 : index
    %get3A_698 = tpu.vector_load %arg7[%get3A_697] {strides = array<i32>} : memref<256xi32, #tpu.memory_space<vmem>>, vector<16xi32>,
    %get3A_699 = vector.shape_cast %get3A_698 : vector<16xi32> to vector<16xi32>
    %add3A_700 = arith.constant 32768 : i32
    %add3A_701 = vector.broadcast %add3A_700 : i32 to vector<16xi32>
    %add3A_702 = arith.addi %get3A_699, %add3A_701 : vector<16xi32>
    %add3A_703 = vector.broadcast %mul3A_4 : i32 to vector<16xi32>
    %add3A_704 = arith.addi %add3A_702, %add3A_703 : vector<16xi32>
    %swap3A_705 = arith.constant 0 : index
    %swap3A_706 = tpu.vector_load %arg9[%swap3A_705] {strides = array<i32>} : memref<128xi32, #tpu.memory_space<vmem>>, vector<16xi32>,
    %swap3A_707 = vector.shape_cast %swap3A_706 : vector<16xi32> to vector<16xi32>
    %swap3A_708 = vector.shape_cast %add3A_704 : vector<16xi32> to vector<16xi32>
    tpu.vector_store %arg9[%swap3A_705], %swap3A_708 {strides = array<i32>} : memref<128xi32, #tpu.memory_space<vmem>>, vector<16xi32>,
    %get3A_709 = arith.constant 144 : index
    %get3A_710 = tpu.vector_load %arg7[%get3A_709] {strides = array<i32>} : memref<256xi32, #tpu.memory_space<vmem>>, vector<16xi32>,
    %get3A_711 = vector.shape_cast %get3A_710 : vector<16xi32> to vector<16xi32>
    %add3A_712 = arith.constant 36864 : i32
    %add3A_713 = vector.broadcast %add3A_712 : i32 to vector<16xi32>
    %add3A_714 = arith.addi %get3A_711, %add3A_713 : vector<16xi32>
    %add3A_715 = vector.broadcast %mul3A_4 : i32 to vector<16xi32>
    %add3A_716 = arith.addi %add3A_714, %add3A_715 : vector<16xi32>
    %swap3A_717 = arith.constant 16 : index
    %swap3A_718 = tpu.vector_load %arg9[%swap3A_717] {strides = array<i32>} : memref<128xi32, #tpu.memory_space<vmem>>, vector<16xi32>,
    %swap3A_719 = vector.shape_cast %swap3A_718 : vector<16xi32> to vector<16xi32>
    %swap3A_720 = vector.shape_cast %add3A_716 : vector<16xi32> to vector<16xi32>
    tpu.vector_store %arg9[%swap3A_717], %swap3A_720 {strides = array<i32>} : memref<128xi32, #tpu.memory_space<vmem>>, vector<16xi32>,
    %get3A_721 = arith.constant 160 : index
    %get3A_722 = tpu.vector_load %arg7[%get3A_721] {strides = array<i32>} : memref<256xi32, #tpu.memory_space<vmem>>, vector<16xi32>,
    %get3A_723 = vector.shape_cast %get3A_722 : vector<16xi32> to vector<16xi32>
    %add3A_724 = arith.constant 40960 : i32
    %add3A_725 = vector.broadcast %add3A_724 : i32 to vector<16xi32>
    %add3A_726 = arith.addi %get3A_723, %add3A_725 : vector<16xi32>
    %add3A_727 = vector.broadcast %mul3A_4 : i32 to vector<16xi32>
    %add3A_728 = arith.addi %add3A_726, %add3A_727 : vector<16xi32>
    %swap3A_729 = arith.constant 32 : index
    %swap3A_730 = tpu.vector_load %arg9[%swap3A_729] {strides = array<i32>} : memref<128xi32, #tpu.memory_space<vmem>>, vector<16xi32>,
    %swap3A_731 = vector.shape_cast %swap3A_730 : vector<16xi32> to vector<16xi32>
    %swap3A_732 = vector.shape_cast %add3A_728 : vector<16xi32> to vector<16xi32>
    tpu.vector_store %arg9[%swap3A_729], %swap3A_732 {strides = array<i32>} : memref<128xi32, #tpu.memory_space<vmem>>, vector<16xi32>,
    %get3A_733 = arith.constant 176 : index
    %get3A_734 = tpu.vector_load %arg7[%get3A_733] {strides = array<i32>} : memref<256xi32, #tpu.memory_space<vmem>>, vector<16xi32>,
    %get3A_735 = vector.shape_cast %get3A_734 : vector<16xi32> to vector<16xi32>
    %add3A_736 = arith.constant 45056 : i32
    %add3A_737 = vector.broadcast %add3A_736 : i32 to vector<16xi32>
    %add3A_738 = arith.addi %get3A_735, %add3A_737 : vector<16xi32>
    %add3A_739 = vector.broadcast %mul3A_4 : i32 to vector<16xi32>
    %add3A_740 = arith.addi %add3A_738, %add3A_739 : vector<16xi32>
    %swap3A_741 = arith.constant 48 : index
    %swap3A_742 = tpu.vector_load %arg9[%swap3A_741] {strides = array<i32>} : memref<128xi32, #tpu.memory_space<vmem>>, vector<16xi32>,
    %swap3A_743 = vector.shape_cast %swap3A_742 : vector<16xi32> to vector<16xi32>
    %swap3A_744 = vector.shape_cast %add3A_740 : vector<16xi32> to vector<16xi32>
    tpu.vector_store %arg9[%swap3A_741], %swap3A_744 {strides = array<i32>} : memref<128xi32, #tpu.memory_space<vmem>>, vector<16xi32>,
    %get3A_745 = arith.constant 192 : index
    %get3A_746 = tpu.vector_load %arg7[%get3A_745] {strides = array<i32>} : memref<256xi32, #tpu.memory_space<vmem>>, vector<16xi32>,
    %get3A_747 = vector.shape_cast %get3A_746 : vector<16xi32> to vector<16xi32>
    %add3A_748 = arith.constant 49152 : i32
    %add3A_749 = vector.broadcast %add3A_748 : i32 to vector<16xi32>
    %add3A_750 = arith.addi %get3A_747, %add3A_749 : vector<16xi32>
    %add3A_751 = vector.broadcast %mul3A_4 : i32 to vector<16xi32>
    %add3A_752 = arith.addi %add3A_750, %add3A_751 : vector<16xi32>
    %swap3A_753 = arith.constant 64 : index
    %swap3A_754 = tpu.vector_load %arg9[%swap3A_753] {strides = array<i32>} : memref<128xi32, #tpu.memory_space<vmem>>, vector<16xi32>,
    %swap3A_755 = vector.shape_cast %swap3A_754 : vector<16xi32> to vector<16xi32>
    %swap3A_756 = vector.shape_cast %add3A_752 : vector<16xi32> to vector<16xi32>
    tpu.vector_store %arg9[%swap3A_753], %swap3A_756 {strides = array<i32>} : memref<128xi32, #tpu.memory_space<vmem>>, vector<16xi32>,
    %get3A_757 = arith.constant 208 : index
    %get3A_758 = tpu.vector_load %arg7[%get3A_757] {strides = array<i32>} : memref<256xi32, #tpu.memory_space<vmem>>, vector<16xi32>,
    %get3A_759 = vector.shape_cast %get3A_758 : vector<16xi32> to vector<16xi32>
    %add3A_760 = arith.constant 53248 : i32
    %add3A_761 = vector.broadcast %add3A_760 : i32 to vector<16xi32>
    %add3A_762 = arith.addi %get3A_759, %add3A_761 : vector<16xi32>
    %add3A_763 = vector.broadcast %mul3A_4 : i32 to vector<16xi32>
    %add3A_764 = arith.addi %add3A_762, %add3A_763 : vector<16xi32>
    %swap3A_765 = arith.constant 80 : index
    %swap3A_766 = tpu.vector_load %arg9[%swap3A_765] {strides = array<i32>} : memref<128xi32, #tpu.memory_space<vmem>>, vector<16xi32>,
    %swap3A_767 = vector.shape_cast %swap3A_766 : vector<16xi32> to vector<16xi32>
    %swap3A_768 = vector.shape_cast %add3A_764 : vector<16xi32> to vector<16xi32>
    tpu.vector_store %arg9[%swap3A_765], %swap3A_768 {strides = array<i32>} : memref<128xi32, #tpu.memory_space<vmem>>, vector<16xi32>,
    %get3A_769 = arith.constant 224 : index
    %get3A_770 = tpu.vector_load %arg7[%get3A_769] {strides = array<i32>} : memref<256xi32, #tpu.memory_space<vmem>>, vector<16xi32>,
    %get3A_771 = vector.shape_cast %get3A_770 : vector<16xi32> to vector<16xi32>
    %add3A_772 = arith.constant 57344 : i32
    %add3A_773 = vector.broadcast %add3A_772 : i32 to vector<16xi32>
    %add3A_774 = arith.addi %get3A_771, %add3A_773 : vector<16xi32>
    %add3A_775 = vector.broadcast %mul3A_4 : i32 to vector<16xi32>
    %add3A_776 = arith.addi %add3A_774, %add3A_775 : vector<16xi32>
    %swap3A_777 = arith.constant 96 : index
    %swap3A_778 = tpu.vector_load %arg9[%swap3A_777] {strides = array<i32>} : memref<128xi32, #tpu.memory_space<vmem>>, vector<16xi32>,
    %swap3A_779 = vector.shape_cast %swap3A_778 : vector<16xi32> to vector<16xi32>
    %swap3A_780 = vector.shape_cast %add3A_776 : vector<16xi32> to vector<16xi32>
    tpu.vector_store %arg9[%swap3A_777], %swap3A_780 {strides = array<i32>} : memref<128xi32, #tpu.memory_space<vmem>>, vector<16xi32>,
    %get3A_781 = arith.constant 240 : index
    %get3A_782 = tpu.vector_load %arg7[%get3A_781] {strides = array<i32>} : memref<256xi32, #tpu.memory_space<vmem>>, vector<16xi32>,
    %get3A_783 = vector.shape_cast %get3A_782 : vector<16xi32> to vector<16xi32>
    %add3A_784 = arith.constant 61440 : i32
    %add3A_785 = vector.broadcast %add3A_784 : i32 to vector<16xi32>
    %add3A_786 = arith.addi %get3A_783, %add3A_785 : vector<16xi32>
    %add3A_787 = vector.broadcast %mul3A_4 : i32 to vector<16xi32>
    %add3A_788 = arith.addi %add3A_786, %add3A_787 : vector<16xi32>
    %swap3A_789 = arith.constant 112 : index
    %swap3A_790 = tpu.vector_load %arg9[%swap3A_789] {strides = array<i32>} : memref<128xi32, #tpu.memory_space<vmem>>, vector<16xi32>,
    %swap3A_791 = vector.shape_cast %swap3A_790 : vector<16xi32> to vector<16xi32>
    %swap3A_792 = vector.shape_cast %add3A_788 : vector<16xi32> to vector<16xi32>
    tpu.vector_store %arg9[%swap3A_789], %swap3A_792 {strides = array<i32>} : memref<128xi32, #tpu.memory_space<vmem>>, vector<16xi32>,
    "tpu.region"() ({
      %run_scoped3A = tpu.sem_alloc : memref<!tpu.dma_semaphore, #tpu.memory_space<semaphore_mem>>
      %dma_start3A = arith.constant 0 : i32
      %dma_start3A_1587 = tpu.memref_slice %arg6[%dma_start3A] : memref<1048576xf32, #tpu.memory_space<vmem_shared>> -> memref<1048576xf32, #tpu.memory_space<vmem_shared>>
      tpu.enqueue_indirect_dma source(%arg10 : memref<128xf32, #tpu.memory_space<vmem>>) target(%dma_start3A_1587 : memref<1048576xf32, #tpu.memory_space<vmem_shared>>) offsets(%arg8 : memref<128xi32, #tpu.memory_space<vmem>>) semaphore(%run_scoped3A : memref<!tpu.dma_semaphore, #tpu.memory_space<semaphore_mem>>)
      %dma_wait3A = arith.constant 0 : i32
      %dma_wait3A_1588 = tpu.memref_slice %arg6[%dma_wait3A] : memref<1048576xf32, #tpu.memory_space<vmem_shared>> -> memref<1048576xf32, #tpu.memory_space<vmem_shared>>
      tpu.wait_indirect_dma semaphore(%run_scoped3A : memref<!tpu.dma_semaphore, #tpu.memory_space<semaphore_mem>>) src(%arg10 : memref<128xf32, #tpu.memory_space<vmem>>) dst(%dma_wait3A_1588 : memref<1048576xf32, #tpu.memory_space<vmem_shared>>)
      tpu.yield
    }) : () -> ()
    "tpu.region"() ({
      %run_scoped3A = tpu.sem_alloc : memref<!tpu.dma_semaphore, #tpu.memory_space<semaphore_mem>>
      %dma_start3A = arith.constant 0 : i32
      %dma_start3A_1587 = tpu.memref_slice %arg6[%dma_start3A] : memref<1048576xf32, #tpu.memory_space<vmem_shared>> -> memref<1048576xf32, #tpu.memory_space<vmem_shared>>
      tpu.enqueue_indirect_dma source(%arg10 : memref<128xf32, #tpu.memory_space<vmem>>) target(%dma_start3A_1587 : memref<1048576xf32, #tpu.memory_space<vmem_shared>>) offsets(%arg9 : memref<128xi32, #tpu.memory_space<vmem>>) semaphore(%run_scoped3A : memref<!tpu.dma_semaphore, #tpu.memory_space<semaphore_mem>>)
      %dma_wait3A = arith.constant 0 : i32
      %dma_wait3A_1588 = tpu.memref_slice %arg6[%dma_wait3A] : memref<1048576xf32, #tpu.memory_space<vmem_shared>> -> memref<1048576xf32, #tpu.memory_space<vmem_shared>>
      tpu.wait_indirect_dma semaphore(%run_scoped3A : memref<!tpu.dma_semaphore, #tpu.memory_space<semaphore_mem>>) src(%arg10 : memref<128xf32, #tpu.memory_space<vmem>>) dst(%dma_wait3A_1588 : memref<1048576xf32, #tpu.memory_space<vmem_shared>>)
      tpu.yield
    }) : () -> ()
    %mul3A_793 = arith.constant 4096 : i32
    %mul3A_794 = arith.muli %add3A_598, %mul3A_793 : i32
    "tpu.region"() ({
      %run_scoped3A = tpu.sem_alloc : memref<!tpu.dma_semaphore, #tpu.memory_space<semaphore_mem>>
      %dma_start3A = tpu.memref_slice %arg5[%mul3A_794] : memref<16777216xf32, #tpu.memory_space<hbm>> -> memref<65536xf32, #tpu.memory_space<hbm>>
      %dma_start3A_1587 = tpu.memref_slice %arg6[%mul3A_4] : memref<1048576xf32, #tpu.memory_space<vmem_shared>> -> memref<65536xf32, #tpu.memory_space<vmem_shared>>
      tpu.enqueue_dma source(%dma_start3A_1587 : memref<65536xf32, #tpu.memory_space<vmem_shared>>) target(%dma_start3A : memref<65536xf32, #tpu.memory_space<hbm>>) target_semaphore(%run_scoped3A : memref<!tpu.dma_semaphore, #tpu.memory_space<semaphore_mem>>)
      %dma_wait3A = tpu.memref_slice %arg5[%mul3A_794] : memref<16777216xf32, #tpu.memory_space<hbm>> -> memref<65536xf32, #tpu.memory_space<hbm>>
      %dma_wait3A_1588 = tpu.memref_slice %arg6[%mul3A_4] : memref<1048576xf32, #tpu.memory_space<vmem_shared>> -> memref<65536xf32, #tpu.memory_space<vmem_shared>>
      tpu.wait_dma2 semaphore(%run_scoped3A : memref<!tpu.dma_semaphore, #tpu.memory_space<semaphore_mem>>) src(%dma_wait3A_1588 : memref<65536xf32, #tpu.memory_space<vmem_shared>>) dst(%dma_wait3A : memref<65536xf32, #tpu.memory_space<hbm>>)
      tpu.yield
    }) : () -> ()
    "tpu.region"() ({
      %run_scoped3A = tpu.sem_alloc : memref<!tpu.dma_semaphore, #tpu.memory_space<semaphore_mem>>
      %dma_start3A = arith.constant 0 : i32
      %dma_start3A_1587 = tpu.memref_slice %arg6[%dma_start3A] : memref<1048576xf32, #tpu.memory_space<vmem_shared>> -> memref<1048576xf32, #tpu.memory_space<vmem_shared>>
      tpu.enqueue_indirect_dma source(%arg11 : memref<128xf32, #tpu.memory_space<vmem>>) target(%dma_start3A_1587 : memref<1048576xf32, #tpu.memory_space<vmem_shared>>) offsets(%arg8 : memref<128xi32, #tpu.memory_space<vmem>>) semaphore(%run_scoped3A : memref<!tpu.dma_semaphore, #tpu.memory_space<semaphore_mem>>)
      %dma_wait3A = arith.constant 0 : i32
      %dma_wait3A_1588 = tpu.memref_slice %arg6[%dma_wait3A] : memref<1048576xf32, #tpu.memory_space<vmem_shared>> -> memref<1048576xf32, #tpu.memory_space<vmem_shared>>
      tpu.wait_indirect_dma semaphore(%run_scoped3A : memref<!tpu.dma_semaphore, #tpu.memory_space<semaphore_mem>>) src(%arg11 : memref<128xf32, #tpu.memory_space<vmem>>) dst(%dma_wait3A_1588 : memref<1048576xf32, #tpu.memory_space<vmem_shared>>)
      tpu.yield
    }) : () -> ()
    "tpu.region"() ({
      %run_scoped3A = tpu.sem_alloc : memref<!tpu.dma_semaphore, #tpu.memory_space<semaphore_mem>>
      %dma_start3A = arith.constant 0 : i32
      %dma_start3A_1587 = tpu.memref_slice %arg6[%dma_start3A] : memref<1048576xf32, #tpu.memory_space<vmem_shared>> -> memref<1048576xf32, #tpu.memory_space<vmem_shared>>
      tpu.enqueue_indirect_dma source(%arg11 : memref<128xf32, #tpu.memory_space<vmem>>) target(%dma_start3A_1587 : memref<1048576xf32, #tpu.memory_space<vmem_shared>>) offsets(%arg9 : memref<128xi32, #tpu.memory_space<vmem>>) semaphore(%run_scoped3A : memref<!tpu.dma_semaphore, #tpu.memory_space<semaphore_mem>>)
      %dma_wait3A = arith.constant 0 : i32
      %dma_wait3A_1588 = tpu.memref_slice %arg6[%dma_wait3A] : memref<1048576xf32, #tpu.memory_space<vmem_shared>> -> memref<1048576xf32, #tpu.memory_space<vmem_shared>>
      tpu.wait_indirect_dma semaphore(%run_scoped3A : memref<!tpu.dma_semaphore, #tpu.memory_space<semaphore_mem>>) src(%arg11 : memref<128xf32, #tpu.memory_space<vmem>>) dst(%dma_wait3A_1588 : memref<1048576xf32, #tpu.memory_space<vmem_shared>>)
      tpu.yield
    }) : () -> ()
    %add3A_795 = arith.constant 64 : i32
    %add3A_796 = arith.addi %mul3A_2, %add3A_795 : i32
    %mul3A_797 = arith.constant 16 : i32
    %mul3A_798 = arith.muli %add3A_796, %mul3A_797 : i32
    "tpu.region"() ({
      %run_scoped3A = tpu.sem_alloc : memref<!tpu.dma_semaphore, #tpu.memory_space<semaphore_mem>>
      %dma_start3A = tpu.memref_slice %arg2[%mul3A_798] : memref<65536xi32, #tpu.memory_space<hbm>> -> memref<256xi32, #tpu.memory_space<hbm>>
      %dma_start3A_1587 = tpu.memref_slice %arg2[%mul3A_798] : memref<65536xi32, #tpu.memory_space<hbm>> -> memref<256xi32, #tpu.memory_space<hbm>>
      tpu.enqueue_dma source(%dma_start3A_1587 : memref<256xi32, #tpu.memory_space<hbm>>) target(%arg7 : memref<256xi32, #tpu.memory_space<vmem>>) target_semaphore(%run_scoped3A : memref<!tpu.dma_semaphore, #tpu.memory_space<semaphore_mem>>)
      %dma_wait3A = tpu.memref_slice %arg2[%mul3A_798] : memref<65536xi32, #tpu.memory_space<hbm>> -> memref<256xi32, #tpu.memory_space<hbm>>
      %dma_wait3A_1588 = tpu.memref_slice %arg2[%mul3A_798] : memref<65536xi32, #tpu.memory_space<hbm>> -> memref<256xi32, #tpu.memory_space<hbm>>
      tpu.wait_dma2 semaphore(%run_scoped3A : memref<!tpu.dma_semaphore, #tpu.memory_space<semaphore_mem>>) src(%dma_wait3A_1588 : memref<256xi32, #tpu.memory_space<hbm>>) dst(%arg7 : memref<256xi32, #tpu.memory_space<vmem>>)
      tpu.yield
    }) : () -> ()
    %get3A_799 = arith.constant 0 : index
    %get3A_800 = tpu.vector_load %arg7[%get3A_799] {strides = array<i32>} : memref<256xi32, #tpu.memory_space<vmem>>, vector<16xi32>,
    %get3A_801 = vector.shape_cast %get3A_800 : vector<16xi32> to vector<16xi32>
    %add3A_802 = arith.constant 0 : i32
    %add3A_803 = vector.broadcast %add3A_802 : i32 to vector<16xi32>
    %add3A_804 = arith.addi %get3A_801, %add3A_803 : vector<16xi32>
    %add3A_805 = vector.broadcast %mul3A_4 : i32 to vector<16xi32>
    %add3A_806 = arith.addi %add3A_804, %add3A_805 : vector<16xi32>
    %swap3A_807 = arith.constant 0 : index
    %swap3A_808 = tpu.vector_load %arg8[%swap3A_807] {strides = array<i32>} : memref<128xi32, #tpu.memory_space<vmem>>, vector<16xi32>,
    %swap3A_809 = vector.shape_cast %swap3A_808 : vector<16xi32> to vector<16xi32>
    %swap3A_810 = vector.shape_cast %add3A_806 : vector<16xi32> to vector<16xi32>
    tpu.vector_store %arg8[%swap3A_807], %swap3A_810 {strides = array<i32>} : memref<128xi32, #tpu.memory_space<vmem>>, vector<16xi32>,
    %get3A_811 = arith.constant 16 : index
    %get3A_812 = tpu.vector_load %arg7[%get3A_811] {strides = array<i32>} : memref<256xi32, #tpu.memory_space<vmem>>, vector<16xi32>,
    %get3A_813 = vector.shape_cast %get3A_812 : vector<16xi32> to vector<16xi32>
    %add3A_814 = arith.constant 4096 : i32
    %add3A_815 = vector.broadcast %add3A_814 : i32 to vector<16xi32>
    %add3A_816 = arith.addi %get3A_813, %add3A_815 : vector<16xi32>
    %add3A_817 = vector.broadcast %mul3A_4 : i32 to vector<16xi32>
    %add3A_818 = arith.addi %add3A_816, %add3A_817 : vector<16xi32>
    %swap3A_819 = arith.constant 16 : index
    %swap3A_820 = tpu.vector_load %arg8[%swap3A_819] {strides = array<i32>} : memref<128xi32, #tpu.memory_space<vmem>>, vector<16xi32>,
    %swap3A_821 = vector.shape_cast %swap3A_820 : vector<16xi32> to vector<16xi32>
    %swap3A_822 = vector.shape_cast %add3A_818 : vector<16xi32> to vector<16xi32>
    tpu.vector_store %arg8[%swap3A_819], %swap3A_822 {strides = array<i32>} : memref<128xi32, #tpu.memory_space<vmem>>, vector<16xi32>,
    %get3A_823 = arith.constant 32 : index
    %get3A_824 = tpu.vector_load %arg7[%get3A_823] {strides = array<i32>} : memref<256xi32, #tpu.memory_space<vmem>>, vector<16xi32>,
    %get3A_825 = vector.shape_cast %get3A_824 : vector<16xi32> to vector<16xi32>
    %add3A_826 = arith.constant 8192 : i32
    %add3A_827 = vector.broadcast %add3A_826 : i32 to vector<16xi32>
    %add3A_828 = arith.addi %get3A_825, %add3A_827 : vector<16xi32>
    %add3A_829 = vector.broadcast %mul3A_4 : i32 to vector<16xi32>
    %add3A_830 = arith.addi %add3A_828, %add3A_829 : vector<16xi32>
    %swap3A_831 = arith.constant 32 : index
    %swap3A_832 = tpu.vector_load %arg8[%swap3A_831] {strides = array<i32>} : memref<128xi32, #tpu.memory_space<vmem>>, vector<16xi32>,
    %swap3A_833 = vector.shape_cast %swap3A_832 : vector<16xi32> to vector<16xi32>
    %swap3A_834 = vector.shape_cast %add3A_830 : vector<16xi32> to vector<16xi32>
    tpu.vector_store %arg8[%swap3A_831], %swap3A_834 {strides = array<i32>} : memref<128xi32, #tpu.memory_space<vmem>>, vector<16xi32>,
    %get3A_835 = arith.constant 48 : index
    %get3A_836 = tpu.vector_load %arg7[%get3A_835] {strides = array<i32>} : memref<256xi32, #tpu.memory_space<vmem>>, vector<16xi32>,
    %get3A_837 = vector.shape_cast %get3A_836 : vector<16xi32> to vector<16xi32>
    %add3A_838 = arith.constant 12288 : i32
    %add3A_839 = vector.broadcast %add3A_838 : i32 to vector<16xi32>
    %add3A_840 = arith.addi %get3A_837, %add3A_839 : vector<16xi32>
    %add3A_841 = vector.broadcast %mul3A_4 : i32 to vector<16xi32>
    %add3A_842 = arith.addi %add3A_840, %add3A_841 : vector<16xi32>
    %swap3A_843 = arith.constant 48 : index
    %swap3A_844 = tpu.vector_load %arg8[%swap3A_843] {strides = array<i32>} : memref<128xi32, #tpu.memory_space<vmem>>, vector<16xi32>,
    %swap3A_845 = vector.shape_cast %swap3A_844 : vector<16xi32> to vector<16xi32>
    %swap3A_846 = vector.shape_cast %add3A_842 : vector<16xi32> to vector<16xi32>
    tpu.vector_store %arg8[%swap3A_843], %swap3A_846 {strides = array<i32>} : memref<128xi32, #tpu.memory_space<vmem>>, vector<16xi32>,
    %get3A_847 = arith.constant 64 : index
    %get3A_848 = tpu.vector_load %arg7[%get3A_847] {strides = array<i32>} : memref<256xi32, #tpu.memory_space<vmem>>, vector<16xi32>,
    %get3A_849 = vector.shape_cast %get3A_848 : vector<16xi32> to vector<16xi32>
    %add3A_850 = arith.constant 16384 : i32
    %add3A_851 = vector.broadcast %add3A_850 : i32 to vector<16xi32>
    %add3A_852 = arith.addi %get3A_849, %add3A_851 : vector<16xi32>
    %add3A_853 = vector.broadcast %mul3A_4 : i32 to vector<16xi32>
    %add3A_854 = arith.addi %add3A_852, %add3A_853 : vector<16xi32>
    %swap3A_855 = arith.constant 64 : index
    %swap3A_856 = tpu.vector_load %arg8[%swap3A_855] {strides = array<i32>} : memref<128xi32, #tpu.memory_space<vmem>>, vector<16xi32>,
    %swap3A_857 = vector.shape_cast %swap3A_856 : vector<16xi32> to vector<16xi32>
    %swap3A_858 = vector.shape_cast %add3A_854 : vector<16xi32> to vector<16xi32>
    tpu.vector_store %arg8[%swap3A_855], %swap3A_858 {strides = array<i32>} : memref<128xi32, #tpu.memory_space<vmem>>, vector<16xi32>,
    %get3A_859 = arith.constant 80 : index
    %get3A_860 = tpu.vector_load %arg7[%get3A_859] {strides = array<i32>} : memref<256xi32, #tpu.memory_space<vmem>>, vector<16xi32>,
    %get3A_861 = vector.shape_cast %get3A_860 : vector<16xi32> to vector<16xi32>
    %add3A_862 = arith.constant 20480 : i32
    %add3A_863 = vector.broadcast %add3A_862 : i32 to vector<16xi32>
    %add3A_864 = arith.addi %get3A_861, %add3A_863 : vector<16xi32>
    %add3A_865 = vector.broadcast %mul3A_4 : i32 to vector<16xi32>
    %add3A_866 = arith.addi %add3A_864, %add3A_865 : vector<16xi32>
    %swap3A_867 = arith.constant 80 : index
    %swap3A_868 = tpu.vector_load %arg8[%swap3A_867] {strides = array<i32>} : memref<128xi32, #tpu.memory_space<vmem>>, vector<16xi32>,
    %swap3A_869 = vector.shape_cast %swap3A_868 : vector<16xi32> to vector<16xi32>
    %swap3A_870 = vector.shape_cast %add3A_866 : vector<16xi32> to vector<16xi32>
    tpu.vector_store %arg8[%swap3A_867], %swap3A_870 {strides = array<i32>} : memref<128xi32, #tpu.memory_space<vmem>>, vector<16xi32>,
    %get3A_871 = arith.constant 96 : index
    %get3A_872 = tpu.vector_load %arg7[%get3A_871] {strides = array<i32>} : memref<256xi32, #tpu.memory_space<vmem>>, vector<16xi32>,
    %get3A_873 = vector.shape_cast %get3A_872 : vector<16xi32> to vector<16xi32>
    %add3A_874 = arith.constant 24576 : i32
    %add3A_875 = vector.broadcast %add3A_874 : i32 to vector<16xi32>
    %add3A_876 = arith.addi %get3A_873, %add3A_875 : vector<16xi32>
    %add3A_877 = vector.broadcast %mul3A_4 : i32 to vector<16xi32>
    %add3A_878 = arith.addi %add3A_876, %add3A_877 : vector<16xi32>
    %swap3A_879 = arith.constant 96 : index
    %swap3A_880 = tpu.vector_load %arg8[%swap3A_879] {strides = array<i32>} : memref<128xi32, #tpu.memory_space<vmem>>, vector<16xi32>,
    %swap3A_881 = vector.shape_cast %swap3A_880 : vector<16xi32> to vector<16xi32>
    %swap3A_882 = vector.shape_cast %add3A_878 : vector<16xi32> to vector<16xi32>
    tpu.vector_store %arg8[%swap3A_879], %swap3A_882 {strides = array<i32>} : memref<128xi32, #tpu.memory_space<vmem>>, vector<16xi32>,
    %get3A_883 = arith.constant 112 : index
    %get3A_884 = tpu.vector_load %arg7[%get3A_883] {strides = array<i32>} : memref<256xi32, #tpu.memory_space<vmem>>, vector<16xi32>,
    %get3A_885 = vector.shape_cast %get3A_884 : vector<16xi32> to vector<16xi32>
    %add3A_886 = arith.constant 28672 : i32
    %add3A_887 = vector.broadcast %add3A_886 : i32 to vector<16xi32>
    %add3A_888 = arith.addi %get3A_885, %add3A_887 : vector<16xi32>
    %add3A_889 = vector.broadcast %mul3A_4 : i32 to vector<16xi32>
    %add3A_890 = arith.addi %add3A_888, %add3A_889 : vector<16xi32>
    %swap3A_891 = arith.constant 112 : index
    %swap3A_892 = tpu.vector_load %arg8[%swap3A_891] {strides = array<i32>} : memref<128xi32, #tpu.memory_space<vmem>>, vector<16xi32>,
    %swap3A_893 = vector.shape_cast %swap3A_892 : vector<16xi32> to vector<16xi32>
    %swap3A_894 = vector.shape_cast %add3A_890 : vector<16xi32> to vector<16xi32>
    tpu.vector_store %arg8[%swap3A_891], %swap3A_894 {strides = array<i32>} : memref<128xi32, #tpu.memory_space<vmem>>, vector<16xi32>,
    %get3A_895 = arith.constant 128 : index
    %get3A_896 = tpu.vector_load %arg7[%get3A_895] {strides = array<i32>} : memref<256xi32, #tpu.memory_space<vmem>>, vector<16xi32>,
    %get3A_897 = vector.shape_cast %get3A_896 : vector<16xi32> to vector<16xi32>
    %add3A_898 = arith.constant 32768 : i32
    %add3A_899 = vector.broadcast %add3A_898 : i32 to vector<16xi32>
    %add3A_900 = arith.addi %get3A_897, %add3A_899 : vector<16xi32>
    %add3A_901 = vector.broadcast %mul3A_4 : i32 to vector<16xi32>
    %add3A_902 = arith.addi %add3A_900, %add3A_901 : vector<16xi32>
    %swap3A_903 = arith.constant 0 : index
    %swap3A_904 = tpu.vector_load %arg9[%swap3A_903] {strides = array<i32>} : memref<128xi32, #tpu.memory_space<vmem>>, vector<16xi32>,
    %swap3A_905 = vector.shape_cast %swap3A_904 : vector<16xi32> to vector<16xi32>
    %swap3A_906 = vector.shape_cast %add3A_902 : vector<16xi32> to vector<16xi32>
    tpu.vector_store %arg9[%swap3A_903], %swap3A_906 {strides = array<i32>} : memref<128xi32, #tpu.memory_space<vmem>>, vector<16xi32>,
    %get3A_907 = arith.constant 144 : index
    %get3A_908 = tpu.vector_load %arg7[%get3A_907] {strides = array<i32>} : memref<256xi32, #tpu.memory_space<vmem>>, vector<16xi32>,
    %get3A_909 = vector.shape_cast %get3A_908 : vector<16xi32> to vector<16xi32>
    %add3A_910 = arith.constant 36864 : i32
    %add3A_911 = vector.broadcast %add3A_910 : i32 to vector<16xi32>
    %add3A_912 = arith.addi %get3A_909, %add3A_911 : vector<16xi32>
    %add3A_913 = vector.broadcast %mul3A_4 : i32 to vector<16xi32>
    %add3A_914 = arith.addi %add3A_912, %add3A_913 : vector<16xi32>
    %swap3A_915 = arith.constant 16 : index
    %swap3A_916 = tpu.vector_load %arg9[%swap3A_915] {strides = array<i32>} : memref<128xi32, #tpu.memory_space<vmem>>, vector<16xi32>,
    %swap3A_917 = vector.shape_cast %swap3A_916 : vector<16xi32> to vector<16xi32>
    %swap3A_918 = vector.shape_cast %add3A_914 : vector<16xi32> to vector<16xi32>
    tpu.vector_store %arg9[%swap3A_915], %swap3A_918 {strides = array<i32>} : memref<128xi32, #tpu.memory_space<vmem>>, vector<16xi32>,
    %get3A_919 = arith.constant 160 : index
    %get3A_920 = tpu.vector_load %arg7[%get3A_919] {strides = array<i32>} : memref<256xi32, #tpu.memory_space<vmem>>, vector<16xi32>,
    %get3A_921 = vector.shape_cast %get3A_920 : vector<16xi32> to vector<16xi32>
    %add3A_922 = arith.constant 40960 : i32
    %add3A_923 = vector.broadcast %add3A_922 : i32 to vector<16xi32>
    %add3A_924 = arith.addi %get3A_921, %add3A_923 : vector<16xi32>
    %add3A_925 = vector.broadcast %mul3A_4 : i32 to vector<16xi32>
    %add3A_926 = arith.addi %add3A_924, %add3A_925 : vector<16xi32>
    %swap3A_927 = arith.constant 32 : index
    %swap3A_928 = tpu.vector_load %arg9[%swap3A_927] {strides = array<i32>} : memref<128xi32, #tpu.memory_space<vmem>>, vector<16xi32>,
    %swap3A_929 = vector.shape_cast %swap3A_928 : vector<16xi32> to vector<16xi32>
    %swap3A_930 = vector.shape_cast %add3A_926 : vector<16xi32> to vector<16xi32>
    tpu.vector_store %arg9[%swap3A_927], %swap3A_930 {strides = array<i32>} : memref<128xi32, #tpu.memory_space<vmem>>, vector<16xi32>,
    %get3A_931 = arith.constant 176 : index
    %get3A_932 = tpu.vector_load %arg7[%get3A_931] {strides = array<i32>} : memref<256xi32, #tpu.memory_space<vmem>>, vector<16xi32>,
    %get3A_933 = vector.shape_cast %get3A_932 : vector<16xi32> to vector<16xi32>
    %add3A_934 = arith.constant 45056 : i32
    %add3A_935 = vector.broadcast %add3A_934 : i32 to vector<16xi32>
    %add3A_936 = arith.addi %get3A_933, %add3A_935 : vector<16xi32>
    %add3A_937 = vector.broadcast %mul3A_4 : i32 to vector<16xi32>
    %add3A_938 = arith.addi %add3A_936, %add3A_937 : vector<16xi32>
    %swap3A_939 = arith.constant 48 : index
    %swap3A_940 = tpu.vector_load %arg9[%swap3A_939] {strides = array<i32>} : memref<128xi32, #tpu.memory_space<vmem>>, vector<16xi32>,
    %swap3A_941 = vector.shape_cast %swap3A_940 : vector<16xi32> to vector<16xi32>
    %swap3A_942 = vector.shape_cast %add3A_938 : vector<16xi32> to vector<16xi32>
    tpu.vector_store %arg9[%swap3A_939], %swap3A_942 {strides = array<i32>} : memref<128xi32, #tpu.memory_space<vmem>>, vector<16xi32>,
    %get3A_943 = arith.constant 192 : index
    %get3A_944 = tpu.vector_load %arg7[%get3A_943] {strides = array<i32>} : memref<256xi32, #tpu.memory_space<vmem>>, vector<16xi32>,
    %get3A_945 = vector.shape_cast %get3A_944 : vector<16xi32> to vector<16xi32>
    %add3A_946 = arith.constant 49152 : i32
    %add3A_947 = vector.broadcast %add3A_946 : i32 to vector<16xi32>
    %add3A_948 = arith.addi %get3A_945, %add3A_947 : vector<16xi32>
    %add3A_949 = vector.broadcast %mul3A_4 : i32 to vector<16xi32>
    %add3A_950 = arith.addi %add3A_948, %add3A_949 : vector<16xi32>
    %swap3A_951 = arith.constant 64 : index
    %swap3A_952 = tpu.vector_load %arg9[%swap3A_951] {strides = array<i32>} : memref<128xi32, #tpu.memory_space<vmem>>, vector<16xi32>,
    %swap3A_953 = vector.shape_cast %swap3A_952 : vector<16xi32> to vector<16xi32>
    %swap3A_954 = vector.shape_cast %add3A_950 : vector<16xi32> to vector<16xi32>
    tpu.vector_store %arg9[%swap3A_951], %swap3A_954 {strides = array<i32>} : memref<128xi32, #tpu.memory_space<vmem>>, vector<16xi32>,
    %get3A_955 = arith.constant 208 : index
    %get3A_956 = tpu.vector_load %arg7[%get3A_955] {strides = array<i32>} : memref<256xi32, #tpu.memory_space<vmem>>, vector<16xi32>,
    %get3A_957 = vector.shape_cast %get3A_956 : vector<16xi32> to vector<16xi32>
    %add3A_958 = arith.constant 53248 : i32
    %add3A_959 = vector.broadcast %add3A_958 : i32 to vector<16xi32>
    %add3A_960 = arith.addi %get3A_957, %add3A_959 : vector<16xi32>
    %add3A_961 = vector.broadcast %mul3A_4 : i32 to vector<16xi32>
    %add3A_962 = arith.addi %add3A_960, %add3A_961 : vector<16xi32>
    %swap3A_963 = arith.constant 80 : index
    %swap3A_964 = tpu.vector_load %arg9[%swap3A_963] {strides = array<i32>} : memref<128xi32, #tpu.memory_space<vmem>>, vector<16xi32>,
    %swap3A_965 = vector.shape_cast %swap3A_964 : vector<16xi32> to vector<16xi32>
    %swap3A_966 = vector.shape_cast %add3A_962 : vector<16xi32> to vector<16xi32>
    tpu.vector_store %arg9[%swap3A_963], %swap3A_966 {strides = array<i32>} : memref<128xi32, #tpu.memory_space<vmem>>, vector<16xi32>,
    %get3A_967 = arith.constant 224 : index
    %get3A_968 = tpu.vector_load %arg7[%get3A_967] {strides = array<i32>} : memref<256xi32, #tpu.memory_space<vmem>>, vector<16xi32>,
    %get3A_969 = vector.shape_cast %get3A_968 : vector<16xi32> to vector<16xi32>
    %add3A_970 = arith.constant 57344 : i32
    %add3A_971 = vector.broadcast %add3A_970 : i32 to vector<16xi32>
    %add3A_972 = arith.addi %get3A_969, %add3A_971 : vector<16xi32>
    %add3A_973 = vector.broadcast %mul3A_4 : i32 to vector<16xi32>
    %add3A_974 = arith.addi %add3A_972, %add3A_973 : vector<16xi32>
    %swap3A_975 = arith.constant 96 : index
    %swap3A_976 = tpu.vector_load %arg9[%swap3A_975] {strides = array<i32>} : memref<128xi32, #tpu.memory_space<vmem>>, vector<16xi32>,
    %swap3A_977 = vector.shape_cast %swap3A_976 : vector<16xi32> to vector<16xi32>
    %swap3A_978 = vector.shape_cast %add3A_974 : vector<16xi32> to vector<16xi32>
    tpu.vector_store %arg9[%swap3A_975], %swap3A_978 {strides = array<i32>} : memref<128xi32, #tpu.memory_space<vmem>>, vector<16xi32>,
    %get3A_979 = arith.constant 240 : index
    %get3A_980 = tpu.vector_load %arg7[%get3A_979] {strides = array<i32>} : memref<256xi32, #tpu.memory_space<vmem>>, vector<16xi32>,
    %get3A_981 = vector.shape_cast %get3A_980 : vector<16xi32> to vector<16xi32>
    %add3A_982 = arith.constant 61440 : i32
    %add3A_983 = vector.broadcast %add3A_982 : i32 to vector<16xi32>
    %add3A_984 = arith.addi %get3A_981, %add3A_983 : vector<16xi32>
    %add3A_985 = vector.broadcast %mul3A_4 : i32 to vector<16xi32>
    %add3A_986 = arith.addi %add3A_984, %add3A_985 : vector<16xi32>
    %swap3A_987 = arith.constant 112 : index
    %swap3A_988 = tpu.vector_load %arg9[%swap3A_987] {strides = array<i32>} : memref<128xi32, #tpu.memory_space<vmem>>, vector<16xi32>,
    %swap3A_989 = vector.shape_cast %swap3A_988 : vector<16xi32> to vector<16xi32>
    %swap3A_990 = vector.shape_cast %add3A_986 : vector<16xi32> to vector<16xi32>
    tpu.vector_store %arg9[%swap3A_987], %swap3A_990 {strides = array<i32>} : memref<128xi32, #tpu.memory_space<vmem>>, vector<16xi32>,
    "tpu.region"() ({
      %run_scoped3A = tpu.sem_alloc : memref<!tpu.dma_semaphore, #tpu.memory_space<semaphore_mem>>
      %dma_start3A = arith.constant 0 : i32
      %dma_start3A_1587 = tpu.memref_slice %arg6[%dma_start3A] : memref<1048576xf32, #tpu.memory_space<vmem_shared>> -> memref<1048576xf32, #tpu.memory_space<vmem_shared>>
      tpu.enqueue_indirect_dma source(%arg10 : memref<128xf32, #tpu.memory_space<vmem>>) target(%dma_start3A_1587 : memref<1048576xf32, #tpu.memory_space<vmem_shared>>) offsets(%arg8 : memref<128xi32, #tpu.memory_space<vmem>>) semaphore(%run_scoped3A : memref<!tpu.dma_semaphore, #tpu.memory_space<semaphore_mem>>)
      %dma_wait3A = arith.constant 0 : i32
      %dma_wait3A_1588 = tpu.memref_slice %arg6[%dma_wait3A] : memref<1048576xf32, #tpu.memory_space<vmem_shared>> -> memref<1048576xf32, #tpu.memory_space<vmem_shared>>
      tpu.wait_indirect_dma semaphore(%run_scoped3A : memref<!tpu.dma_semaphore, #tpu.memory_space<semaphore_mem>>) src(%arg10 : memref<128xf32, #tpu.memory_space<vmem>>) dst(%dma_wait3A_1588 : memref<1048576xf32, #tpu.memory_space<vmem_shared>>)
      tpu.yield
    }) : () -> ()
    "tpu.region"() ({
      %run_scoped3A = tpu.sem_alloc : memref<!tpu.dma_semaphore, #tpu.memory_space<semaphore_mem>>
      %dma_start3A = arith.constant 0 : i32
      %dma_start3A_1587 = tpu.memref_slice %arg6[%dma_start3A] : memref<1048576xf32, #tpu.memory_space<vmem_shared>> -> memref<1048576xf32, #tpu.memory_space<vmem_shared>>
      tpu.enqueue_indirect_dma source(%arg10 : memref<128xf32, #tpu.memory_space<vmem>>) target(%dma_start3A_1587 : memref<1048576xf32, #tpu.memory_space<vmem_shared>>) offsets(%arg9 : memref<128xi32, #tpu.memory_space<vmem>>) semaphore(%run_scoped3A : memref<!tpu.dma_semaphore, #tpu.memory_space<semaphore_mem>>)
      %dma_wait3A = arith.constant 0 : i32
      %dma_wait3A_1588 = tpu.memref_slice %arg6[%dma_wait3A] : memref<1048576xf32, #tpu.memory_space<vmem_shared>> -> memref<1048576xf32, #tpu.memory_space<vmem_shared>>
      tpu.wait_indirect_dma semaphore(%run_scoped3A : memref<!tpu.dma_semaphore, #tpu.memory_space<semaphore_mem>>) src(%arg10 : memref<128xf32, #tpu.memory_space<vmem>>) dst(%dma_wait3A_1588 : memref<1048576xf32, #tpu.memory_space<vmem_shared>>)
      tpu.yield
    }) : () -> ()
    %mul3A_991 = arith.constant 4096 : i32
    %mul3A_992 = arith.muli %add3A_796, %mul3A_991 : i32
    "tpu.region"() ({
      %run_scoped3A = tpu.sem_alloc : memref<!tpu.dma_semaphore, #tpu.memory_space<semaphore_mem>>
      %dma_start3A = tpu.memref_slice %arg5[%mul3A_992] : memref<16777216xf32, #tpu.memory_space<hbm>> -> memref<65536xf32, #tpu.memory_space<hbm>>
      %dma_start3A_1587 = tpu.memref_slice %arg6[%mul3A_4] : memref<1048576xf32, #tpu.memory_space<vmem_shared>> -> memref<65536xf32, #tpu.memory_space<vmem_shared>>
      tpu.enqueue_dma source(%dma_start3A_1587 : memref<65536xf32, #tpu.memory_space<vmem_shared>>) target(%dma_start3A : memref<65536xf32, #tpu.memory_space<hbm>>) target_semaphore(%run_scoped3A : memref<!tpu.dma_semaphore, #tpu.memory_space<semaphore_mem>>)
      %dma_wait3A = tpu.memref_slice %arg5[%mul3A_992] : memref<16777216xf32, #tpu.memory_space<hbm>> -> memref<65536xf32, #tpu.memory_space<hbm>>
      %dma_wait3A_1588 = tpu.memref_slice %arg6[%mul3A_4] : memref<1048576xf32, #tpu.memory_space<vmem_shared>> -> memref<65536xf32, #tpu.memory_space<vmem_shared>>
      tpu.wait_dma2 semaphore(%run_scoped3A : memref<!tpu.dma_semaphore, #tpu.memory_space<semaphore_mem>>) src(%dma_wait3A_1588 : memref<65536xf32, #tpu.memory_space<vmem_shared>>) dst(%dma_wait3A : memref<65536xf32, #tpu.memory_space<hbm>>)
      tpu.yield
    }) : () -> ()
    "tpu.region"() ({
      %run_scoped3A = tpu.sem_alloc : memref<!tpu.dma_semaphore, #tpu.memory_space<semaphore_mem>>
      %dma_start3A = arith.constant 0 : i32
      %dma_start3A_1587 = tpu.memref_slice %arg6[%dma_start3A] : memref<1048576xf32, #tpu.memory_space<vmem_shared>> -> memref<1048576xf32, #tpu.memory_space<vmem_shared>>
      tpu.enqueue_indirect_dma source(%arg11 : memref<128xf32, #tpu.memory_space<vmem>>) target(%dma_start3A_1587 : memref<1048576xf32, #tpu.memory_space<vmem_shared>>) offsets(%arg8 : memref<128xi32, #tpu.memory_space<vmem>>) semaphore(%run_scoped3A : memref<!tpu.dma_semaphore, #tpu.memory_space<semaphore_mem>>)
      %dma_wait3A = arith.constant 0 : i32
      %dma_wait3A_1588 = tpu.memref_slice %arg6[%dma_wait3A] : memref<1048576xf32, #tpu.memory_space<vmem_shared>> -> memref<1048576xf32, #tpu.memory_space<vmem_shared>>
      tpu.wait_indirect_dma semaphore(%run_scoped3A : memref<!tpu.dma_semaphore, #tpu.memory_space<semaphore_mem>>) src(%arg11 : memref<128xf32, #tpu.memory_space<vmem>>) dst(%dma_wait3A_1588 : memref<1048576xf32, #tpu.memory_space<vmem_shared>>)
      tpu.yield
    }) : () -> ()
    "tpu.region"() ({
      %run_scoped3A = tpu.sem_alloc : memref<!tpu.dma_semaphore, #tpu.memory_space<semaphore_mem>>
      %dma_start3A = arith.constant 0 : i32
      %dma_start3A_1587 = tpu.memref_slice %arg6[%dma_start3A] : memref<1048576xf32, #tpu.memory_space<vmem_shared>> -> memref<1048576xf32, #tpu.memory_space<vmem_shared>>
      tpu.enqueue_indirect_dma source(%arg11 : memref<128xf32, #tpu.memory_space<vmem>>) target(%dma_start3A_1587 : memref<1048576xf32, #tpu.memory_space<vmem_shared>>) offsets(%arg9 : memref<128xi32, #tpu.memory_space<vmem>>) semaphore(%run_scoped3A : memref<!tpu.dma_semaphore, #tpu.memory_space<semaphore_mem>>)
      %dma_wait3A = arith.constant 0 : i32
      %dma_wait3A_1588 = tpu.memref_slice %arg6[%dma_wait3A] : memref<1048576xf32, #tpu.memory_space<vmem_shared>> -> memref<1048576xf32, #tpu.memory_space<vmem_shared>>
      tpu.wait_indirect_dma semaphore(%run_scoped3A : memref<!tpu.dma_semaphore, #tpu.memory_space<semaphore_mem>>) src(%arg11 : memref<128xf32, #tpu.memory_space<vmem>>) dst(%dma_wait3A_1588 : memref<1048576xf32, #tpu.memory_space<vmem_shared>>)
      tpu.yield
    }) : () -> ()
    %add3A_993 = arith.constant 80 : i32
    %add3A_994 = arith.addi %mul3A_2, %add3A_993 : i32
    %mul3A_995 = arith.constant 16 : i32
    %mul3A_996 = arith.muli %add3A_994, %mul3A_995 : i32
    "tpu.region"() ({
      %run_scoped3A = tpu.sem_alloc : memref<!tpu.dma_semaphore, #tpu.memory_space<semaphore_mem>>
      %dma_start3A = tpu.memref_slice %arg2[%mul3A_996] : memref<65536xi32, #tpu.memory_space<hbm>> -> memref<256xi32, #tpu.memory_space<hbm>>
      %dma_start3A_1587 = tpu.memref_slice %arg2[%mul3A_996] : memref<65536xi32, #tpu.memory_space<hbm>> -> memref<256xi32, #tpu.memory_space<hbm>>
      tpu.enqueue_dma source(%dma_start3A_1587 : memref<256xi32, #tpu.memory_space<hbm>>) target(%arg7 : memref<256xi32, #tpu.memory_space<vmem>>) target_semaphore(%run_scoped3A : memref<!tpu.dma_semaphore, #tpu.memory_space<semaphore_mem>>)
      %dma_wait3A = tpu.memref_slice %arg2[%mul3A_996] : memref<65536xi32, #tpu.memory_space<hbm>> -> memref<256xi32, #tpu.memory_space<hbm>>
      %dma_wait3A_1588 = tpu.memref_slice %arg2[%mul3A_996] : memref<65536xi32, #tpu.memory_space<hbm>> -> memref<256xi32, #tpu.memory_space<hbm>>
      tpu.wait_dma2 semaphore(%run_scoped3A : memref<!tpu.dma_semaphore, #tpu.memory_space<semaphore_mem>>) src(%dma_wait3A_1588 : memref<256xi32, #tpu.memory_space<hbm>>) dst(%arg7 : memref<256xi32, #tpu.memory_space<vmem>>)
      tpu.yield
    }) : () -> ()
    %get3A_997 = arith.constant 0 : index
    %get3A_998 = tpu.vector_load %arg7[%get3A_997] {strides = array<i32>} : memref<256xi32, #tpu.memory_space<vmem>>, vector<16xi32>,
    %get3A_999 = vector.shape_cast %get3A_998 : vector<16xi32> to vector<16xi32>
    %add3A_1000 = arith.constant 0 : i32
    %add3A_1001 = vector.broadcast %add3A_1000 : i32 to vector<16xi32>
    %add3A_1002 = arith.addi %get3A_999, %add3A_1001 : vector<16xi32>
    %add3A_1003 = vector.broadcast %mul3A_4 : i32 to vector<16xi32>
    %add3A_1004 = arith.addi %add3A_1002, %add3A_1003 : vector<16xi32>
    %swap3A_1005 = arith.constant 0 : index
    %swap3A_1006 = tpu.vector_load %arg8[%swap3A_1005] {strides = array<i32>} : memref<128xi32, #tpu.memory_space<vmem>>, vector<16xi32>,
    %swap3A_1007 = vector.shape_cast %swap3A_1006 : vector<16xi32> to vector<16xi32>
    %swap3A_1008 = vector.shape_cast %add3A_1004 : vector<16xi32> to vector<16xi32>
    tpu.vector_store %arg8[%swap3A_1005], %swap3A_1008 {strides = array<i32>} : memref<128xi32, #tpu.memory_space<vmem>>, vector<16xi32>,
    %get3A_1009 = arith.constant 16 : index
    %get3A_1010 = tpu.vector_load %arg7[%get3A_1009] {strides = array<i32>} : memref<256xi32, #tpu.memory_space<vmem>>, vector<16xi32>,
    %get3A_1011 = vector.shape_cast %get3A_1010 : vector<16xi32> to vector<16xi32>
    %add3A_1012 = arith.constant 4096 : i32
    %add3A_1013 = vector.broadcast %add3A_1012 : i32 to vector<16xi32>
    %add3A_1014 = arith.addi %get3A_1011, %add3A_1013 : vector<16xi32>
    %add3A_1015 = vector.broadcast %mul3A_4 : i32 to vector<16xi32>
    %add3A_1016 = arith.addi %add3A_1014, %add3A_1015 : vector<16xi32>
    %swap3A_1017 = arith.constant 16 : index
    %swap3A_1018 = tpu.vector_load %arg8[%swap3A_1017] {strides = array<i32>} : memref<128xi32, #tpu.memory_space<vmem>>, vector<16xi32>,
    %swap3A_1019 = vector.shape_cast %swap3A_1018 : vector<16xi32> to vector<16xi32>
    %swap3A_1020 = vector.shape_cast %add3A_1016 : vector<16xi32> to vector<16xi32>
    tpu.vector_store %arg8[%swap3A_1017], %swap3A_1020 {strides = array<i32>} : memref<128xi32, #tpu.memory_space<vmem>>, vector<16xi32>,
    %get3A_1021 = arith.constant 32 : index
    %get3A_1022 = tpu.vector_load %arg7[%get3A_1021] {strides = array<i32>} : memref<256xi32, #tpu.memory_space<vmem>>, vector<16xi32>,
    %get3A_1023 = vector.shape_cast %get3A_1022 : vector<16xi32> to vector<16xi32>
    %add3A_1024 = arith.constant 8192 : i32
    %add3A_1025 = vector.broadcast %add3A_1024 : i32 to vector<16xi32>
    %add3A_1026 = arith.addi %get3A_1023, %add3A_1025 : vector<16xi32>
    %add3A_1027 = vector.broadcast %mul3A_4 : i32 to vector<16xi32>
    %add3A_1028 = arith.addi %add3A_1026, %add3A_1027 : vector<16xi32>
    %swap3A_1029 = arith.constant 32 : index
    %swap3A_1030 = tpu.vector_load %arg8[%swap3A_1029] {strides = array<i32>} : memref<128xi32, #tpu.memory_space<vmem>>, vector<16xi32>,
    %swap3A_1031 = vector.shape_cast %swap3A_1030 : vector<16xi32> to vector<16xi32>
    %swap3A_1032 = vector.shape_cast %add3A_1028 : vector<16xi32> to vector<16xi32>
    tpu.vector_store %arg8[%swap3A_1029], %swap3A_1032 {strides = array<i32>} : memref<128xi32, #tpu.memory_space<vmem>>, vector<16xi32>,
    %get3A_1033 = arith.constant 48 : index
    %get3A_1034 = tpu.vector_load %arg7[%get3A_1033] {strides = array<i32>} : memref<256xi32, #tpu.memory_space<vmem>>, vector<16xi32>,
    %get3A_1035 = vector.shape_cast %get3A_1034 : vector<16xi32> to vector<16xi32>
    %add3A_1036 = arith.constant 12288 : i32
    %add3A_1037 = vector.broadcast %add3A_1036 : i32 to vector<16xi32>
    %add3A_1038 = arith.addi %get3A_1035, %add3A_1037 : vector<16xi32>
    %add3A_1039 = vector.broadcast %mul3A_4 : i32 to vector<16xi32>
    %add3A_1040 = arith.addi %add3A_1038, %add3A_1039 : vector<16xi32>
    %swap3A_1041 = arith.constant 48 : index
    %swap3A_1042 = tpu.vector_load %arg8[%swap3A_1041] {strides = array<i32>} : memref<128xi32, #tpu.memory_space<vmem>>, vector<16xi32>,
    %swap3A_1043 = vector.shape_cast %swap3A_1042 : vector<16xi32> to vector<16xi32>
    %swap3A_1044 = vector.shape_cast %add3A_1040 : vector<16xi32> to vector<16xi32>
    tpu.vector_store %arg8[%swap3A_1041], %swap3A_1044 {strides = array<i32>} : memref<128xi32, #tpu.memory_space<vmem>>, vector<16xi32>,
    %get3A_1045 = arith.constant 64 : index
    %get3A_1046 = tpu.vector_load %arg7[%get3A_1045] {strides = array<i32>} : memref<256xi32, #tpu.memory_space<vmem>>, vector<16xi32>,
    %get3A_1047 = vector.shape_cast %get3A_1046 : vector<16xi32> to vector<16xi32>
    %add3A_1048 = arith.constant 16384 : i32
    %add3A_1049 = vector.broadcast %add3A_1048 : i32 to vector<16xi32>
    %add3A_1050 = arith.addi %get3A_1047, %add3A_1049 : vector<16xi32>
    %add3A_1051 = vector.broadcast %mul3A_4 : i32 to vector<16xi32>
    %add3A_1052 = arith.addi %add3A_1050, %add3A_1051 : vector<16xi32>
    %swap3A_1053 = arith.constant 64 : index
    %swap3A_1054 = tpu.vector_load %arg8[%swap3A_1053] {strides = array<i32>} : memref<128xi32, #tpu.memory_space<vmem>>, vector<16xi32>,
    %swap3A_1055 = vector.shape_cast %swap3A_1054 : vector<16xi32> to vector<16xi32>
    %swap3A_1056 = vector.shape_cast %add3A_1052 : vector<16xi32> to vector<16xi32>
    tpu.vector_store %arg8[%swap3A_1053], %swap3A_1056 {strides = array<i32>} : memref<128xi32, #tpu.memory_space<vmem>>, vector<16xi32>,
    %get3A_1057 = arith.constant 80 : index
    %get3A_1058 = tpu.vector_load %arg7[%get3A_1057] {strides = array<i32>} : memref<256xi32, #tpu.memory_space<vmem>>, vector<16xi32>,
    %get3A_1059 = vector.shape_cast %get3A_1058 : vector<16xi32> to vector<16xi32>
    %add3A_1060 = arith.constant 20480 : i32
    %add3A_1061 = vector.broadcast %add3A_1060 : i32 to vector<16xi32>
    %add3A_1062 = arith.addi %get3A_1059, %add3A_1061 : vector<16xi32>
    %add3A_1063 = vector.broadcast %mul3A_4 : i32 to vector<16xi32>
    %add3A_1064 = arith.addi %add3A_1062, %add3A_1063 : vector<16xi32>
    %swap3A_1065 = arith.constant 80 : index
    %swap3A_1066 = tpu.vector_load %arg8[%swap3A_1065] {strides = array<i32>} : memref<128xi32, #tpu.memory_space<vmem>>, vector<16xi32>,
    %swap3A_1067 = vector.shape_cast %swap3A_1066 : vector<16xi32> to vector<16xi32>
    %swap3A_1068 = vector.shape_cast %add3A_1064 : vector<16xi32> to vector<16xi32>
    tpu.vector_store %arg8[%swap3A_1065], %swap3A_1068 {strides = array<i32>} : memref<128xi32, #tpu.memory_space<vmem>>, vector<16xi32>,
    %get3A_1069 = arith.constant 96 : index
    %get3A_1070 = tpu.vector_load %arg7[%get3A_1069] {strides = array<i32>} : memref<256xi32, #tpu.memory_space<vmem>>, vector<16xi32>,
    %get3A_1071 = vector.shape_cast %get3A_1070 : vector<16xi32> to vector<16xi32>
    %add3A_1072 = arith.constant 24576 : i32
    %add3A_1073 = vector.broadcast %add3A_1072 : i32 to vector<16xi32>
    %add3A_1074 = arith.addi %get3A_1071, %add3A_1073 : vector<16xi32>
    %add3A_1075 = vector.broadcast %mul3A_4 : i32 to vector<16xi32>
    %add3A_1076 = arith.addi %add3A_1074, %add3A_1075 : vector<16xi32>
    %swap3A_1077 = arith.constant 96 : index
    %swap3A_1078 = tpu.vector_load %arg8[%swap3A_1077] {strides = array<i32>} : memref<128xi32, #tpu.memory_space<vmem>>, vector<16xi32>,
    %swap3A_1079 = vector.shape_cast %swap3A_1078 : vector<16xi32> to vector<16xi32>
    %swap3A_1080 = vector.shape_cast %add3A_1076 : vector<16xi32> to vector<16xi32>
    tpu.vector_store %arg8[%swap3A_1077], %swap3A_1080 {strides = array<i32>} : memref<128xi32, #tpu.memory_space<vmem>>, vector<16xi32>,
    %get3A_1081 = arith.constant 112 : index
    %get3A_1082 = tpu.vector_load %arg7[%get3A_1081] {strides = array<i32>} : memref<256xi32, #tpu.memory_space<vmem>>, vector<16xi32>,
    %get3A_1083 = vector.shape_cast %get3A_1082 : vector<16xi32> to vector<16xi32>
    %add3A_1084 = arith.constant 28672 : i32
    %add3A_1085 = vector.broadcast %add3A_1084 : i32 to vector<16xi32>
    %add3A_1086 = arith.addi %get3A_1083, %add3A_1085 : vector<16xi32>
    %add3A_1087 = vector.broadcast %mul3A_4 : i32 to vector<16xi32>
    %add3A_1088 = arith.addi %add3A_1086, %add3A_1087 : vector<16xi32>
    %swap3A_1089 = arith.constant 112 : index
    %swap3A_1090 = tpu.vector_load %arg8[%swap3A_1089] {strides = array<i32>} : memref<128xi32, #tpu.memory_space<vmem>>, vector<16xi32>,
    %swap3A_1091 = vector.shape_cast %swap3A_1090 : vector<16xi32> to vector<16xi32>
    %swap3A_1092 = vector.shape_cast %add3A_1088 : vector<16xi32> to vector<16xi32>
    tpu.vector_store %arg8[%swap3A_1089], %swap3A_1092 {strides = array<i32>} : memref<128xi32, #tpu.memory_space<vmem>>, vector<16xi32>,
    %get3A_1093 = arith.constant 128 : index
    %get3A_1094 = tpu.vector_load %arg7[%get3A_1093] {strides = array<i32>} : memref<256xi32, #tpu.memory_space<vmem>>, vector<16xi32>,
    %get3A_1095 = vector.shape_cast %get3A_1094 : vector<16xi32> to vector<16xi32>
    %add3A_1096 = arith.constant 32768 : i32
    %add3A_1097 = vector.broadcast %add3A_1096 : i32 to vector<16xi32>
    %add3A_1098 = arith.addi %get3A_1095, %add3A_1097 : vector<16xi32>
    %add3A_1099 = vector.broadcast %mul3A_4 : i32 to vector<16xi32>
    %add3A_1100 = arith.addi %add3A_1098, %add3A_1099 : vector<16xi32>
    %swap3A_1101 = arith.constant 0 : index
    %swap3A_1102 = tpu.vector_load %arg9[%swap3A_1101] {strides = array<i32>} : memref<128xi32, #tpu.memory_space<vmem>>, vector<16xi32>,
    %swap3A_1103 = vector.shape_cast %swap3A_1102 : vector<16xi32> to vector<16xi32>
    %swap3A_1104 = vector.shape_cast %add3A_1100 : vector<16xi32> to vector<16xi32>
    tpu.vector_store %arg9[%swap3A_1101], %swap3A_1104 {strides = array<i32>} : memref<128xi32, #tpu.memory_space<vmem>>, vector<16xi32>,
    %get3A_1105 = arith.constant 144 : index
    %get3A_1106 = tpu.vector_load %arg7[%get3A_1105] {strides = array<i32>} : memref<256xi32, #tpu.memory_space<vmem>>, vector<16xi32>,
    %get3A_1107 = vector.shape_cast %get3A_1106 : vector<16xi32> to vector<16xi32>
    %add3A_1108 = arith.constant 36864 : i32
    %add3A_1109 = vector.broadcast %add3A_1108 : i32 to vector<16xi32>
    %add3A_1110 = arith.addi %get3A_1107, %add3A_1109 : vector<16xi32>
    %add3A_1111 = vector.broadcast %mul3A_4 : i32 to vector<16xi32>
    %add3A_1112 = arith.addi %add3A_1110, %add3A_1111 : vector<16xi32>
    %swap3A_1113 = arith.constant 16 : index
    %swap3A_1114 = tpu.vector_load %arg9[%swap3A_1113] {strides = array<i32>} : memref<128xi32, #tpu.memory_space<vmem>>, vector<16xi32>,
    %swap3A_1115 = vector.shape_cast %swap3A_1114 : vector<16xi32> to vector<16xi32>
    %swap3A_1116 = vector.shape_cast %add3A_1112 : vector<16xi32> to vector<16xi32>
    tpu.vector_store %arg9[%swap3A_1113], %swap3A_1116 {strides = array<i32>} : memref<128xi32, #tpu.memory_space<vmem>>, vector<16xi32>,
    %get3A_1117 = arith.constant 160 : index
    %get3A_1118 = tpu.vector_load %arg7[%get3A_1117] {strides = array<i32>} : memref<256xi32, #tpu.memory_space<vmem>>, vector<16xi32>,
    %get3A_1119 = vector.shape_cast %get3A_1118 : vector<16xi32> to vector<16xi32>
    %add3A_1120 = arith.constant 40960 : i32
    %add3A_1121 = vector.broadcast %add3A_1120 : i32 to vector<16xi32>
    %add3A_1122 = arith.addi %get3A_1119, %add3A_1121 : vector<16xi32>
    %add3A_1123 = vector.broadcast %mul3A_4 : i32 to vector<16xi32>
    %add3A_1124 = arith.addi %add3A_1122, %add3A_1123 : vector<16xi32>
    %swap3A_1125 = arith.constant 32 : index
    %swap3A_1126 = tpu.vector_load %arg9[%swap3A_1125] {strides = array<i32>} : memref<128xi32, #tpu.memory_space<vmem>>, vector<16xi32>,
    %swap3A_1127 = vector.shape_cast %swap3A_1126 : vector<16xi32> to vector<16xi32>
    %swap3A_1128 = vector.shape_cast %add3A_1124 : vector<16xi32> to vector<16xi32>
    tpu.vector_store %arg9[%swap3A_1125], %swap3A_1128 {strides = array<i32>} : memref<128xi32, #tpu.memory_space<vmem>>, vector<16xi32>,
    %get3A_1129 = arith.constant 176 : index
    %get3A_1130 = tpu.vector_load %arg7[%get3A_1129] {strides = array<i32>} : memref<256xi32, #tpu.memory_space<vmem>>, vector<16xi32>,
    %get3A_1131 = vector.shape_cast %get3A_1130 : vector<16xi32> to vector<16xi32>
    %add3A_1132 = arith.constant 45056 : i32
    %add3A_1133 = vector.broadcast %add3A_1132 : i32 to vector<16xi32>
    %add3A_1134 = arith.addi %get3A_1131, %add3A_1133 : vector<16xi32>
    %add3A_1135 = vector.broadcast %mul3A_4 : i32 to vector<16xi32>
    %add3A_1136 = arith.addi %add3A_1134, %add3A_1135 : vector<16xi32>
    %swap3A_1137 = arith.constant 48 : index
    %swap3A_1138 = tpu.vector_load %arg9[%swap3A_1137] {strides = array<i32>} : memref<128xi32, #tpu.memory_space<vmem>>, vector<16xi32>,
    %swap3A_1139 = vector.shape_cast %swap3A_1138 : vector<16xi32> to vector<16xi32>
    %swap3A_1140 = vector.shape_cast %add3A_1136 : vector<16xi32> to vector<16xi32>
    tpu.vector_store %arg9[%swap3A_1137], %swap3A_1140 {strides = array<i32>} : memref<128xi32, #tpu.memory_space<vmem>>, vector<16xi32>,
    %get3A_1141 = arith.constant 192 : index
    %get3A_1142 = tpu.vector_load %arg7[%get3A_1141] {strides = array<i32>} : memref<256xi32, #tpu.memory_space<vmem>>, vector<16xi32>,
    %get3A_1143 = vector.shape_cast %get3A_1142 : vector<16xi32> to vector<16xi32>
    %add3A_1144 = arith.constant 49152 : i32
    %add3A_1145 = vector.broadcast %add3A_1144 : i32 to vector<16xi32>
    %add3A_1146 = arith.addi %get3A_1143, %add3A_1145 : vector<16xi32>
    %add3A_1147 = vector.broadcast %mul3A_4 : i32 to vector<16xi32>
    %add3A_1148 = arith.addi %add3A_1146, %add3A_1147 : vector<16xi32>
    %swap3A_1149 = arith.constant 64 : index
    %swap3A_1150 = tpu.vector_load %arg9[%swap3A_1149] {strides = array<i32>} : memref<128xi32, #tpu.memory_space<vmem>>, vector<16xi32>,
    %swap3A_1151 = vector.shape_cast %swap3A_1150 : vector<16xi32> to vector<16xi32>
    %swap3A_1152 = vector.shape_cast %add3A_1148 : vector<16xi32> to vector<16xi32>
    tpu.vector_store %arg9[%swap3A_1149], %swap3A_1152 {strides = array<i32>} : memref<128xi32, #tpu.memory_space<vmem>>, vector<16xi32>,
    %get3A_1153 = arith.constant 208 : index
    %get3A_1154 = tpu.vector_load %arg7[%get3A_1153] {strides = array<i32>} : memref<256xi32, #tpu.memory_space<vmem>>, vector<16xi32>,
    %get3A_1155 = vector.shape_cast %get3A_1154 : vector<16xi32> to vector<16xi32>
    %add3A_1156 = arith.constant 53248 : i32
    %add3A_1157 = vector.broadcast %add3A_1156 : i32 to vector<16xi32>
    %add3A_1158 = arith.addi %get3A_1155, %add3A_1157 : vector<16xi32>
    %add3A_1159 = vector.broadcast %mul3A_4 : i32 to vector<16xi32>
    %add3A_1160 = arith.addi %add3A_1158, %add3A_1159 : vector<16xi32>
    %swap3A_1161 = arith.constant 80 : index
    %swap3A_1162 = tpu.vector_load %arg9[%swap3A_1161] {strides = array<i32>} : memref<128xi32, #tpu.memory_space<vmem>>, vector<16xi32>,
    %swap3A_1163 = vector.shape_cast %swap3A_1162 : vector<16xi32> to vector<16xi32>
    %swap3A_1164 = vector.shape_cast %add3A_1160 : vector<16xi32> to vector<16xi32>
    tpu.vector_store %arg9[%swap3A_1161], %swap3A_1164 {strides = array<i32>} : memref<128xi32, #tpu.memory_space<vmem>>, vector<16xi32>,
    %get3A_1165 = arith.constant 224 : index
    %get3A_1166 = tpu.vector_load %arg7[%get3A_1165] {strides = array<i32>} : memref<256xi32, #tpu.memory_space<vmem>>, vector<16xi32>,
    %get3A_1167 = vector.shape_cast %get3A_1166 : vector<16xi32> to vector<16xi32>
    %add3A_1168 = arith.constant 57344 : i32
    %add3A_1169 = vector.broadcast %add3A_1168 : i32 to vector<16xi32>
    %add3A_1170 = arith.addi %get3A_1167, %add3A_1169 : vector<16xi32>
    %add3A_1171 = vector.broadcast %mul3A_4 : i32 to vector<16xi32>
    %add3A_1172 = arith.addi %add3A_1170, %add3A_1171 : vector<16xi32>
    %swap3A_1173 = arith.constant 96 : index
    %swap3A_1174 = tpu.vector_load %arg9[%swap3A_1173] {strides = array<i32>} : memref<128xi32, #tpu.memory_space<vmem>>, vector<16xi32>,
    %swap3A_1175 = vector.shape_cast %swap3A_1174 : vector<16xi32> to vector<16xi32>
    %swap3A_1176 = vector.shape_cast %add3A_1172 : vector<16xi32> to vector<16xi32>
    tpu.vector_store %arg9[%swap3A_1173], %swap3A_1176 {strides = array<i32>} : memref<128xi32, #tpu.memory_space<vmem>>, vector<16xi32>,
    %get3A_1177 = arith.constant 240 : index
    %get3A_1178 = tpu.vector_load %arg7[%get3A_1177] {strides = array<i32>} : memref<256xi32, #tpu.memory_space<vmem>>, vector<16xi32>,
    %get3A_1179 = vector.shape_cast %get3A_1178 : vector<16xi32> to vector<16xi32>
    %add3A_1180 = arith.constant 61440 : i32
    %add3A_1181 = vector.broadcast %add3A_1180 : i32 to vector<16xi32>
    %add3A_1182 = arith.addi %get3A_1179, %add3A_1181 : vector<16xi32>
    %add3A_1183 = vector.broadcast %mul3A_4 : i32 to vector<16xi32>
    %add3A_1184 = arith.addi %add3A_1182, %add3A_1183 : vector<16xi32>
    %swap3A_1185 = arith.constant 112 : index
    %swap3A_1186 = tpu.vector_load %arg9[%swap3A_1185] {strides = array<i32>} : memref<128xi32, #tpu.memory_space<vmem>>, vector<16xi32>,
    %swap3A_1187 = vector.shape_cast %swap3A_1186 : vector<16xi32> to vector<16xi32>
    %swap3A_1188 = vector.shape_cast %add3A_1184 : vector<16xi32> to vector<16xi32>
    tpu.vector_store %arg9[%swap3A_1185], %swap3A_1188 {strides = array<i32>} : memref<128xi32, #tpu.memory_space<vmem>>, vector<16xi32>,
    "tpu.region"() ({
      %run_scoped3A = tpu.sem_alloc : memref<!tpu.dma_semaphore, #tpu.memory_space<semaphore_mem>>
      %dma_start3A = arith.constant 0 : i32
      %dma_start3A_1587 = tpu.memref_slice %arg6[%dma_start3A] : memref<1048576xf32, #tpu.memory_space<vmem_shared>> -> memref<1048576xf32, #tpu.memory_space<vmem_shared>>
      tpu.enqueue_indirect_dma source(%arg10 : memref<128xf32, #tpu.memory_space<vmem>>) target(%dma_start3A_1587 : memref<1048576xf32, #tpu.memory_space<vmem_shared>>) offsets(%arg8 : memref<128xi32, #tpu.memory_space<vmem>>) semaphore(%run_scoped3A : memref<!tpu.dma_semaphore, #tpu.memory_space<semaphore_mem>>)
      %dma_wait3A = arith.constant 0 : i32
      %dma_wait3A_1588 = tpu.memref_slice %arg6[%dma_wait3A] : memref<1048576xf32, #tpu.memory_space<vmem_shared>> -> memref<1048576xf32, #tpu.memory_space<vmem_shared>>
      tpu.wait_indirect_dma semaphore(%run_scoped3A : memref<!tpu.dma_semaphore, #tpu.memory_space<semaphore_mem>>) src(%arg10 : memref<128xf32, #tpu.memory_space<vmem>>) dst(%dma_wait3A_1588 : memref<1048576xf32, #tpu.memory_space<vmem_shared>>)
      tpu.yield
    }) : () -> ()
    "tpu.region"() ({
      %run_scoped3A = tpu.sem_alloc : memref<!tpu.dma_semaphore, #tpu.memory_space<semaphore_mem>>
      %dma_start3A = arith.constant 0 : i32
      %dma_start3A_1587 = tpu.memref_slice %arg6[%dma_start3A] : memref<1048576xf32, #tpu.memory_space<vmem_shared>> -> memref<1048576xf32, #tpu.memory_space<vmem_shared>>
      tpu.enqueue_indirect_dma source(%arg10 : memref<128xf32, #tpu.memory_space<vmem>>) target(%dma_start3A_1587 : memref<1048576xf32, #tpu.memory_space<vmem_shared>>) offsets(%arg9 : memref<128xi32, #tpu.memory_space<vmem>>) semaphore(%run_scoped3A : memref<!tpu.dma_semaphore, #tpu.memory_space<semaphore_mem>>)
      %dma_wait3A = arith.constant 0 : i32
      %dma_wait3A_1588 = tpu.memref_slice %arg6[%dma_wait3A] : memref<1048576xf32, #tpu.memory_space<vmem_shared>> -> memref<1048576xf32, #tpu.memory_space<vmem_shared>>
      tpu.wait_indirect_dma semaphore(%run_scoped3A : memref<!tpu.dma_semaphore, #tpu.memory_space<semaphore_mem>>) src(%arg10 : memref<128xf32, #tpu.memory_space<vmem>>) dst(%dma_wait3A_1588 : memref<1048576xf32, #tpu.memory_space<vmem_shared>>)
      tpu.yield
    }) : () -> ()
    %mul3A_1189 = arith.constant 4096 : i32
    %mul3A_1190 = arith.muli %add3A_994, %mul3A_1189 : i32
    "tpu.region"() ({
      %run_scoped3A = tpu.sem_alloc : memref<!tpu.dma_semaphore, #tpu.memory_space<semaphore_mem>>
      %dma_start3A = tpu.memref_slice %arg5[%mul3A_1190] : memref<16777216xf32, #tpu.memory_space<hbm>> -> memref<65536xf32, #tpu.memory_space<hbm>>
      %dma_start3A_1587 = tpu.memref_slice %arg6[%mul3A_4] : memref<1048576xf32, #tpu.memory_space<vmem_shared>> -> memref<65536xf32, #tpu.memory_space<vmem_shared>>
      tpu.enqueue_dma source(%dma_start3A_1587 : memref<65536xf32, #tpu.memory_space<vmem_shared>>) target(%dma_start3A : memref<65536xf32, #tpu.memory_space<hbm>>) target_semaphore(%run_scoped3A : memref<!tpu.dma_semaphore, #tpu.memory_space<semaphore_mem>>)
      %dma_wait3A = tpu.memref_slice %arg5[%mul3A_1190] : memref<16777216xf32, #tpu.memory_space<hbm>> -> memref<65536xf32, #tpu.memory_space<hbm>>
      %dma_wait3A_1588 = tpu.memref_slice %arg6[%mul3A_4] : memref<1048576xf32, #tpu.memory_space<vmem_shared>> -> memref<65536xf32, #tpu.memory_space<vmem_shared>>
      tpu.wait_dma2 semaphore(%run_scoped3A : memref<!tpu.dma_semaphore, #tpu.memory_space<semaphore_mem>>) src(%dma_wait3A_1588 : memref<65536xf32, #tpu.memory_space<vmem_shared>>) dst(%dma_wait3A : memref<65536xf32, #tpu.memory_space<hbm>>)
      tpu.yield
    }) : () -> ()
    "tpu.region"() ({
      %run_scoped3A = tpu.sem_alloc : memref<!tpu.dma_semaphore, #tpu.memory_space<semaphore_mem>>
      %dma_start3A = arith.constant 0 : i32
      %dma_start3A_1587 = tpu.memref_slice %arg6[%dma_start3A] : memref<1048576xf32, #tpu.memory_space<vmem_shared>> -> memref<1048576xf32, #tpu.memory_space<vmem_shared>>
      tpu.enqueue_indirect_dma source(%arg11 : memref<128xf32, #tpu.memory_space<vmem>>) target(%dma_start3A_1587 : memref<1048576xf32, #tpu.memory_space<vmem_shared>>) offsets(%arg8 : memref<128xi32, #tpu.memory_space<vmem>>) semaphore(%run_scoped3A : memref<!tpu.dma_semaphore, #tpu.memory_space<semaphore_mem>>)
      %dma_wait3A = arith.constant 0 : i32
      %dma_wait3A_1588 = tpu.memref_slice %arg6[%dma_wait3A] : memref<1048576xf32, #tpu.memory_space<vmem_shared>> -> memref<1048576xf32, #tpu.memory_space<vmem_shared>>
      tpu.wait_indirect_dma semaphore(%run_scoped3A : memref<!tpu.dma_semaphore, #tpu.memory_space<semaphore_mem>>) src(%arg11 : memref<128xf32, #tpu.memory_space<vmem>>) dst(%dma_wait3A_1588 : memref<1048576xf32, #tpu.memory_space<vmem_shared>>)
      tpu.yield
    }) : () -> ()
    "tpu.region"() ({
      %run_scoped3A = tpu.sem_alloc : memref<!tpu.dma_semaphore, #tpu.memory_space<semaphore_mem>>
      %dma_start3A = arith.constant 0 : i32
      %dma_start3A_1587 = tpu.memref_slice %arg6[%dma_start3A] : memref<1048576xf32, #tpu.memory_space<vmem_shared>> -> memref<1048576xf32, #tpu.memory_space<vmem_shared>>
      tpu.enqueue_indirect_dma source(%arg11 : memref<128xf32, #tpu.memory_space<vmem>>) target(%dma_start3A_1587 : memref<1048576xf32, #tpu.memory_space<vmem_shared>>) offsets(%arg9 : memref<128xi32, #tpu.memory_space<vmem>>) semaphore(%run_scoped3A : memref<!tpu.dma_semaphore, #tpu.memory_space<semaphore_mem>>)
      %dma_wait3A = arith.constant 0 : i32
      %dma_wait3A_1588 = tpu.memref_slice %arg6[%dma_wait3A] : memref<1048576xf32, #tpu.memory_space<vmem_shared>> -> memref<1048576xf32, #tpu.memory_space<vmem_shared>>
      tpu.wait_indirect_dma semaphore(%run_scoped3A : memref<!tpu.dma_semaphore, #tpu.memory_space<semaphore_mem>>) src(%arg11 : memref<128xf32, #tpu.memory_space<vmem>>) dst(%dma_wait3A_1588 : memref<1048576xf32, #tpu.memory_space<vmem_shared>>)
      tpu.yield
    }) : () -> ()
    %add3A_1191 = arith.constant 96 : i32
    %add3A_1192 = arith.addi %mul3A_2, %add3A_1191 : i32
    %mul3A_1193 = arith.constant 16 : i32
    %mul3A_1194 = arith.muli %add3A_1192, %mul3A_1193 : i32
    "tpu.region"() ({
      %run_scoped3A = tpu.sem_alloc : memref<!tpu.dma_semaphore, #tpu.memory_space<semaphore_mem>>
      %dma_start3A = tpu.memref_slice %arg2[%mul3A_1194] : memref<65536xi32, #tpu.memory_space<hbm>> -> memref<256xi32, #tpu.memory_space<hbm>>
      %dma_start3A_1587 = tpu.memref_slice %arg2[%mul3A_1194] : memref<65536xi32, #tpu.memory_space<hbm>> -> memref<256xi32, #tpu.memory_space<hbm>>
      tpu.enqueue_dma source(%dma_start3A_1587 : memref<256xi32, #tpu.memory_space<hbm>>) target(%arg7 : memref<256xi32, #tpu.memory_space<vmem>>) target_semaphore(%run_scoped3A : memref<!tpu.dma_semaphore, #tpu.memory_space<semaphore_mem>>)
      %dma_wait3A = tpu.memref_slice %arg2[%mul3A_1194] : memref<65536xi32, #tpu.memory_space<hbm>> -> memref<256xi32, #tpu.memory_space<hbm>>
      %dma_wait3A_1588 = tpu.memref_slice %arg2[%mul3A_1194] : memref<65536xi32, #tpu.memory_space<hbm>> -> memref<256xi32, #tpu.memory_space<hbm>>
      tpu.wait_dma2 semaphore(%run_scoped3A : memref<!tpu.dma_semaphore, #tpu.memory_space<semaphore_mem>>) src(%dma_wait3A_1588 : memref<256xi32, #tpu.memory_space<hbm>>) dst(%arg7 : memref<256xi32, #tpu.memory_space<vmem>>)
      tpu.yield
    }) : () -> ()
    %get3A_1195 = arith.constant 0 : index
    %get3A_1196 = tpu.vector_load %arg7[%get3A_1195] {strides = array<i32>} : memref<256xi32, #tpu.memory_space<vmem>>, vector<16xi32>,
    %get3A_1197 = vector.shape_cast %get3A_1196 : vector<16xi32> to vector<16xi32>
    %add3A_1198 = arith.constant 0 : i32
    %add3A_1199 = vector.broadcast %add3A_1198 : i32 to vector<16xi32>
    %add3A_1200 = arith.addi %get3A_1197, %add3A_1199 : vector<16xi32>
    %add3A_1201 = vector.broadcast %mul3A_4 : i32 to vector<16xi32>
    %add3A_1202 = arith.addi %add3A_1200, %add3A_1201 : vector<16xi32>
    %swap3A_1203 = arith.constant 0 : index
    %swap3A_1204 = tpu.vector_load %arg8[%swap3A_1203] {strides = array<i32>} : memref<128xi32, #tpu.memory_space<vmem>>, vector<16xi32>,
    %swap3A_1205 = vector.shape_cast %swap3A_1204 : vector<16xi32> to vector<16xi32>
    %swap3A_1206 = vector.shape_cast %add3A_1202 : vector<16xi32> to vector<16xi32>
    tpu.vector_store %arg8[%swap3A_1203], %swap3A_1206 {strides = array<i32>} : memref<128xi32, #tpu.memory_space<vmem>>, vector<16xi32>,
    %get3A_1207 = arith.constant 16 : index
    %get3A_1208 = tpu.vector_load %arg7[%get3A_1207] {strides = array<i32>} : memref<256xi32, #tpu.memory_space<vmem>>, vector<16xi32>,
    %get3A_1209 = vector.shape_cast %get3A_1208 : vector<16xi32> to vector<16xi32>
    %add3A_1210 = arith.constant 4096 : i32
    %add3A_1211 = vector.broadcast %add3A_1210 : i32 to vector<16xi32>
    %add3A_1212 = arith.addi %get3A_1209, %add3A_1211 : vector<16xi32>
    %add3A_1213 = vector.broadcast %mul3A_4 : i32 to vector<16xi32>
    %add3A_1214 = arith.addi %add3A_1212, %add3A_1213 : vector<16xi32>
    %swap3A_1215 = arith.constant 16 : index
    %swap3A_1216 = tpu.vector_load %arg8[%swap3A_1215] {strides = array<i32>} : memref<128xi32, #tpu.memory_space<vmem>>, vector<16xi32>,
    %swap3A_1217 = vector.shape_cast %swap3A_1216 : vector<16xi32> to vector<16xi32>
    %swap3A_1218 = vector.shape_cast %add3A_1214 : vector<16xi32> to vector<16xi32>
    tpu.vector_store %arg8[%swap3A_1215], %swap3A_1218 {strides = array<i32>} : memref<128xi32, #tpu.memory_space<vmem>>, vector<16xi32>,
    %get3A_1219 = arith.constant 32 : index
    %get3A_1220 = tpu.vector_load %arg7[%get3A_1219] {strides = array<i32>} : memref<256xi32, #tpu.memory_space<vmem>>, vector<16xi32>,
    %get3A_1221 = vector.shape_cast %get3A_1220 : vector<16xi32> to vector<16xi32>
    %add3A_1222 = arith.constant 8192 : i32
    %add3A_1223 = vector.broadcast %add3A_1222 : i32 to vector<16xi32>
    %add3A_1224 = arith.addi %get3A_1221, %add3A_1223 : vector<16xi32>
    %add3A_1225 = vector.broadcast %mul3A_4 : i32 to vector<16xi32>
    %add3A_1226 = arith.addi %add3A_1224, %add3A_1225 : vector<16xi32>
    %swap3A_1227 = arith.constant 32 : index
    %swap3A_1228 = tpu.vector_load %arg8[%swap3A_1227] {strides = array<i32>} : memref<128xi32, #tpu.memory_space<vmem>>, vector<16xi32>,
    %swap3A_1229 = vector.shape_cast %swap3A_1228 : vector<16xi32> to vector<16xi32>
    %swap3A_1230 = vector.shape_cast %add3A_1226 : vector<16xi32> to vector<16xi32>
    tpu.vector_store %arg8[%swap3A_1227], %swap3A_1230 {strides = array<i32>} : memref<128xi32, #tpu.memory_space<vmem>>, vector<16xi32>,
    %get3A_1231 = arith.constant 48 : index
    %get3A_1232 = tpu.vector_load %arg7[%get3A_1231] {strides = array<i32>} : memref<256xi32, #tpu.memory_space<vmem>>, vector<16xi32>,
    %get3A_1233 = vector.shape_cast %get3A_1232 : vector<16xi32> to vector<16xi32>
    %add3A_1234 = arith.constant 12288 : i32
    %add3A_1235 = vector.broadcast %add3A_1234 : i32 to vector<16xi32>
    %add3A_1236 = arith.addi %get3A_1233, %add3A_1235 : vector<16xi32>
    %add3A_1237 = vector.broadcast %mul3A_4 : i32 to vector<16xi32>
    %add3A_1238 = arith.addi %add3A_1236, %add3A_1237 : vector<16xi32>
    %swap3A_1239 = arith.constant 48 : index
    %swap3A_1240 = tpu.vector_load %arg8[%swap3A_1239] {strides = array<i32>} : memref<128xi32, #tpu.memory_space<vmem>>, vector<16xi32>,
    %swap3A_1241 = vector.shape_cast %swap3A_1240 : vector<16xi32> to vector<16xi32>
    %swap3A_1242 = vector.shape_cast %add3A_1238 : vector<16xi32> to vector<16xi32>
    tpu.vector_store %arg8[%swap3A_1239], %swap3A_1242 {strides = array<i32>} : memref<128xi32, #tpu.memory_space<vmem>>, vector<16xi32>,
    %get3A_1243 = arith.constant 64 : index
    %get3A_1244 = tpu.vector_load %arg7[%get3A_1243] {strides = array<i32>} : memref<256xi32, #tpu.memory_space<vmem>>, vector<16xi32>,
    %get3A_1245 = vector.shape_cast %get3A_1244 : vector<16xi32> to vector<16xi32>
    %add3A_1246 = arith.constant 16384 : i32
    %add3A_1247 = vector.broadcast %add3A_1246 : i32 to vector<16xi32>
    %add3A_1248 = arith.addi %get3A_1245, %add3A_1247 : vector<16xi32>
    %add3A_1249 = vector.broadcast %mul3A_4 : i32 to vector<16xi32>
    %add3A_1250 = arith.addi %add3A_1248, %add3A_1249 : vector<16xi32>
    %swap3A_1251 = arith.constant 64 : index
    %swap3A_1252 = tpu.vector_load %arg8[%swap3A_1251] {strides = array<i32>} : memref<128xi32, #tpu.memory_space<vmem>>, vector<16xi32>,
    %swap3A_1253 = vector.shape_cast %swap3A_1252 : vector<16xi32> to vector<16xi32>
    %swap3A_1254 = vector.shape_cast %add3A_1250 : vector<16xi32> to vector<16xi32>
    tpu.vector_store %arg8[%swap3A_1251], %swap3A_1254 {strides = array<i32>} : memref<128xi32, #tpu.memory_space<vmem>>, vector<16xi32>,
    %get3A_1255 = arith.constant 80 : index
    %get3A_1256 = tpu.vector_load %arg7[%get3A_1255] {strides = array<i32>} : memref<256xi32, #tpu.memory_space<vmem>>, vector<16xi32>,
    %get3A_1257 = vector.shape_cast %get3A_1256 : vector<16xi32> to vector<16xi32>
    %add3A_1258 = arith.constant 20480 : i32
    %add3A_1259 = vector.broadcast %add3A_1258 : i32 to vector<16xi32>
    %add3A_1260 = arith.addi %get3A_1257, %add3A_1259 : vector<16xi32>
    %add3A_1261 = vector.broadcast %mul3A_4 : i32 to vector<16xi32>
    %add3A_1262 = arith.addi %add3A_1260, %add3A_1261 : vector<16xi32>
    %swap3A_1263 = arith.constant 80 : index
    %swap3A_1264 = tpu.vector_load %arg8[%swap3A_1263] {strides = array<i32>} : memref<128xi32, #tpu.memory_space<vmem>>, vector<16xi32>,
    %swap3A_1265 = vector.shape_cast %swap3A_1264 : vector<16xi32> to vector<16xi32>
    %swap3A_1266 = vector.shape_cast %add3A_1262 : vector<16xi32> to vector<16xi32>
    tpu.vector_store %arg8[%swap3A_1263], %swap3A_1266 {strides = array<i32>} : memref<128xi32, #tpu.memory_space<vmem>>, vector<16xi32>,
    %get3A_1267 = arith.constant 96 : index
    %get3A_1268 = tpu.vector_load %arg7[%get3A_1267] {strides = array<i32>} : memref<256xi32, #tpu.memory_space<vmem>>, vector<16xi32>,
    %get3A_1269 = vector.shape_cast %get3A_1268 : vector<16xi32> to vector<16xi32>
    %add3A_1270 = arith.constant 24576 : i32
    %add3A_1271 = vector.broadcast %add3A_1270 : i32 to vector<16xi32>
    %add3A_1272 = arith.addi %get3A_1269, %add3A_1271 : vector<16xi32>
    %add3A_1273 = vector.broadcast %mul3A_4 : i32 to vector<16xi32>
    %add3A_1274 = arith.addi %add3A_1272, %add3A_1273 : vector<16xi32>
    %swap3A_1275 = arith.constant 96 : index
    %swap3A_1276 = tpu.vector_load %arg8[%swap3A_1275] {strides = array<i32>} : memref<128xi32, #tpu.memory_space<vmem>>, vector<16xi32>,
    %swap3A_1277 = vector.shape_cast %swap3A_1276 : vector<16xi32> to vector<16xi32>
    %swap3A_1278 = vector.shape_cast %add3A_1274 : vector<16xi32> to vector<16xi32>
    tpu.vector_store %arg8[%swap3A_1275], %swap3A_1278 {strides = array<i32>} : memref<128xi32, #tpu.memory_space<vmem>>, vector<16xi32>,
    %get3A_1279 = arith.constant 112 : index
    %get3A_1280 = tpu.vector_load %arg7[%get3A_1279] {strides = array<i32>} : memref<256xi32, #tpu.memory_space<vmem>>, vector<16xi32>,
    %get3A_1281 = vector.shape_cast %get3A_1280 : vector<16xi32> to vector<16xi32>
    %add3A_1282 = arith.constant 28672 : i32
    %add3A_1283 = vector.broadcast %add3A_1282 : i32 to vector<16xi32>
    %add3A_1284 = arith.addi %get3A_1281, %add3A_1283 : vector<16xi32>
    %add3A_1285 = vector.broadcast %mul3A_4 : i32 to vector<16xi32>
    %add3A_1286 = arith.addi %add3A_1284, %add3A_1285 : vector<16xi32>
    %swap3A_1287 = arith.constant 112 : index
    %swap3A_1288 = tpu.vector_load %arg8[%swap3A_1287] {strides = array<i32>} : memref<128xi32, #tpu.memory_space<vmem>>, vector<16xi32>,
    %swap3A_1289 = vector.shape_cast %swap3A_1288 : vector<16xi32> to vector<16xi32>
    %swap3A_1290 = vector.shape_cast %add3A_1286 : vector<16xi32> to vector<16xi32>
    tpu.vector_store %arg8[%swap3A_1287], %swap3A_1290 {strides = array<i32>} : memref<128xi32, #tpu.memory_space<vmem>>, vector<16xi32>,
    %get3A_1291 = arith.constant 128 : index
    %get3A_1292 = tpu.vector_load %arg7[%get3A_1291] {strides = array<i32>} : memref<256xi32, #tpu.memory_space<vmem>>, vector<16xi32>,
    %get3A_1293 = vector.shape_cast %get3A_1292 : vector<16xi32> to vector<16xi32>
    %add3A_1294 = arith.constant 32768 : i32
    %add3A_1295 = vector.broadcast %add3A_1294 : i32 to vector<16xi32>
    %add3A_1296 = arith.addi %get3A_1293, %add3A_1295 : vector<16xi32>
    %add3A_1297 = vector.broadcast %mul3A_4 : i32 to vector<16xi32>
    %add3A_1298 = arith.addi %add3A_1296, %add3A_1297 : vector<16xi32>
    %swap3A_1299 = arith.constant 0 : index
    %swap3A_1300 = tpu.vector_load %arg9[%swap3A_1299] {strides = array<i32>} : memref<128xi32, #tpu.memory_space<vmem>>, vector<16xi32>,
    %swap3A_1301 = vector.shape_cast %swap3A_1300 : vector<16xi32> to vector<16xi32>
    %swap3A_1302 = vector.shape_cast %add3A_1298 : vector<16xi32> to vector<16xi32>
    tpu.vector_store %arg9[%swap3A_1299], %swap3A_1302 {strides = array<i32>} : memref<128xi32, #tpu.memory_space<vmem>>, vector<16xi32>,
    %get3A_1303 = arith.constant 144 : index
    %get3A_1304 = tpu.vector_load %arg7[%get3A_1303] {strides = array<i32>} : memref<256xi32, #tpu.memory_space<vmem>>, vector<16xi32>,
    %get3A_1305 = vector.shape_cast %get3A_1304 : vector<16xi32> to vector<16xi32>
    %add3A_1306 = arith.constant 36864 : i32
    %add3A_1307 = vector.broadcast %add3A_1306 : i32 to vector<16xi32>
    %add3A_1308 = arith.addi %get3A_1305, %add3A_1307 : vector<16xi32>
    %add3A_1309 = vector.broadcast %mul3A_4 : i32 to vector<16xi32>
    %add3A_1310 = arith.addi %add3A_1308, %add3A_1309 : vector<16xi32>
    %swap3A_1311 = arith.constant 16 : index
    %swap3A_1312 = tpu.vector_load %arg9[%swap3A_1311] {strides = array<i32>} : memref<128xi32, #tpu.memory_space<vmem>>, vector<16xi32>,
    %swap3A_1313 = vector.shape_cast %swap3A_1312 : vector<16xi32> to vector<16xi32>
    %swap3A_1314 = vector.shape_cast %add3A_1310 : vector<16xi32> to vector<16xi32>
    tpu.vector_store %arg9[%swap3A_1311], %swap3A_1314 {strides = array<i32>} : memref<128xi32, #tpu.memory_space<vmem>>, vector<16xi32>,
    %get3A_1315 = arith.constant 160 : index
    %get3A_1316 = tpu.vector_load %arg7[%get3A_1315] {strides = array<i32>} : memref<256xi32, #tpu.memory_space<vmem>>, vector<16xi32>,
    %get3A_1317 = vector.shape_cast %get3A_1316 : vector<16xi32> to vector<16xi32>
    %add3A_1318 = arith.constant 40960 : i32
    %add3A_1319 = vector.broadcast %add3A_1318 : i32 to vector<16xi32>
    %add3A_1320 = arith.addi %get3A_1317, %add3A_1319 : vector<16xi32>
    %add3A_1321 = vector.broadcast %mul3A_4 : i32 to vector<16xi32>
    %add3A_1322 = arith.addi %add3A_1320, %add3A_1321 : vector<16xi32>
    %swap3A_1323 = arith.constant 32 : index
    %swap3A_1324 = tpu.vector_load %arg9[%swap3A_1323] {strides = array<i32>} : memref<128xi32, #tpu.memory_space<vmem>>, vector<16xi32>,
    %swap3A_1325 = vector.shape_cast %swap3A_1324 : vector<16xi32> to vector<16xi32>
    %swap3A_1326 = vector.shape_cast %add3A_1322 : vector<16xi32> to vector<16xi32>
    tpu.vector_store %arg9[%swap3A_1323], %swap3A_1326 {strides = array<i32>} : memref<128xi32, #tpu.memory_space<vmem>>, vector<16xi32>,
    %get3A_1327 = arith.constant 176 : index
    %get3A_1328 = tpu.vector_load %arg7[%get3A_1327] {strides = array<i32>} : memref<256xi32, #tpu.memory_space<vmem>>, vector<16xi32>,
    %get3A_1329 = vector.shape_cast %get3A_1328 : vector<16xi32> to vector<16xi32>
    %add3A_1330 = arith.constant 45056 : i32
    %add3A_1331 = vector.broadcast %add3A_1330 : i32 to vector<16xi32>
    %add3A_1332 = arith.addi %get3A_1329, %add3A_1331 : vector<16xi32>
    %add3A_1333 = vector.broadcast %mul3A_4 : i32 to vector<16xi32>
    %add3A_1334 = arith.addi %add3A_1332, %add3A_1333 : vector<16xi32>
    %swap3A_1335 = arith.constant 48 : index
    %swap3A_1336 = tpu.vector_load %arg9[%swap3A_1335] {strides = array<i32>} : memref<128xi32, #tpu.memory_space<vmem>>, vector<16xi32>,
    %swap3A_1337 = vector.shape_cast %swap3A_1336 : vector<16xi32> to vector<16xi32>
    %swap3A_1338 = vector.shape_cast %add3A_1334 : vector<16xi32> to vector<16xi32>
    tpu.vector_store %arg9[%swap3A_1335], %swap3A_1338 {strides = array<i32>} : memref<128xi32, #tpu.memory_space<vmem>>, vector<16xi32>,
    %get3A_1339 = arith.constant 192 : index
    %get3A_1340 = tpu.vector_load %arg7[%get3A_1339] {strides = array<i32>} : memref<256xi32, #tpu.memory_space<vmem>>, vector<16xi32>,
    %get3A_1341 = vector.shape_cast %get3A_1340 : vector<16xi32> to vector<16xi32>
    %add3A_1342 = arith.constant 49152 : i32
    %add3A_1343 = vector.broadcast %add3A_1342 : i32 to vector<16xi32>
    %add3A_1344 = arith.addi %get3A_1341, %add3A_1343 : vector<16xi32>
    %add3A_1345 = vector.broadcast %mul3A_4 : i32 to vector<16xi32>
    %add3A_1346 = arith.addi %add3A_1344, %add3A_1345 : vector<16xi32>
    %swap3A_1347 = arith.constant 64 : index
    %swap3A_1348 = tpu.vector_load %arg9[%swap3A_1347] {strides = array<i32>} : memref<128xi32, #tpu.memory_space<vmem>>, vector<16xi32>,
    %swap3A_1349 = vector.shape_cast %swap3A_1348 : vector<16xi32> to vector<16xi32>
    %swap3A_1350 = vector.shape_cast %add3A_1346 : vector<16xi32> to vector<16xi32>
    tpu.vector_store %arg9[%swap3A_1347], %swap3A_1350 {strides = array<i32>} : memref<128xi32, #tpu.memory_space<vmem>>, vector<16xi32>,
    %get3A_1351 = arith.constant 208 : index
    %get3A_1352 = tpu.vector_load %arg7[%get3A_1351] {strides = array<i32>} : memref<256xi32, #tpu.memory_space<vmem>>, vector<16xi32>,
    %get3A_1353 = vector.shape_cast %get3A_1352 : vector<16xi32> to vector<16xi32>
    %add3A_1354 = arith.constant 53248 : i32
    %add3A_1355 = vector.broadcast %add3A_1354 : i32 to vector<16xi32>
    %add3A_1356 = arith.addi %get3A_1353, %add3A_1355 : vector<16xi32>
    %add3A_1357 = vector.broadcast %mul3A_4 : i32 to vector<16xi32>
    %add3A_1358 = arith.addi %add3A_1356, %add3A_1357 : vector<16xi32>
    %swap3A_1359 = arith.constant 80 : index
    %swap3A_1360 = tpu.vector_load %arg9[%swap3A_1359] {strides = array<i32>} : memref<128xi32, #tpu.memory_space<vmem>>, vector<16xi32>,
    %swap3A_1361 = vector.shape_cast %swap3A_1360 : vector<16xi32> to vector<16xi32>
    %swap3A_1362 = vector.shape_cast %add3A_1358 : vector<16xi32> to vector<16xi32>
    tpu.vector_store %arg9[%swap3A_1359], %swap3A_1362 {strides = array<i32>} : memref<128xi32, #tpu.memory_space<vmem>>, vector<16xi32>,
    %get3A_1363 = arith.constant 224 : index
    %get3A_1364 = tpu.vector_load %arg7[%get3A_1363] {strides = array<i32>} : memref<256xi32, #tpu.memory_space<vmem>>, vector<16xi32>,
    %get3A_1365 = vector.shape_cast %get3A_1364 : vector<16xi32> to vector<16xi32>
    %add3A_1366 = arith.constant 57344 : i32
    %add3A_1367 = vector.broadcast %add3A_1366 : i32 to vector<16xi32>
    %add3A_1368 = arith.addi %get3A_1365, %add3A_1367 : vector<16xi32>
    %add3A_1369 = vector.broadcast %mul3A_4 : i32 to vector<16xi32>
    %add3A_1370 = arith.addi %add3A_1368, %add3A_1369 : vector<16xi32>
    %swap3A_1371 = arith.constant 96 : index
    %swap3A_1372 = tpu.vector_load %arg9[%swap3A_1371] {strides = array<i32>} : memref<128xi32, #tpu.memory_space<vmem>>, vector<16xi32>,
    %swap3A_1373 = vector.shape_cast %swap3A_1372 : vector<16xi32> to vector<16xi32>
    %swap3A_1374 = vector.shape_cast %add3A_1370 : vector<16xi32> to vector<16xi32>
    tpu.vector_store %arg9[%swap3A_1371], %swap3A_1374 {strides = array<i32>} : memref<128xi32, #tpu.memory_space<vmem>>, vector<16xi32>,
    %get3A_1375 = arith.constant 240 : index
    %get3A_1376 = tpu.vector_load %arg7[%get3A_1375] {strides = array<i32>} : memref<256xi32, #tpu.memory_space<vmem>>, vector<16xi32>,
    %get3A_1377 = vector.shape_cast %get3A_1376 : vector<16xi32> to vector<16xi32>
    %add3A_1378 = arith.constant 61440 : i32
    %add3A_1379 = vector.broadcast %add3A_1378 : i32 to vector<16xi32>
    %add3A_1380 = arith.addi %get3A_1377, %add3A_1379 : vector<16xi32>
    %add3A_1381 = vector.broadcast %mul3A_4 : i32 to vector<16xi32>
    %add3A_1382 = arith.addi %add3A_1380, %add3A_1381 : vector<16xi32>
    %swap3A_1383 = arith.constant 112 : index
    %swap3A_1384 = tpu.vector_load %arg9[%swap3A_1383] {strides = array<i32>} : memref<128xi32, #tpu.memory_space<vmem>>, vector<16xi32>,
    %swap3A_1385 = vector.shape_cast %swap3A_1384 : vector<16xi32> to vector<16xi32>
    %swap3A_1386 = vector.shape_cast %add3A_1382 : vector<16xi32> to vector<16xi32>
    tpu.vector_store %arg9[%swap3A_1383], %swap3A_1386 {strides = array<i32>} : memref<128xi32, #tpu.memory_space<vmem>>, vector<16xi32>,
    "tpu.region"() ({
      %run_scoped3A = tpu.sem_alloc : memref<!tpu.dma_semaphore, #tpu.memory_space<semaphore_mem>>
      %dma_start3A = arith.constant 0 : i32
      %dma_start3A_1587 = tpu.memref_slice %arg6[%dma_start3A] : memref<1048576xf32, #tpu.memory_space<vmem_shared>> -> memref<1048576xf32, #tpu.memory_space<vmem_shared>>
      tpu.enqueue_indirect_dma source(%arg10 : memref<128xf32, #tpu.memory_space<vmem>>) target(%dma_start3A_1587 : memref<1048576xf32, #tpu.memory_space<vmem_shared>>) offsets(%arg8 : memref<128xi32, #tpu.memory_space<vmem>>) semaphore(%run_scoped3A : memref<!tpu.dma_semaphore, #tpu.memory_space<semaphore_mem>>)
      %dma_wait3A = arith.constant 0 : i32
      %dma_wait3A_1588 = tpu.memref_slice %arg6[%dma_wait3A] : memref<1048576xf32, #tpu.memory_space<vmem_shared>> -> memref<1048576xf32, #tpu.memory_space<vmem_shared>>
      tpu.wait_indirect_dma semaphore(%run_scoped3A : memref<!tpu.dma_semaphore, #tpu.memory_space<semaphore_mem>>) src(%arg10 : memref<128xf32, #tpu.memory_space<vmem>>) dst(%dma_wait3A_1588 : memref<1048576xf32, #tpu.memory_space<vmem_shared>>)
      tpu.yield
    }) : () -> ()
    "tpu.region"() ({
      %run_scoped3A = tpu.sem_alloc : memref<!tpu.dma_semaphore, #tpu.memory_space<semaphore_mem>>
      %dma_start3A = arith.constant 0 : i32
      %dma_start3A_1587 = tpu.memref_slice %arg6[%dma_start3A] : memref<1048576xf32, #tpu.memory_space<vmem_shared>> -> memref<1048576xf32, #tpu.memory_space<vmem_shared>>
      tpu.enqueue_indirect_dma source(%arg10 : memref<128xf32, #tpu.memory_space<vmem>>) target(%dma_start3A_1587 : memref<1048576xf32, #tpu.memory_space<vmem_shared>>) offsets(%arg9 : memref<128xi32, #tpu.memory_space<vmem>>) semaphore(%run_scoped3A : memref<!tpu.dma_semaphore, #tpu.memory_space<semaphore_mem>>)
      %dma_wait3A = arith.constant 0 : i32
      %dma_wait3A_1588 = tpu.memref_slice %arg6[%dma_wait3A] : memref<1048576xf32, #tpu.memory_space<vmem_shared>> -> memref<1048576xf32, #tpu.memory_space<vmem_shared>>
      tpu.wait_indirect_dma semaphore(%run_scoped3A : memref<!tpu.dma_semaphore, #tpu.memory_space<semaphore_mem>>) src(%arg10 : memref<128xf32, #tpu.memory_space<vmem>>) dst(%dma_wait3A_1588 : memref<1048576xf32, #tpu.memory_space<vmem_shared>>)
      tpu.yield
    }) : () -> ()
    %mul3A_1387 = arith.constant 4096 : i32
    %mul3A_1388 = arith.muli %add3A_1192, %mul3A_1387 : i32
    "tpu.region"() ({
      %run_scoped3A = tpu.sem_alloc : memref<!tpu.dma_semaphore, #tpu.memory_space<semaphore_mem>>
      %dma_start3A = tpu.memref_slice %arg5[%mul3A_1388] : memref<16777216xf32, #tpu.memory_space<hbm>> -> memref<65536xf32, #tpu.memory_space<hbm>>
      %dma_start3A_1587 = tpu.memref_slice %arg6[%mul3A_4] : memref<1048576xf32, #tpu.memory_space<vmem_shared>> -> memref<65536xf32, #tpu.memory_space<vmem_shared>>
      tpu.enqueue_dma source(%dma_start3A_1587 : memref<65536xf32, #tpu.memory_space<vmem_shared>>) target(%dma_start3A : memref<65536xf32, #tpu.memory_space<hbm>>) target_semaphore(%run_scoped3A : memref<!tpu.dma_semaphore, #tpu.memory_space<semaphore_mem>>)
      %dma_wait3A = tpu.memref_slice %arg5[%mul3A_1388] : memref<16777216xf32, #tpu.memory_space<hbm>> -> memref<65536xf32, #tpu.memory_space<hbm>>
      %dma_wait3A_1588 = tpu.memref_slice %arg6[%mul3A_4] : memref<1048576xf32, #tpu.memory_space<vmem_shared>> -> memref<65536xf32, #tpu.memory_space<vmem_shared>>
      tpu.wait_dma2 semaphore(%run_scoped3A : memref<!tpu.dma_semaphore, #tpu.memory_space<semaphore_mem>>) src(%dma_wait3A_1588 : memref<65536xf32, #tpu.memory_space<vmem_shared>>) dst(%dma_wait3A : memref<65536xf32, #tpu.memory_space<hbm>>)
      tpu.yield
    }) : () -> ()
    "tpu.region"() ({
      %run_scoped3A = tpu.sem_alloc : memref<!tpu.dma_semaphore, #tpu.memory_space<semaphore_mem>>
      %dma_start3A = arith.constant 0 : i32
      %dma_start3A_1587 = tpu.memref_slice %arg6[%dma_start3A] : memref<1048576xf32, #tpu.memory_space<vmem_shared>> -> memref<1048576xf32, #tpu.memory_space<vmem_shared>>
      tpu.enqueue_indirect_dma source(%arg11 : memref<128xf32, #tpu.memory_space<vmem>>) target(%dma_start3A_1587 : memref<1048576xf32, #tpu.memory_space<vmem_shared>>) offsets(%arg8 : memref<128xi32, #tpu.memory_space<vmem>>) semaphore(%run_scoped3A : memref<!tpu.dma_semaphore, #tpu.memory_space<semaphore_mem>>)
      %dma_wait3A = arith.constant 0 : i32
      %dma_wait3A_1588 = tpu.memref_slice %arg6[%dma_wait3A] : memref<1048576xf32, #tpu.memory_space<vmem_shared>> -> memref<1048576xf32, #tpu.memory_space<vmem_shared>>
      tpu.wait_indirect_dma semaphore(%run_scoped3A : memref<!tpu.dma_semaphore, #tpu.memory_space<semaphore_mem>>) src(%arg11 : memref<128xf32, #tpu.memory_space<vmem>>) dst(%dma_wait3A_1588 : memref<1048576xf32, #tpu.memory_space<vmem_shared>>)
      tpu.yield
    }) : () -> ()
    "tpu.region"() ({
      %run_scoped3A = tpu.sem_alloc : memref<!tpu.dma_semaphore, #tpu.memory_space<semaphore_mem>>
      %dma_start3A = arith.constant 0 : i32
      %dma_start3A_1587 = tpu.memref_slice %arg6[%dma_start3A] : memref<1048576xf32, #tpu.memory_space<vmem_shared>> -> memref<1048576xf32, #tpu.memory_space<vmem_shared>>
      tpu.enqueue_indirect_dma source(%arg11 : memref<128xf32, #tpu.memory_space<vmem>>) target(%dma_start3A_1587 : memref<1048576xf32, #tpu.memory_space<vmem_shared>>) offsets(%arg9 : memref<128xi32, #tpu.memory_space<vmem>>) semaphore(%run_scoped3A : memref<!tpu.dma_semaphore, #tpu.memory_space<semaphore_mem>>)
      %dma_wait3A = arith.constant 0 : i32
      %dma_wait3A_1588 = tpu.memref_slice %arg6[%dma_wait3A] : memref<1048576xf32, #tpu.memory_space<vmem_shared>> -> memref<1048576xf32, #tpu.memory_space<vmem_shared>>
      tpu.wait_indirect_dma semaphore(%run_scoped3A : memref<!tpu.dma_semaphore, #tpu.memory_space<semaphore_mem>>) src(%arg11 : memref<128xf32, #tpu.memory_space<vmem>>) dst(%dma_wait3A_1588 : memref<1048576xf32, #tpu.memory_space<vmem_shared>>)
      tpu.yield
    }) : () -> ()
    %add3A_1389 = arith.constant 112 : i32
    %add3A_1390 = arith.addi %mul3A_2, %add3A_1389 : i32
    %mul3A_1391 = arith.constant 16 : i32
    %mul3A_1392 = arith.muli %add3A_1390, %mul3A_1391 : i32
    "tpu.region"() ({
      %run_scoped3A = tpu.sem_alloc : memref<!tpu.dma_semaphore, #tpu.memory_space<semaphore_mem>>
      %dma_start3A = tpu.memref_slice %arg2[%mul3A_1392] : memref<65536xi32, #tpu.memory_space<hbm>> -> memref<256xi32, #tpu.memory_space<hbm>>
      %dma_start3A_1587 = tpu.memref_slice %arg2[%mul3A_1392] : memref<65536xi32, #tpu.memory_space<hbm>> -> memref<256xi32, #tpu.memory_space<hbm>>
      tpu.enqueue_dma source(%dma_start3A_1587 : memref<256xi32, #tpu.memory_space<hbm>>) target(%arg7 : memref<256xi32, #tpu.memory_space<vmem>>) target_semaphore(%run_scoped3A : memref<!tpu.dma_semaphore, #tpu.memory_space<semaphore_mem>>)
      %dma_wait3A = tpu.memref_slice %arg2[%mul3A_1392] : memref<65536xi32, #tpu.memory_space<hbm>> -> memref<256xi32, #tpu.memory_space<hbm>>
      %dma_wait3A_1588 = tpu.memref_slice %arg2[%mul3A_1392] : memref<65536xi32, #tpu.memory_space<hbm>> -> memref<256xi32, #tpu.memory_space<hbm>>
      tpu.wait_dma2 semaphore(%run_scoped3A : memref<!tpu.dma_semaphore, #tpu.memory_space<semaphore_mem>>) src(%dma_wait3A_1588 : memref<256xi32, #tpu.memory_space<hbm>>) dst(%arg7 : memref<256xi32, #tpu.memory_space<vmem>>)
      tpu.yield
    }) : () -> ()
    %get3A_1393 = arith.constant 0 : index
    %get3A_1394 = tpu.vector_load %arg7[%get3A_1393] {strides = array<i32>} : memref<256xi32, #tpu.memory_space<vmem>>, vector<16xi32>,
    %get3A_1395 = vector.shape_cast %get3A_1394 : vector<16xi32> to vector<16xi32>
    %add3A_1396 = arith.constant 0 : i32
    %add3A_1397 = vector.broadcast %add3A_1396 : i32 to vector<16xi32>
    %add3A_1398 = arith.addi %get3A_1395, %add3A_1397 : vector<16xi32>
    %add3A_1399 = vector.broadcast %mul3A_4 : i32 to vector<16xi32>
    %add3A_1400 = arith.addi %add3A_1398, %add3A_1399 : vector<16xi32>
    %swap3A_1401 = arith.constant 0 : index
    %swap3A_1402 = tpu.vector_load %arg8[%swap3A_1401] {strides = array<i32>} : memref<128xi32, #tpu.memory_space<vmem>>, vector<16xi32>,
    %swap3A_1403 = vector.shape_cast %swap3A_1402 : vector<16xi32> to vector<16xi32>
    %swap3A_1404 = vector.shape_cast %add3A_1400 : vector<16xi32> to vector<16xi32>
    tpu.vector_store %arg8[%swap3A_1401], %swap3A_1404 {strides = array<i32>} : memref<128xi32, #tpu.memory_space<vmem>>, vector<16xi32>,
    %get3A_1405 = arith.constant 16 : index
    %get3A_1406 = tpu.vector_load %arg7[%get3A_1405] {strides = array<i32>} : memref<256xi32, #tpu.memory_space<vmem>>, vector<16xi32>,
    %get3A_1407 = vector.shape_cast %get3A_1406 : vector<16xi32> to vector<16xi32>
    %add3A_1408 = arith.constant 4096 : i32
    %add3A_1409 = vector.broadcast %add3A_1408 : i32 to vector<16xi32>
    %add3A_1410 = arith.addi %get3A_1407, %add3A_1409 : vector<16xi32>
    %add3A_1411 = vector.broadcast %mul3A_4 : i32 to vector<16xi32>
    %add3A_1412 = arith.addi %add3A_1410, %add3A_1411 : vector<16xi32>
    %swap3A_1413 = arith.constant 16 : index
    %swap3A_1414 = tpu.vector_load %arg8[%swap3A_1413] {strides = array<i32>} : memref<128xi32, #tpu.memory_space<vmem>>, vector<16xi32>,
    %swap3A_1415 = vector.shape_cast %swap3A_1414 : vector<16xi32> to vector<16xi32>
    %swap3A_1416 = vector.shape_cast %add3A_1412 : vector<16xi32> to vector<16xi32>
    tpu.vector_store %arg8[%swap3A_1413], %swap3A_1416 {strides = array<i32>} : memref<128xi32, #tpu.memory_space<vmem>>, vector<16xi32>,
    %get3A_1417 = arith.constant 32 : index
    %get3A_1418 = tpu.vector_load %arg7[%get3A_1417] {strides = array<i32>} : memref<256xi32, #tpu.memory_space<vmem>>, vector<16xi32>,
    %get3A_1419 = vector.shape_cast %get3A_1418 : vector<16xi32> to vector<16xi32>
    %add3A_1420 = arith.constant 8192 : i32
    %add3A_1421 = vector.broadcast %add3A_1420 : i32 to vector<16xi32>
    %add3A_1422 = arith.addi %get3A_1419, %add3A_1421 : vector<16xi32>
    %add3A_1423 = vector.broadcast %mul3A_4 : i32 to vector<16xi32>
    %add3A_1424 = arith.addi %add3A_1422, %add3A_1423 : vector<16xi32>
    %swap3A_1425 = arith.constant 32 : index
    %swap3A_1426 = tpu.vector_load %arg8[%swap3A_1425] {strides = array<i32>} : memref<128xi32, #tpu.memory_space<vmem>>, vector<16xi32>,
    %swap3A_1427 = vector.shape_cast %swap3A_1426 : vector<16xi32> to vector<16xi32>
    %swap3A_1428 = vector.shape_cast %add3A_1424 : vector<16xi32> to vector<16xi32>
    tpu.vector_store %arg8[%swap3A_1425], %swap3A_1428 {strides = array<i32>} : memref<128xi32, #tpu.memory_space<vmem>>, vector<16xi32>,
    %get3A_1429 = arith.constant 48 : index
    %get3A_1430 = tpu.vector_load %arg7[%get3A_1429] {strides = array<i32>} : memref<256xi32, #tpu.memory_space<vmem>>, vector<16xi32>,
    %get3A_1431 = vector.shape_cast %get3A_1430 : vector<16xi32> to vector<16xi32>
    %add3A_1432 = arith.constant 12288 : i32
    %add3A_1433 = vector.broadcast %add3A_1432 : i32 to vector<16xi32>
    %add3A_1434 = arith.addi %get3A_1431, %add3A_1433 : vector<16xi32>
    %add3A_1435 = vector.broadcast %mul3A_4 : i32 to vector<16xi32>
    %add3A_1436 = arith.addi %add3A_1434, %add3A_1435 : vector<16xi32>
    %swap3A_1437 = arith.constant 48 : index
    %swap3A_1438 = tpu.vector_load %arg8[%swap3A_1437] {strides = array<i32>} : memref<128xi32, #tpu.memory_space<vmem>>, vector<16xi32>,
    %swap3A_1439 = vector.shape_cast %swap3A_1438 : vector<16xi32> to vector<16xi32>
    %swap3A_1440 = vector.shape_cast %add3A_1436 : vector<16xi32> to vector<16xi32>
    tpu.vector_store %arg8[%swap3A_1437], %swap3A_1440 {strides = array<i32>} : memref<128xi32, #tpu.memory_space<vmem>>, vector<16xi32>,
    %get3A_1441 = arith.constant 64 : index
    %get3A_1442 = tpu.vector_load %arg7[%get3A_1441] {strides = array<i32>} : memref<256xi32, #tpu.memory_space<vmem>>, vector<16xi32>,
    %get3A_1443 = vector.shape_cast %get3A_1442 : vector<16xi32> to vector<16xi32>
    %add3A_1444 = arith.constant 16384 : i32
    %add3A_1445 = vector.broadcast %add3A_1444 : i32 to vector<16xi32>
    %add3A_1446 = arith.addi %get3A_1443, %add3A_1445 : vector<16xi32>
    %add3A_1447 = vector.broadcast %mul3A_4 : i32 to vector<16xi32>
    %add3A_1448 = arith.addi %add3A_1446, %add3A_1447 : vector<16xi32>
    %swap3A_1449 = arith.constant 64 : index
    %swap3A_1450 = tpu.vector_load %arg8[%swap3A_1449] {strides = array<i32>} : memref<128xi32, #tpu.memory_space<vmem>>, vector<16xi32>,
    %swap3A_1451 = vector.shape_cast %swap3A_1450 : vector<16xi32> to vector<16xi32>
    %swap3A_1452 = vector.shape_cast %add3A_1448 : vector<16xi32> to vector<16xi32>
    tpu.vector_store %arg8[%swap3A_1449], %swap3A_1452 {strides = array<i32>} : memref<128xi32, #tpu.memory_space<vmem>>, vector<16xi32>,
    %get3A_1453 = arith.constant 80 : index
    %get3A_1454 = tpu.vector_load %arg7[%get3A_1453] {strides = array<i32>} : memref<256xi32, #tpu.memory_space<vmem>>, vector<16xi32>,
    %get3A_1455 = vector.shape_cast %get3A_1454 : vector<16xi32> to vector<16xi32>
    %add3A_1456 = arith.constant 20480 : i32
    %add3A_1457 = vector.broadcast %add3A_1456 : i32 to vector<16xi32>
    %add3A_1458 = arith.addi %get3A_1455, %add3A_1457 : vector<16xi32>
    %add3A_1459 = vector.broadcast %mul3A_4 : i32 to vector<16xi32>
    %add3A_1460 = arith.addi %add3A_1458, %add3A_1459 : vector<16xi32>
    %swap3A_1461 = arith.constant 80 : index
    %swap3A_1462 = tpu.vector_load %arg8[%swap3A_1461] {strides = array<i32>} : memref<128xi32, #tpu.memory_space<vmem>>, vector<16xi32>,
    %swap3A_1463 = vector.shape_cast %swap3A_1462 : vector<16xi32> to vector<16xi32>
    %swap3A_1464 = vector.shape_cast %add3A_1460 : vector<16xi32> to vector<16xi32>
    tpu.vector_store %arg8[%swap3A_1461], %swap3A_1464 {strides = array<i32>} : memref<128xi32, #tpu.memory_space<vmem>>, vector<16xi32>,
    %get3A_1465 = arith.constant 96 : index
    %get3A_1466 = tpu.vector_load %arg7[%get3A_1465] {strides = array<i32>} : memref<256xi32, #tpu.memory_space<vmem>>, vector<16xi32>,
    %get3A_1467 = vector.shape_cast %get3A_1466 : vector<16xi32> to vector<16xi32>
    %add3A_1468 = arith.constant 24576 : i32
    %add3A_1469 = vector.broadcast %add3A_1468 : i32 to vector<16xi32>
    %add3A_1470 = arith.addi %get3A_1467, %add3A_1469 : vector<16xi32>
    %add3A_1471 = vector.broadcast %mul3A_4 : i32 to vector<16xi32>
    %add3A_1472 = arith.addi %add3A_1470, %add3A_1471 : vector<16xi32>
    %swap3A_1473 = arith.constant 96 : index
    %swap3A_1474 = tpu.vector_load %arg8[%swap3A_1473] {strides = array<i32>} : memref<128xi32, #tpu.memory_space<vmem>>, vector<16xi32>,
    %swap3A_1475 = vector.shape_cast %swap3A_1474 : vector<16xi32> to vector<16xi32>
    %swap3A_1476 = vector.shape_cast %add3A_1472 : vector<16xi32> to vector<16xi32>
    tpu.vector_store %arg8[%swap3A_1473], %swap3A_1476 {strides = array<i32>} : memref<128xi32, #tpu.memory_space<vmem>>, vector<16xi32>,
    %get3A_1477 = arith.constant 112 : index
    %get3A_1478 = tpu.vector_load %arg7[%get3A_1477] {strides = array<i32>} : memref<256xi32, #tpu.memory_space<vmem>>, vector<16xi32>,
    %get3A_1479 = vector.shape_cast %get3A_1478 : vector<16xi32> to vector<16xi32>
    %add3A_1480 = arith.constant 28672 : i32
    %add3A_1481 = vector.broadcast %add3A_1480 : i32 to vector<16xi32>
    %add3A_1482 = arith.addi %get3A_1479, %add3A_1481 : vector<16xi32>
    %add3A_1483 = vector.broadcast %mul3A_4 : i32 to vector<16xi32>
    %add3A_1484 = arith.addi %add3A_1482, %add3A_1483 : vector<16xi32>
    %swap3A_1485 = arith.constant 112 : index
    %swap3A_1486 = tpu.vector_load %arg8[%swap3A_1485] {strides = array<i32>} : memref<128xi32, #tpu.memory_space<vmem>>, vector<16xi32>,
    %swap3A_1487 = vector.shape_cast %swap3A_1486 : vector<16xi32> to vector<16xi32>
    %swap3A_1488 = vector.shape_cast %add3A_1484 : vector<16xi32> to vector<16xi32>
    tpu.vector_store %arg8[%swap3A_1485], %swap3A_1488 {strides = array<i32>} : memref<128xi32, #tpu.memory_space<vmem>>, vector<16xi32>,
    %get3A_1489 = arith.constant 128 : index
    %get3A_1490 = tpu.vector_load %arg7[%get3A_1489] {strides = array<i32>} : memref<256xi32, #tpu.memory_space<vmem>>, vector<16xi32>,
    %get3A_1491 = vector.shape_cast %get3A_1490 : vector<16xi32> to vector<16xi32>
    %add3A_1492 = arith.constant 32768 : i32
    %add3A_1493 = vector.broadcast %add3A_1492 : i32 to vector<16xi32>
    %add3A_1494 = arith.addi %get3A_1491, %add3A_1493 : vector<16xi32>
    %add3A_1495 = vector.broadcast %mul3A_4 : i32 to vector<16xi32>
    %add3A_1496 = arith.addi %add3A_1494, %add3A_1495 : vector<16xi32>
    %swap3A_1497 = arith.constant 0 : index
    %swap3A_1498 = tpu.vector_load %arg9[%swap3A_1497] {strides = array<i32>} : memref<128xi32, #tpu.memory_space<vmem>>, vector<16xi32>,
    %swap3A_1499 = vector.shape_cast %swap3A_1498 : vector<16xi32> to vector<16xi32>
    %swap3A_1500 = vector.shape_cast %add3A_1496 : vector<16xi32> to vector<16xi32>
    tpu.vector_store %arg9[%swap3A_1497], %swap3A_1500 {strides = array<i32>} : memref<128xi32, #tpu.memory_space<vmem>>, vector<16xi32>,
    %get3A_1501 = arith.constant 144 : index
    %get3A_1502 = tpu.vector_load %arg7[%get3A_1501] {strides = array<i32>} : memref<256xi32, #tpu.memory_space<vmem>>, vector<16xi32>,
    %get3A_1503 = vector.shape_cast %get3A_1502 : vector<16xi32> to vector<16xi32>
    %add3A_1504 = arith.constant 36864 : i32
    %add3A_1505 = vector.broadcast %add3A_1504 : i32 to vector<16xi32>
    %add3A_1506 = arith.addi %get3A_1503, %add3A_1505 : vector<16xi32>
    %add3A_1507 = vector.broadcast %mul3A_4 : i32 to vector<16xi32>
    %add3A_1508 = arith.addi %add3A_1506, %add3A_1507 : vector<16xi32>
    %swap3A_1509 = arith.constant 16 : index
    %swap3A_1510 = tpu.vector_load %arg9[%swap3A_1509] {strides = array<i32>} : memref<128xi32, #tpu.memory_space<vmem>>, vector<16xi32>,
    %swap3A_1511 = vector.shape_cast %swap3A_1510 : vector<16xi32> to vector<16xi32>
    %swap3A_1512 = vector.shape_cast %add3A_1508 : vector<16xi32> to vector<16xi32>
    tpu.vector_store %arg9[%swap3A_1509], %swap3A_1512 {strides = array<i32>} : memref<128xi32, #tpu.memory_space<vmem>>, vector<16xi32>,
    %get3A_1513 = arith.constant 160 : index
    %get3A_1514 = tpu.vector_load %arg7[%get3A_1513] {strides = array<i32>} : memref<256xi32, #tpu.memory_space<vmem>>, vector<16xi32>,
    %get3A_1515 = vector.shape_cast %get3A_1514 : vector<16xi32> to vector<16xi32>
    %add3A_1516 = arith.constant 40960 : i32
    %add3A_1517 = vector.broadcast %add3A_1516 : i32 to vector<16xi32>
    %add3A_1518 = arith.addi %get3A_1515, %add3A_1517 : vector<16xi32>
    %add3A_1519 = vector.broadcast %mul3A_4 : i32 to vector<16xi32>
    %add3A_1520 = arith.addi %add3A_1518, %add3A_1519 : vector<16xi32>
    %swap3A_1521 = arith.constant 32 : index
    %swap3A_1522 = tpu.vector_load %arg9[%swap3A_1521] {strides = array<i32>} : memref<128xi32, #tpu.memory_space<vmem>>, vector<16xi32>,
    %swap3A_1523 = vector.shape_cast %swap3A_1522 : vector<16xi32> to vector<16xi32>
    %swap3A_1524 = vector.shape_cast %add3A_1520 : vector<16xi32> to vector<16xi32>
    tpu.vector_store %arg9[%swap3A_1521], %swap3A_1524 {strides = array<i32>} : memref<128xi32, #tpu.memory_space<vmem>>, vector<16xi32>,
    %get3A_1525 = arith.constant 176 : index
    %get3A_1526 = tpu.vector_load %arg7[%get3A_1525] {strides = array<i32>} : memref<256xi32, #tpu.memory_space<vmem>>, vector<16xi32>,
    %get3A_1527 = vector.shape_cast %get3A_1526 : vector<16xi32> to vector<16xi32>
    %add3A_1528 = arith.constant 45056 : i32
    %add3A_1529 = vector.broadcast %add3A_1528 : i32 to vector<16xi32>
    %add3A_1530 = arith.addi %get3A_1527, %add3A_1529 : vector<16xi32>
    %add3A_1531 = vector.broadcast %mul3A_4 : i32 to vector<16xi32>
    %add3A_1532 = arith.addi %add3A_1530, %add3A_1531 : vector<16xi32>
    %swap3A_1533 = arith.constant 48 : index
    %swap3A_1534 = tpu.vector_load %arg9[%swap3A_1533] {strides = array<i32>} : memref<128xi32, #tpu.memory_space<vmem>>, vector<16xi32>,
    %swap3A_1535 = vector.shape_cast %swap3A_1534 : vector<16xi32> to vector<16xi32>
    %swap3A_1536 = vector.shape_cast %add3A_1532 : vector<16xi32> to vector<16xi32>
    tpu.vector_store %arg9[%swap3A_1533], %swap3A_1536 {strides = array<i32>} : memref<128xi32, #tpu.memory_space<vmem>>, vector<16xi32>,
    %get3A_1537 = arith.constant 192 : index
    %get3A_1538 = tpu.vector_load %arg7[%get3A_1537] {strides = array<i32>} : memref<256xi32, #tpu.memory_space<vmem>>, vector<16xi32>,
    %get3A_1539 = vector.shape_cast %get3A_1538 : vector<16xi32> to vector<16xi32>
    %add3A_1540 = arith.constant 49152 : i32
    %add3A_1541 = vector.broadcast %add3A_1540 : i32 to vector<16xi32>
    %add3A_1542 = arith.addi %get3A_1539, %add3A_1541 : vector<16xi32>
    %add3A_1543 = vector.broadcast %mul3A_4 : i32 to vector<16xi32>
    %add3A_1544 = arith.addi %add3A_1542, %add3A_1543 : vector<16xi32>
    %swap3A_1545 = arith.constant 64 : index
    %swap3A_1546 = tpu.vector_load %arg9[%swap3A_1545] {strides = array<i32>} : memref<128xi32, #tpu.memory_space<vmem>>, vector<16xi32>,
    %swap3A_1547 = vector.shape_cast %swap3A_1546 : vector<16xi32> to vector<16xi32>
    %swap3A_1548 = vector.shape_cast %add3A_1544 : vector<16xi32> to vector<16xi32>
    tpu.vector_store %arg9[%swap3A_1545], %swap3A_1548 {strides = array<i32>} : memref<128xi32, #tpu.memory_space<vmem>>, vector<16xi32>,
    %get3A_1549 = arith.constant 208 : index
    %get3A_1550 = tpu.vector_load %arg7[%get3A_1549] {strides = array<i32>} : memref<256xi32, #tpu.memory_space<vmem>>, vector<16xi32>,
    %get3A_1551 = vector.shape_cast %get3A_1550 : vector<16xi32> to vector<16xi32>
    %add3A_1552 = arith.constant 53248 : i32
    %add3A_1553 = vector.broadcast %add3A_1552 : i32 to vector<16xi32>
    %add3A_1554 = arith.addi %get3A_1551, %add3A_1553 : vector<16xi32>
    %add3A_1555 = vector.broadcast %mul3A_4 : i32 to vector<16xi32>
    %add3A_1556 = arith.addi %add3A_1554, %add3A_1555 : vector<16xi32>
    %swap3A_1557 = arith.constant 80 : index
    %swap3A_1558 = tpu.vector_load %arg9[%swap3A_1557] {strides = array<i32>} : memref<128xi32, #tpu.memory_space<vmem>>, vector<16xi32>,
    %swap3A_1559 = vector.shape_cast %swap3A_1558 : vector<16xi32> to vector<16xi32>
    %swap3A_1560 = vector.shape_cast %add3A_1556 : vector<16xi32> to vector<16xi32>
    tpu.vector_store %arg9[%swap3A_1557], %swap3A_1560 {strides = array<i32>} : memref<128xi32, #tpu.memory_space<vmem>>, vector<16xi32>,
    %get3A_1561 = arith.constant 224 : index
    %get3A_1562 = tpu.vector_load %arg7[%get3A_1561] {strides = array<i32>} : memref<256xi32, #tpu.memory_space<vmem>>, vector<16xi32>,
    %get3A_1563 = vector.shape_cast %get3A_1562 : vector<16xi32> to vector<16xi32>
    %add3A_1564 = arith.constant 57344 : i32
    %add3A_1565 = vector.broadcast %add3A_1564 : i32 to vector<16xi32>
    %add3A_1566 = arith.addi %get3A_1563, %add3A_1565 : vector<16xi32>
    %add3A_1567 = vector.broadcast %mul3A_4 : i32 to vector<16xi32>
    %add3A_1568 = arith.addi %add3A_1566, %add3A_1567 : vector<16xi32>
    %swap3A_1569 = arith.constant 96 : index
    %swap3A_1570 = tpu.vector_load %arg9[%swap3A_1569] {strides = array<i32>} : memref<128xi32, #tpu.memory_space<vmem>>, vector<16xi32>,
    %swap3A_1571 = vector.shape_cast %swap3A_1570 : vector<16xi32> to vector<16xi32>
    %swap3A_1572 = vector.shape_cast %add3A_1568 : vector<16xi32> to vector<16xi32>
    tpu.vector_store %arg9[%swap3A_1569], %swap3A_1572 {strides = array<i32>} : memref<128xi32, #tpu.memory_space<vmem>>, vector<16xi32>,
    %get3A_1573 = arith.constant 240 : index
    %get3A_1574 = tpu.vector_load %arg7[%get3A_1573] {strides = array<i32>} : memref<256xi32, #tpu.memory_space<vmem>>, vector<16xi32>,
    %get3A_1575 = vector.shape_cast %get3A_1574 : vector<16xi32> to vector<16xi32>
    %add3A_1576 = arith.constant 61440 : i32
    %add3A_1577 = vector.broadcast %add3A_1576 : i32 to vector<16xi32>
    %add3A_1578 = arith.addi %get3A_1575, %add3A_1577 : vector<16xi32>
    %add3A_1579 = vector.broadcast %mul3A_4 : i32 to vector<16xi32>
    %add3A_1580 = arith.addi %add3A_1578, %add3A_1579 : vector<16xi32>
    %swap3A_1581 = arith.constant 112 : index
    %swap3A_1582 = tpu.vector_load %arg9[%swap3A_1581] {strides = array<i32>} : memref<128xi32, #tpu.memory_space<vmem>>, vector<16xi32>,
    %swap3A_1583 = vector.shape_cast %swap3A_1582 : vector<16xi32> to vector<16xi32>
    %swap3A_1584 = vector.shape_cast %add3A_1580 : vector<16xi32> to vector<16xi32>
    tpu.vector_store %arg9[%swap3A_1581], %swap3A_1584 {strides = array<i32>} : memref<128xi32, #tpu.memory_space<vmem>>, vector<16xi32>,
    "tpu.region"() ({
      %run_scoped3A = tpu.sem_alloc : memref<!tpu.dma_semaphore, #tpu.memory_space<semaphore_mem>>
      %dma_start3A = arith.constant 0 : i32
      %dma_start3A_1587 = tpu.memref_slice %arg6[%dma_start3A] : memref<1048576xf32, #tpu.memory_space<vmem_shared>> -> memref<1048576xf32, #tpu.memory_space<vmem_shared>>
      tpu.enqueue_indirect_dma source(%arg10 : memref<128xf32, #tpu.memory_space<vmem>>) target(%dma_start3A_1587 : memref<1048576xf32, #tpu.memory_space<vmem_shared>>) offsets(%arg8 : memref<128xi32, #tpu.memory_space<vmem>>) semaphore(%run_scoped3A : memref<!tpu.dma_semaphore, #tpu.memory_space<semaphore_mem>>)
      %dma_wait3A = arith.constant 0 : i32
      %dma_wait3A_1588 = tpu.memref_slice %arg6[%dma_wait3A] : memref<1048576xf32, #tpu.memory_space<vmem_shared>> -> memref<1048576xf32, #tpu.memory_space<vmem_shared>>
      tpu.wait_indirect_dma semaphore(%run_scoped3A : memref<!tpu.dma_semaphore, #tpu.memory_space<semaphore_mem>>) src(%arg10 : memref<128xf32, #tpu.memory_space<vmem>>) dst(%dma_wait3A_1588 : memref<1048576xf32, #tpu.memory_space<vmem_shared>>)
      tpu.yield
    }) : () -> ()
    "tpu.region"() ({
      %run_scoped3A = tpu.sem_alloc : memref<!tpu.dma_semaphore, #tpu.memory_space<semaphore_mem>>
      %dma_start3A = arith.constant 0 : i32
      %dma_start3A_1587 = tpu.memref_slice %arg6[%dma_start3A] : memref<1048576xf32, #tpu.memory_space<vmem_shared>> -> memref<1048576xf32, #tpu.memory_space<vmem_shared>>
      tpu.enqueue_indirect_dma source(%arg10 : memref<128xf32, #tpu.memory_space<vmem>>) target(%dma_start3A_1587 : memref<1048576xf32, #tpu.memory_space<vmem_shared>>) offsets(%arg9 : memref<128xi32, #tpu.memory_space<vmem>>) semaphore(%run_scoped3A : memref<!tpu.dma_semaphore, #tpu.memory_space<semaphore_mem>>)
      %dma_wait3A = arith.constant 0 : i32
      %dma_wait3A_1588 = tpu.memref_slice %arg6[%dma_wait3A] : memref<1048576xf32, #tpu.memory_space<vmem_shared>> -> memref<1048576xf32, #tpu.memory_space<vmem_shared>>
      tpu.wait_indirect_dma semaphore(%run_scoped3A : memref<!tpu.dma_semaphore, #tpu.memory_space<semaphore_mem>>) src(%arg10 : memref<128xf32, #tpu.memory_space<vmem>>) dst(%dma_wait3A_1588 : memref<1048576xf32, #tpu.memory_space<vmem_shared>>)
      tpu.yield
    }) : () -> ()
    %mul3A_1585 = arith.constant 4096 : i32
    %mul3A_1586 = arith.muli %add3A_1390, %mul3A_1585 : i32
    "tpu.region"() ({
      %run_scoped3A = tpu.sem_alloc : memref<!tpu.dma_semaphore, #tpu.memory_space<semaphore_mem>>
      %dma_start3A = tpu.memref_slice %arg5[%mul3A_1586] : memref<16777216xf32, #tpu.memory_space<hbm>> -> memref<65536xf32, #tpu.memory_space<hbm>>
      %dma_start3A_1587 = tpu.memref_slice %arg6[%mul3A_4] : memref<1048576xf32, #tpu.memory_space<vmem_shared>> -> memref<65536xf32, #tpu.memory_space<vmem_shared>>
      tpu.enqueue_dma source(%dma_start3A_1587 : memref<65536xf32, #tpu.memory_space<vmem_shared>>) target(%dma_start3A : memref<65536xf32, #tpu.memory_space<hbm>>) target_semaphore(%run_scoped3A : memref<!tpu.dma_semaphore, #tpu.memory_space<semaphore_mem>>)
      %dma_wait3A = tpu.memref_slice %arg5[%mul3A_1586] : memref<16777216xf32, #tpu.memory_space<hbm>> -> memref<65536xf32, #tpu.memory_space<hbm>>
      %dma_wait3A_1588 = tpu.memref_slice %arg6[%mul3A_4] : memref<1048576xf32, #tpu.memory_space<vmem_shared>> -> memref<65536xf32, #tpu.memory_space<vmem_shared>>
      tpu.wait_dma2 semaphore(%run_scoped3A : memref<!tpu.dma_semaphore, #tpu.memory_space<semaphore_mem>>) src(%dma_wait3A_1588 : memref<65536xf32, #tpu.memory_space<vmem_shared>>) dst(%dma_wait3A : memref<65536xf32, #tpu.memory_space<hbm>>)
      tpu.yield
    }) : () -> ()
    "tpu.region"() ({
      %run_scoped3A = tpu.sem_alloc : memref<!tpu.dma_semaphore, #tpu.memory_space<semaphore_mem>>
      %dma_start3A = arith.constant 0 : i32
      %dma_start3A_1587 = tpu.memref_slice %arg6[%dma_start3A] : memref<1048576xf32, #tpu.memory_space<vmem_shared>> -> memref<1048576xf32, #tpu.memory_space<vmem_shared>>
      tpu.enqueue_indirect_dma source(%arg11 : memref<128xf32, #tpu.memory_space<vmem>>) target(%dma_start3A_1587 : memref<1048576xf32, #tpu.memory_space<vmem_shared>>) offsets(%arg8 : memref<128xi32, #tpu.memory_space<vmem>>) semaphore(%run_scoped3A : memref<!tpu.dma_semaphore, #tpu.memory_space<semaphore_mem>>)
      %dma_wait3A = arith.constant 0 : i32
      %dma_wait3A_1588 = tpu.memref_slice %arg6[%dma_wait3A] : memref<1048576xf32, #tpu.memory_space<vmem_shared>> -> memref<1048576xf32, #tpu.memory_space<vmem_shared>>
      tpu.wait_indirect_dma semaphore(%run_scoped3A : memref<!tpu.dma_semaphore, #tpu.memory_space<semaphore_mem>>) src(%arg11 : memref<128xf32, #tpu.memory_space<vmem>>) dst(%dma_wait3A_1588 : memref<1048576xf32, #tpu.memory_space<vmem_shared>>)
      tpu.yield
    }) : () -> ()
    "tpu.region"() ({
      %run_scoped3A = tpu.sem_alloc : memref<!tpu.dma_semaphore, #tpu.memory_space<semaphore_mem>>
      %dma_start3A = arith.constant 0 : i32
      %dma_start3A_1587 = tpu.memref_slice %arg6[%dma_start3A] : memref<1048576xf32, #tpu.memory_space<vmem_shared>> -> memref<1048576xf32, #tpu.memory_space<vmem_shared>>
      tpu.enqueue_indirect_dma source(%arg11 : memref<128xf32, #tpu.memory_space<vmem>>) target(%dma_start3A_1587 : memref<1048576xf32, #tpu.memory_space<vmem_shared>>) offsets(%arg9 : memref<128xi32, #tpu.memory_space<vmem>>) semaphore(%run_scoped3A : memref<!tpu.dma_semaphore, #tpu.memory_space<semaphore_mem>>)
      %dma_wait3A = arith.constant 0 : i32
      %dma_wait3A_1588 = tpu.memref_slice %arg6[%dma_wait3A] : memref<1048576xf32, #tpu.memory_space<vmem_shared>> -> memref<1048576xf32, #tpu.memory_space<vmem_shared>>
      tpu.wait_indirect_dma semaphore(%run_scoped3A : memref<!tpu.dma_semaphore, #tpu.memory_space<semaphore_mem>>) src(%arg11 : memref<128xf32, #tpu.memory_space<vmem>>) dst(%dma_wait3A_1588 : memref<1048576xf32, #tpu.memory_space<vmem_shared>>)
      tpu.yield
    }) : () -> ()
    return
  }
}

module attributes {stable_mosaic.version = 14 : i64} {
  func.func @_proj_body(%arg0: memref<4096x64xf32, #tpu.memory_space<vmem>>, %arg1: memref<64x64xf32, #tpu.memory_space<vmem>>, %arg2: memref<1x64xf32, #tpu.memory_space<vmem>>, %arg3: memref<4096x64xf32, #tpu.memory_space<vmem>>) attributes {dimension_semantics = [], scalar_prefetch = 0 : i64, scratch_operands = 0 : i64, tpu.core_type = #tpu.core_type<tc>} {
    %get3A = arith.constant 0 : index
    %get3A_0 = arith.constant 0 : index
    %get3A_1 = vector.load %arg0[%get3A, %get3A_0] : memref<4096x64xf32, #tpu.memory_space<vmem>>, vector<4096x64xf32>
    %get3A_2 = arith.constant 0 : index
    %get3A_3 = arith.constant 0 : index
    %get3A_4 = vector.load %arg1[%get3A_2, %get3A_3] : memref<64x64xf32, #tpu.memory_space<vmem>>, vector<64x64xf32>
    %dot_general3A = arith.constant dense<0.000000e+00> : vector<4096x64xf32>
    %dot_general3A_5 = tpu.matmul %get3A_1, %get3A_4, %dot_general3A {dimension_numbers = #tpu.dot_dimension_numbers<[1], [1], [0], [0], [0, 0, 1, 0], [], []>, transpose_lhs_hint = false} : vector<4096x64xf32>, vector<64x64xf32>, vector<4096x64xf32> -> vector<4096x64xf32>
    %get3A_6 = arith.constant 0 : index
    %get3A_7 = arith.constant 0 : index
    %get3A_8 = vector.load %arg2[%get3A_6, %get3A_7] : memref<1x64xf32, #tpu.memory_space<vmem>>, vector<1x64xf32>
    %add3A = vector.broadcast %get3A_8 : vector<1x64xf32> to vector<4096x64xf32>
    %add3A_9 = arith.addf %dot_general3A_5, %add3A : vector<4096x64xf32>
    %swap3A = arith.constant 0 : index
    %swap3A_10 = arith.constant 0 : index
    %swap3A_11 = vector.load %arg3[%swap3A, %swap3A_10] : memref<4096x64xf32, #tpu.memory_space<vmem>>, vector<4096x64xf32>
    tpu.vector_store %arg3[%swap3A, %swap3A_10], %add3A_9 {strides = array<i32>} : memref<4096x64xf32, #tpu.memory_space<vmem>>, vector<4096x64xf32>,
    return
  }
}

module attributes {stable_mosaic.version = 14 : i64} {
  func.func @_main_body(%arg0: i32, %arg1: memref<512x64xf32, #tpu.memory_space<vmem>>, %arg2: memref<4096x64xf32, #tpu.memory_space<vmem>>, %arg3: memref<512x4096xf32, #tpu.memory_space<vmem>>, %arg4: memref<512x16xi32, #tpu.memory_space<vmem>>) attributes {dimension_semantics = [#tpu.dimension_semantics<arbitrary>], iteration_bounds = array<i64: 8>, scalar_prefetch = 0 : i64, scratch_operands = 0 : i64, tpu.core_type = #tpu.core_type<tc>, window_params = [{transform_indices = @transform_0, window_bounds = array<i64: 512, 64>}, {pipeline_mode = #tpu.pipeline_mode<synchronous>, transform_indices = @transform_1, window_bounds = array<i64: 4096, 64>}, {transform_indices = @transform_2, window_bounds = array<i64: 512, 4096>}, {transform_indices = @transform_3, window_bounds = array<i64: 512, 16>}]} {
    %get3A = arith.constant 0 : index
    %get3A_0 = arith.constant 0 : index
    %get3A_1 = vector.load %arg1[%get3A, %get3A_0] : memref<512x64xf32, #tpu.memory_space<vmem>>, vector<512x64xf32>
    %get3A_2 = arith.constant 0 : index
    %get3A_3 = arith.constant 0 : index
    %get3A_4 = vector.load %arg2[%get3A_2, %get3A_3] : memref<4096x64xf32, #tpu.memory_space<vmem>>, vector<4096x64xf32>
    %dot_general3A = arith.constant dense<0.000000e+00> : vector<512x4096xf32>
    %dot_general3A_5 = tpu.matmul %get3A_1, %get3A_4, %dot_general3A {dimension_numbers = #tpu.dot_dimension_numbers<[1], [1], [0], [0], [0, 0, 1, 0], [], []>, transpose_lhs_hint = false} : vector<512x64xf32>, vector<4096x64xf32>, vector<512x4096xf32> -> vector<512x4096xf32>
    %div3A = arith.constant 2.000000e-01 : f32
    %div3A_6 = vector.broadcast %div3A : f32 to vector<512x4096xf32>
    %div3A_7 = arith.divf %dot_general3A_5, %div3A_6 : vector<512x4096xf32>
    %iota3A = tpu.iota {dimensions = array<i32: 1>} : vector<512x4096xi32>
    %iota3A_8 = tpu.iota {dimensions = array<i32: 0>} : vector<512x4096xi32>
    %mul3A = arith.constant 512 : i32
    %mul3A_9 = arith.muli %arg0, %mul3A : i32
    %add3A = vector.broadcast %mul3A_9 : i32 to vector<512x4096xi32>
    %add3A_10 = arith.addi %iota3A_8, %add3A : vector<512x4096xi32>
    %eq3A = arith.cmpi eq, %iota3A, %add3A_10 : vector<512x4096xi32>
    %jit3A = arith.constant -1.000000e+09 : f32
    %broadcast_in_dim3A = vector.broadcast %jit3A : f32 to vector<512x4096xf32>
    %select_n3A = arith.select %eq3A, %broadcast_in_dim3A, %div3A_7 : vector<512x4096xi1>, vector<512x4096xf32>
    %get3A_11 = arith.constant 0 : index
    %get3A_12 = arith.constant 0 : index
    %get3A_13 = vector.load %arg3[%get3A_11, %get3A_12] : memref<512x4096xf32, #tpu.memory_space<vmem>>, vector<512x4096xf32>
    %add3A_14 = arith.addf %select_n3A, %get3A_13 : vector<512x4096xf32>
    %div3A_15 = arith.constant 2.000000e-01 : f32
    %div3A_16 = vector.broadcast %div3A_15 : f32 to vector<512x4096xf32>
    %div3A_17 = arith.divf %add3A_14, %div3A_16 : vector<512x4096xf32>
    %reduce_max3A = arith.constant dense<0xFF800000> : vector<512xf32>
    %reduce_max3A_18 = vector.multi_reduction <maximumf>, %div3A_17, %reduce_max3A [1] : vector<512x4096xf32> to vector<512xf32>
    %broadcast_in_dim3A_19 = vector.shape_cast %reduce_max3A_18 : vector<512xf32> to vector<512x1xf32>
    %sub3A = vector.broadcast %broadcast_in_dim3A_19 : vector<512x1xf32> to vector<512x4096xf32>
    %sub3A_20 = arith.subf %div3A_17, %sub3A : vector<512x4096xf32>
    %exp3A = math.exp %sub3A_20 : vector<512x4096xf32>
    %reduce_sum3A = arith.constant dense<0.000000e+00> : vector<512xf32>
    %reduce_sum3A_21 = vector.multi_reduction <add>, %exp3A, %reduce_sum3A [1] : vector<512x4096xf32> to vector<512xf32>
    %broadcast_in_dim3A_22 = vector.shape_cast %reduce_sum3A_21 : vector<512xf32> to vector<512x1xf32>
    %div3A_23 = vector.broadcast %broadcast_in_dim3A_22 : vector<512x1xf32> to vector<512x4096xf32>
    %div3A_24 = arith.divf %exp3A, %div3A_23 : vector<512x4096xf32>
    %gt3A = arith.constant 0.000000e+00 : f32
    %gt3A_25 = vector.broadcast %gt3A : f32 to vector<512x4096xf32>
    %gt3A_26 = arith.cmpf ogt, %div3A_24, %gt3A_25 : vector<512x4096xf32>
    %neg3A = arith.constant 0.000000e+00 : f32
    %neg3A_27 = arith.constant 1.000000e+00 : f32
    %neg3A_28 = arith.subf %neg3A, %neg3A_27 : f32
    %convert_element_type3A = arith.sitofp %iota3A : vector<512x4096xi32> to vector<512x4096xf32>
    %sub3A_29 = vector.broadcast %neg3A_28 : f32 to vector<512x4096xf32>
    %sub3A_30 = arith.subf %sub3A_29, %convert_element_type3A : vector<512x4096xf32>
    %select_n3A_31 = arith.select %gt3A_26, %div3A_24, %sub3A_30 : vector<512x4096xi1>, vector<512x4096xf32>
    %iota3A_32 = tpu.iota {dimensions = array<i32: 1>} : vector<512x16xi32>
    %broadcast_in_dim3A_33 = arith.constant 0 : i32
    %broadcast_in_dim3A_34 = vector.broadcast %broadcast_in_dim3A_33 : i32 to vector<512x16xi32>
    %argmax3A = tpu.reduce_index %select_n3A_31 {axis = 1 : i32, kind = #tpu.reduction_kind<arg_max>} : vector<512x4096xf32> -> vector<512xi32>
    %reshape3A = vector.shape_cast %argmax3A : vector<512xi32> to vector<512x1xi32>
    %eq3A_35 = vector.broadcast %reshape3A : vector<512x1xi32> to vector<512x4096xi32>
    %eq3A_36 = arith.cmpi eq, %iota3A, %eq3A_35 : vector<512x4096xi32>
    %jit3A_37 = arith.constant 0xFF800000 : f32
    %broadcast_in_dim3A_38 = vector.broadcast %jit3A_37 : f32 to vector<512x4096xf32>
    %select_n3A_39 = arith.select %eq3A_36, %broadcast_in_dim3A_38, %select_n3A_31 : vector<512x4096xi1>, vector<512x4096xf32>
    %eq3A_40 = arith.constant 0 : i32
    %eq3A_41 = vector.broadcast %eq3A_40 : i32 to vector<512x16xi32>
    %eq3A_42 = arith.cmpi eq, %iota3A_32, %eq3A_41 : vector<512x16xi32>
    %ge3A = arith.constant 10 : i32
    %ge3A_43 = vector.broadcast %ge3A : i32 to vector<512x16xi32>
    %ge3A_44 = arith.cmpi sge, %iota3A_32, %ge3A_43 : vector<512x16xi32>
    %and3A = arith.constant false
    %and3A_45 = vector.broadcast %and3A : i1 to vector<512x16xi1>
    %and3A_46 = arith.andi %and3A_45, %ge3A_44 : vector<512x16xi1>
    %or3A = arith.ori %eq3A_42, %and3A_46 : vector<512x16xi1>
    %broadcast_in_dim3A_47 = vector.shape_cast %reshape3A : vector<512x1xi32> to vector<512x1xi32>
    %broadcast_in_dim3A_48 = vector.broadcast %broadcast_in_dim3A_47 : vector<512x1xi32> to vector<512x16xi32>
    %select_n3A_49 = arith.select %or3A, %broadcast_in_dim3A_48, %broadcast_in_dim3A_34 : vector<512x16xi1>, vector<512x16xi32>
    %argmax3A_50 = tpu.reduce_index %select_n3A_39 {axis = 1 : i32, kind = #tpu.reduction_kind<arg_max>} : vector<512x4096xf32> -> vector<512xi32>
    %reshape3A_51 = vector.shape_cast %argmax3A_50 : vector<512xi32> to vector<512x1xi32>
    %eq3A_52 = vector.broadcast %reshape3A_51 : vector<512x1xi32> to vector<512x4096xi32>
    %eq3A_53 = arith.cmpi eq, %iota3A, %eq3A_52 : vector<512x4096xi32>
    %jit3A_54 = arith.constant 0xFF800000 : f32
    %broadcast_in_dim3A_55 = vector.broadcast %jit3A_54 : f32 to vector<512x4096xf32>
    %select_n3A_56 = arith.select %eq3A_53, %broadcast_in_dim3A_55, %select_n3A_39 : vector<512x4096xi1>, vector<512x4096xf32>
    %eq3A_57 = arith.constant 1 : i32
    %eq3A_58 = vector.broadcast %eq3A_57 : i32 to vector<512x16xi32>
    %eq3A_59 = arith.cmpi eq, %iota3A_32, %eq3A_58 : vector<512x16xi32>
    %ge3A_60 = arith.constant 10 : i32
    %ge3A_61 = vector.broadcast %ge3A_60 : i32 to vector<512x16xi32>
    %ge3A_62 = arith.cmpi sge, %iota3A_32, %ge3A_61 : vector<512x16xi32>
    %and3A_63 = arith.constant false
    %and3A_64 = vector.broadcast %and3A_63 : i1 to vector<512x16xi1>
    %and3A_65 = arith.andi %and3A_64, %ge3A_62 : vector<512x16xi1>
    %or3A_66 = arith.ori %eq3A_59, %and3A_65 : vector<512x16xi1>
    %broadcast_in_dim3A_67 = vector.shape_cast %reshape3A_51 : vector<512x1xi32> to vector<512x1xi32>
    %broadcast_in_dim3A_68 = vector.broadcast %broadcast_in_dim3A_67 : vector<512x1xi32> to vector<512x16xi32>
    %select_n3A_69 = arith.select %or3A_66, %broadcast_in_dim3A_68, %select_n3A_49 : vector<512x16xi1>, vector<512x16xi32>
    %argmax3A_70 = tpu.reduce_index %select_n3A_56 {axis = 1 : i32, kind = #tpu.reduction_kind<arg_max>} : vector<512x4096xf32> -> vector<512xi32>
    %reshape3A_71 = vector.shape_cast %argmax3A_70 : vector<512xi32> to vector<512x1xi32>
    %eq3A_72 = vector.broadcast %reshape3A_71 : vector<512x1xi32> to vector<512x4096xi32>
    %eq3A_73 = arith.cmpi eq, %iota3A, %eq3A_72 : vector<512x4096xi32>
    %jit3A_74 = arith.constant 0xFF800000 : f32
    %broadcast_in_dim3A_75 = vector.broadcast %jit3A_74 : f32 to vector<512x4096xf32>
    %select_n3A_76 = arith.select %eq3A_73, %broadcast_in_dim3A_75, %select_n3A_56 : vector<512x4096xi1>, vector<512x4096xf32>
    %eq3A_77 = arith.constant 2 : i32
    %eq3A_78 = vector.broadcast %eq3A_77 : i32 to vector<512x16xi32>
    %eq3A_79 = arith.cmpi eq, %iota3A_32, %eq3A_78 : vector<512x16xi32>
    %ge3A_80 = arith.constant 10 : i32
    %ge3A_81 = vector.broadcast %ge3A_80 : i32 to vector<512x16xi32>
    %ge3A_82 = arith.cmpi sge, %iota3A_32, %ge3A_81 : vector<512x16xi32>
    %and3A_83 = arith.constant false
    %and3A_84 = vector.broadcast %and3A_83 : i1 to vector<512x16xi1>
    %and3A_85 = arith.andi %and3A_84, %ge3A_82 : vector<512x16xi1>
    %or3A_86 = arith.ori %eq3A_79, %and3A_85 : vector<512x16xi1>
    %broadcast_in_dim3A_87 = vector.shape_cast %reshape3A_71 : vector<512x1xi32> to vector<512x1xi32>
    %broadcast_in_dim3A_88 = vector.broadcast %broadcast_in_dim3A_87 : vector<512x1xi32> to vector<512x16xi32>
    %select_n3A_89 = arith.select %or3A_86, %broadcast_in_dim3A_88, %select_n3A_69 : vector<512x16xi1>, vector<512x16xi32>
    %argmax3A_90 = tpu.reduce_index %select_n3A_76 {axis = 1 : i32, kind = #tpu.reduction_kind<arg_max>} : vector<512x4096xf32> -> vector<512xi32>
    %reshape3A_91 = vector.shape_cast %argmax3A_90 : vector<512xi32> to vector<512x1xi32>
    %eq3A_92 = vector.broadcast %reshape3A_91 : vector<512x1xi32> to vector<512x4096xi32>
    %eq3A_93 = arith.cmpi eq, %iota3A, %eq3A_92 : vector<512x4096xi32>
    %jit3A_94 = arith.constant 0xFF800000 : f32
    %broadcast_in_dim3A_95 = vector.broadcast %jit3A_94 : f32 to vector<512x4096xf32>
    %select_n3A_96 = arith.select %eq3A_93, %broadcast_in_dim3A_95, %select_n3A_76 : vector<512x4096xi1>, vector<512x4096xf32>
    %eq3A_97 = arith.constant 3 : i32
    %eq3A_98 = vector.broadcast %eq3A_97 : i32 to vector<512x16xi32>
    %eq3A_99 = arith.cmpi eq, %iota3A_32, %eq3A_98 : vector<512x16xi32>
    %ge3A_100 = arith.constant 10 : i32
    %ge3A_101 = vector.broadcast %ge3A_100 : i32 to vector<512x16xi32>
    %ge3A_102 = arith.cmpi sge, %iota3A_32, %ge3A_101 : vector<512x16xi32>
    %and3A_103 = arith.constant false
    %and3A_104 = vector.broadcast %and3A_103 : i1 to vector<512x16xi1>
    %and3A_105 = arith.andi %and3A_104, %ge3A_102 : vector<512x16xi1>
    %or3A_106 = arith.ori %eq3A_99, %and3A_105 : vector<512x16xi1>
    %broadcast_in_dim3A_107 = vector.shape_cast %reshape3A_91 : vector<512x1xi32> to vector<512x1xi32>
    %broadcast_in_dim3A_108 = vector.broadcast %broadcast_in_dim3A_107 : vector<512x1xi32> to vector<512x16xi32>
    %select_n3A_109 = arith.select %or3A_106, %broadcast_in_dim3A_108, %select_n3A_89 : vector<512x16xi1>, vector<512x16xi32>
    %argmax3A_110 = tpu.reduce_index %select_n3A_96 {axis = 1 : i32, kind = #tpu.reduction_kind<arg_max>} : vector<512x4096xf32> -> vector<512xi32>
    %reshape3A_111 = vector.shape_cast %argmax3A_110 : vector<512xi32> to vector<512x1xi32>
    %eq3A_112 = vector.broadcast %reshape3A_111 : vector<512x1xi32> to vector<512x4096xi32>
    %eq3A_113 = arith.cmpi eq, %iota3A, %eq3A_112 : vector<512x4096xi32>
    %jit3A_114 = arith.constant 0xFF800000 : f32
    %broadcast_in_dim3A_115 = vector.broadcast %jit3A_114 : f32 to vector<512x4096xf32>
    %select_n3A_116 = arith.select %eq3A_113, %broadcast_in_dim3A_115, %select_n3A_96 : vector<512x4096xi1>, vector<512x4096xf32>
    %eq3A_117 = arith.constant 4 : i32
    %eq3A_118 = vector.broadcast %eq3A_117 : i32 to vector<512x16xi32>
    %eq3A_119 = arith.cmpi eq, %iota3A_32, %eq3A_118 : vector<512x16xi32>
    %ge3A_120 = arith.constant 10 : i32
    %ge3A_121 = vector.broadcast %ge3A_120 : i32 to vector<512x16xi32>
    %ge3A_122 = arith.cmpi sge, %iota3A_32, %ge3A_121 : vector<512x16xi32>
    %and3A_123 = arith.constant false
    %and3A_124 = vector.broadcast %and3A_123 : i1 to vector<512x16xi1>
    %and3A_125 = arith.andi %and3A_124, %ge3A_122 : vector<512x16xi1>
    %or3A_126 = arith.ori %eq3A_119, %and3A_125 : vector<512x16xi1>
    %broadcast_in_dim3A_127 = vector.shape_cast %reshape3A_111 : vector<512x1xi32> to vector<512x1xi32>
    %broadcast_in_dim3A_128 = vector.broadcast %broadcast_in_dim3A_127 : vector<512x1xi32> to vector<512x16xi32>
    %select_n3A_129 = arith.select %or3A_126, %broadcast_in_dim3A_128, %select_n3A_109 : vector<512x16xi1>, vector<512x16xi32>
    %argmax3A_130 = tpu.reduce_index %select_n3A_116 {axis = 1 : i32, kind = #tpu.reduction_kind<arg_max>} : vector<512x4096xf32> -> vector<512xi32>
    %reshape3A_131 = vector.shape_cast %argmax3A_130 : vector<512xi32> to vector<512x1xi32>
    %eq3A_132 = vector.broadcast %reshape3A_131 : vector<512x1xi32> to vector<512x4096xi32>
    %eq3A_133 = arith.cmpi eq, %iota3A, %eq3A_132 : vector<512x4096xi32>
    %jit3A_134 = arith.constant 0xFF800000 : f32
    %broadcast_in_dim3A_135 = vector.broadcast %jit3A_134 : f32 to vector<512x4096xf32>
    %select_n3A_136 = arith.select %eq3A_133, %broadcast_in_dim3A_135, %select_n3A_116 : vector<512x4096xi1>, vector<512x4096xf32>
    %eq3A_137 = arith.constant 5 : i32
    %eq3A_138 = vector.broadcast %eq3A_137 : i32 to vector<512x16xi32>
    %eq3A_139 = arith.cmpi eq, %iota3A_32, %eq3A_138 : vector<512x16xi32>
    %ge3A_140 = arith.constant 10 : i32
    %ge3A_141 = vector.broadcast %ge3A_140 : i32 to vector<512x16xi32>
    %ge3A_142 = arith.cmpi sge, %iota3A_32, %ge3A_141 : vector<512x16xi32>
    %and3A_143 = arith.constant false
    %and3A_144 = vector.broadcast %and3A_143 : i1 to vector<512x16xi1>
    %and3A_145 = arith.andi %and3A_144, %ge3A_142 : vector<512x16xi1>
    %or3A_146 = arith.ori %eq3A_139, %and3A_145 : vector<512x16xi1>
    %broadcast_in_dim3A_147 = vector.shape_cast %reshape3A_131 : vector<512x1xi32> to vector<512x1xi32>
    %broadcast_in_dim3A_148 = vector.broadcast %broadcast_in_dim3A_147 : vector<512x1xi32> to vector<512x16xi32>
    %select_n3A_149 = arith.select %or3A_146, %broadcast_in_dim3A_148, %select_n3A_129 : vector<512x16xi1>, vector<512x16xi32>
    %argmax3A_150 = tpu.reduce_index %select_n3A_136 {axis = 1 : i32, kind = #tpu.reduction_kind<arg_max>} : vector<512x4096xf32> -> vector<512xi32>
    %reshape3A_151 = vector.shape_cast %argmax3A_150 : vector<512xi32> to vector<512x1xi32>
    %eq3A_152 = vector.broadcast %reshape3A_151 : vector<512x1xi32> to vector<512x4096xi32>
    %eq3A_153 = arith.cmpi eq, %iota3A, %eq3A_152 : vector<512x4096xi32>
    %jit3A_154 = arith.constant 0xFF800000 : f32
    %broadcast_in_dim3A_155 = vector.broadcast %jit3A_154 : f32 to vector<512x4096xf32>
    %select_n3A_156 = arith.select %eq3A_153, %broadcast_in_dim3A_155, %select_n3A_136 : vector<512x4096xi1>, vector<512x4096xf32>
    %eq3A_157 = arith.constant 6 : i32
    %eq3A_158 = vector.broadcast %eq3A_157 : i32 to vector<512x16xi32>
    %eq3A_159 = arith.cmpi eq, %iota3A_32, %eq3A_158 : vector<512x16xi32>
    %ge3A_160 = arith.constant 10 : i32
    %ge3A_161 = vector.broadcast %ge3A_160 : i32 to vector<512x16xi32>
    %ge3A_162 = arith.cmpi sge, %iota3A_32, %ge3A_161 : vector<512x16xi32>
    %and3A_163 = arith.constant false
    %and3A_164 = vector.broadcast %and3A_163 : i1 to vector<512x16xi1>
    %and3A_165 = arith.andi %and3A_164, %ge3A_162 : vector<512x16xi1>
    %or3A_166 = arith.ori %eq3A_159, %and3A_165 : vector<512x16xi1>
    %broadcast_in_dim3A_167 = vector.shape_cast %reshape3A_151 : vector<512x1xi32> to vector<512x1xi32>
    %broadcast_in_dim3A_168 = vector.broadcast %broadcast_in_dim3A_167 : vector<512x1xi32> to vector<512x16xi32>
    %select_n3A_169 = arith.select %or3A_166, %broadcast_in_dim3A_168, %select_n3A_149 : vector<512x16xi1>, vector<512x16xi32>
    %argmax3A_170 = tpu.reduce_index %select_n3A_156 {axis = 1 : i32, kind = #tpu.reduction_kind<arg_max>} : vector<512x4096xf32> -> vector<512xi32>
    %reshape3A_171 = vector.shape_cast %argmax3A_170 : vector<512xi32> to vector<512x1xi32>
    %eq3A_172 = vector.broadcast %reshape3A_171 : vector<512x1xi32> to vector<512x4096xi32>
    %eq3A_173 = arith.cmpi eq, %iota3A, %eq3A_172 : vector<512x4096xi32>
    %jit3A_174 = arith.constant 0xFF800000 : f32
    %broadcast_in_dim3A_175 = vector.broadcast %jit3A_174 : f32 to vector<512x4096xf32>
    %select_n3A_176 = arith.select %eq3A_173, %broadcast_in_dim3A_175, %select_n3A_156 : vector<512x4096xi1>, vector<512x4096xf32>
    %eq3A_177 = arith.constant 7 : i32
    %eq3A_178 = vector.broadcast %eq3A_177 : i32 to vector<512x16xi32>
    %eq3A_179 = arith.cmpi eq, %iota3A_32, %eq3A_178 : vector<512x16xi32>
    %ge3A_180 = arith.constant 10 : i32
    %ge3A_181 = vector.broadcast %ge3A_180 : i32 to vector<512x16xi32>
    %ge3A_182 = arith.cmpi sge, %iota3A_32, %ge3A_181 : vector<512x16xi32>
    %and3A_183 = arith.constant false
    %and3A_184 = vector.broadcast %and3A_183 : i1 to vector<512x16xi1>
    %and3A_185 = arith.andi %and3A_184, %ge3A_182 : vector<512x16xi1>
    %or3A_186 = arith.ori %eq3A_179, %and3A_185 : vector<512x16xi1>
    %broadcast_in_dim3A_187 = vector.shape_cast %reshape3A_171 : vector<512x1xi32> to vector<512x1xi32>
    %broadcast_in_dim3A_188 = vector.broadcast %broadcast_in_dim3A_187 : vector<512x1xi32> to vector<512x16xi32>
    %select_n3A_189 = arith.select %or3A_186, %broadcast_in_dim3A_188, %select_n3A_169 : vector<512x16xi1>, vector<512x16xi32>
    %argmax3A_190 = tpu.reduce_index %select_n3A_176 {axis = 1 : i32, kind = #tpu.reduction_kind<arg_max>} : vector<512x4096xf32> -> vector<512xi32>
    %reshape3A_191 = vector.shape_cast %argmax3A_190 : vector<512xi32> to vector<512x1xi32>
    %eq3A_192 = vector.broadcast %reshape3A_191 : vector<512x1xi32> to vector<512x4096xi32>
    %eq3A_193 = arith.cmpi eq, %iota3A, %eq3A_192 : vector<512x4096xi32>
    %jit3A_194 = arith.constant 0xFF800000 : f32
    %broadcast_in_dim3A_195 = vector.broadcast %jit3A_194 : f32 to vector<512x4096xf32>
    %select_n3A_196 = arith.select %eq3A_193, %broadcast_in_dim3A_195, %select_n3A_176 : vector<512x4096xi1>, vector<512x4096xf32>
    %eq3A_197 = arith.constant 8 : i32
    %eq3A_198 = vector.broadcast %eq3A_197 : i32 to vector<512x16xi32>
    %eq3A_199 = arith.cmpi eq, %iota3A_32, %eq3A_198 : vector<512x16xi32>
    %ge3A_200 = arith.constant 10 : i32
    %ge3A_201 = vector.broadcast %ge3A_200 : i32 to vector<512x16xi32>
    %ge3A_202 = arith.cmpi sge, %iota3A_32, %ge3A_201 : vector<512x16xi32>
    %and3A_203 = arith.constant false
    %and3A_204 = vector.broadcast %and3A_203 : i1 to vector<512x16xi1>
    %and3A_205 = arith.andi %and3A_204, %ge3A_202 : vector<512x16xi1>
    %or3A_206 = arith.ori %eq3A_199, %and3A_205 : vector<512x16xi1>
    %broadcast_in_dim3A_207 = vector.shape_cast %reshape3A_191 : vector<512x1xi32> to vector<512x1xi32>
    %broadcast_in_dim3A_208 = vector.broadcast %broadcast_in_dim3A_207 : vector<512x1xi32> to vector<512x16xi32>
    %select_n3A_209 = arith.select %or3A_206, %broadcast_in_dim3A_208, %select_n3A_189 : vector<512x16xi1>, vector<512x16xi32>
    %argmax3A_210 = tpu.reduce_index %select_n3A_196 {axis = 1 : i32, kind = #tpu.reduction_kind<arg_max>} : vector<512x4096xf32> -> vector<512xi32>
    %reshape3A_211 = vector.shape_cast %argmax3A_210 : vector<512xi32> to vector<512x1xi32>
    %eq3A_212 = arith.constant 9 : i32
    %eq3A_213 = vector.broadcast %eq3A_212 : i32 to vector<512x16xi32>
    %eq3A_214 = arith.cmpi eq, %iota3A_32, %eq3A_213 : vector<512x16xi32>
    %ge3A_215 = arith.constant 10 : i32
    %ge3A_216 = vector.broadcast %ge3A_215 : i32 to vector<512x16xi32>
    %ge3A_217 = arith.cmpi sge, %iota3A_32, %ge3A_216 : vector<512x16xi32>
    %and3A_218 = arith.constant true
    %and3A_219 = vector.broadcast %and3A_218 : i1 to vector<512x16xi1>
    %and3A_220 = arith.andi %and3A_219, %ge3A_217 : vector<512x16xi1>
    %or3A_221 = arith.ori %eq3A_214, %and3A_220 : vector<512x16xi1>
    %broadcast_in_dim3A_222 = vector.shape_cast %reshape3A_211 : vector<512x1xi32> to vector<512x1xi32>
    %broadcast_in_dim3A_223 = vector.broadcast %broadcast_in_dim3A_222 : vector<512x1xi32> to vector<512x16xi32>
    %select_n3A_224 = arith.select %or3A_221, %broadcast_in_dim3A_223, %select_n3A_209 : vector<512x16xi1>, vector<512x16xi32>
    %swap3A = arith.constant 0 : index
    %swap3A_225 = arith.constant 0 : index
    %swap3A_226 = vector.load %arg4[%swap3A, %swap3A_225] : memref<512x16xi32, #tpu.memory_space<vmem>>, vector<512x16xi32>
    tpu.vector_store %arg4[%swap3A, %swap3A_225], %select_n3A_224 {strides = array<i32>} : memref<512x16xi32, #tpu.memory_space<vmem>>, vector<512x16xi32>,
    return
  }
  func.func @transform_0(%arg0: i32) -> (i32, i32) {
    %c0_i32 = arith.constant 0 : i32
    %c0_i32_0 = arith.constant 0 : i32
    return %arg0, %c0_i32 : i32, i32
  }
  func.func @transform_1(%arg0: i32) -> (i32, i32) {
    %c0_i32 = arith.constant 0 : i32
    %c0_i32_0 = arith.constant 0 : i32
    %c0_i32_1 = arith.constant 0 : i32
    return %c0_i32, %c0_i32_0 : i32, i32
  }
  func.func @transform_2(%arg0: i32) -> (i32, i32) {
    %c0_i32 = arith.constant 0 : i32
    %c0_i32_0 = arith.constant 0 : i32
    return %arg0, %c0_i32 : i32, i32
  }
  func.func @transform_3(%arg0: i32) -> (i32, i32) {
    %c0_i32 = arith.constant 0 : i32
    %c0_i32_0 = arith.constant 0 : i32
    return %arg0, %c0_i32 : i32, i32
  }
}

</mosaic_0001>

<sc_bundles>
// kernel: kernel.5.cloned.1.call-start
scs
__scs_entry_jumppad:
0x0: {  	(pc) =	sbr.rel $0x88, $3  }
0x1: {  	(tag) =	ssettag $0x0;
	lr =	simm.s32 $0x1  }
0x2: {  	[smem:$0x3F9E] =	sst lr;
	_ =	strace $0xD0000000  }
0x3: {  	_ = 	snop  }
0x4: {  	_ = 	snop  }
0x5: {  	_ = 	snop  }
0x6: {  	_ = 	snop  }
0x7: {  	_ = 	snop  }
__scs_overlays_trampoline_lowered:
0x8: {  	[smem:$0x3FAD] =	sst s0  }
0x9: {  	[smem:$0x3FAE] =	sst s1  }
0xa: {  	[smem:$0x3FAF] =	sst s2  }
0xb: {  	[smem:$0x3FB0] =	sst s3  }
0xc: {  	[smem:$0x3FB1] =	sst s4  }
0xd: {  	[smem:$0x3FB2] =	sst s5  }
0xe: {  	[smem:$0x3FB3] =	sst s6  }
0xf: {  	[smem:$0x3FB4] =	sst s7  }
0x10: {  	[smem:$0x3FB5] =	sst s8  }
0x11: {  	[smem:$0x3FB6] =	sst s9;
	s0 =	simm.s32 @!p0 $0x0  }
0x12: {  	s1 =	sld [smem:$0x3F9C];
	s0 =	simm.s32 @p0 $0x1  }
0x13: {  	[smem:$0x3FB7] =	sst s0;
	s0 =	simm.s32 @!p1 $0x0  }
0x14: {  	s2 =	sld [smem:$0x3F9B];
	s0 =	simm.s32 @p1 $0x1  }
0x15: {  	[smem:$0x3FB8] =	sst s0;
	s0 =	simm.s32 @!p2 $0x0  }
0x16: {  	s3 =	sld [smem:$0x3FDB];
	s0 =	simm.s32 @p2 $0x1  }
0x17: {  	s4 =	simm.s32 $0x1BF5;
	[smem:$0x3FBA] =	sst s0  }
0x18: {  	s0 =	sld [smem:$0x3F9D];
	_ =	swait.ge [sflag:s4], $0x0  }
0x19: {  	s7 =	sld [smem:$0x3F9E]  }
0x1a: {  	s8 =	sadd.s32 $0xFFFFE003, lr  }
0x1b: {  	s9 =	sadd.s32 $0xFFFFFEF7, lr;
	s5 =	simm.s32 $0xFFFFFFFF;
	p2 =	slt.u32 s8, $0xFFFFF086  }
0x1c: {  	p1 =	slt.u32 s9, $0xF7A;
	s5 =	simm.s32 @!p2 $0x0  }
0x1d: {  	s5 =	simm.s32 @p1 $0x1;
	p0 =	seq.s32 s7, s2  }
0x1e: {  	s7 =	smul.u32 @!p0 $0xF7A, s2;
	p2 =	seq.s32 @!p0 s5, $0x0  }
0x1f: {  	s9 =	smul.u32 $0xF7A, s1;
	s8 =	simm.s32 @!p0 $0x1BF5;
	p2 =	por !p2, p0  }
0x20: {  	[sflag:s8] =	ssyncset.s32 @!p0 $0xFFFFF086;
	s6 =	sadd.s32 @!p0 s3, s7;
	s7 =	simm.s32 @!p0 $0x108  }
0x21: {  	s3 =	sadd.s32 s3, s9;
	s6 =	sadd.s32 @!p0 $0x88, s6;
	s7 =	simm.s32 @p2 $0x1082  }
0x22: {  	[simem:s7], [sflag:s8] =	dma.local @!p0 [hbm:s6], $0xF7A  }
0x23: {  	s9 =	sor.u32 $0xD0000000, s2;
	s6 =	simm.s32 $0x108;
	_ =	swait.ge @!p0 [sflag:s8], $0x0  }
0x24: {  	s3 =	sadd.s32 $0x88, s3;
	s6 =	simm.s32 @!p1 $0x1082;
	[sflag:s4] =	ssyncset.s32 $0xFFFFF086  }
0x25: {  	[simem:s6], [sflag:s4] =	dma.local [hbm:s3], $0xF7A  }
0x26: {  	[smem:$0x3F9E] =	sst s1;
	(tag) =	ssettag s2;
	_ =	strace s9  }
0x27: {  	s1 =	sld [smem:$0x3FAE]  }
0x28: {  	s2 =	sld [smem:$0x3FAF]  }
0x29: {  	s4 =	sld [smem:$0x3FB1]  }
0x2a: {  	p0 =	seq.s32 s5, $0x0;
	s5 =	sld [smem:$0x3FB2]  }
0x2b: {  	s6 =	sld [smem:$0x3FB3]  }
0x2c: {  	s7 =	sld [smem:$0x3FB4]  }
0x2d: {  	s3 =	simm.s32 $0x108;
	s8 =	sld [smem:$0x3FB5]  }
0x2e: {  	s3 =	simm.s32 @!p0 $0x1082;
	s9 =	sld [smem:$0x3FB6]  }
0x2f: {  	lr =	sadd.s32 s0, s3;
	s0 =	sld [smem:$0x3FAD]  }
0x30: {  	s3 =	sld [smem:$0x3FB0]  }
0x31: {  	[smem:$0x3FB9] =	sst s10  }
0x32: {  	s10 =	sld [smem:$0x3FB7];
	_ =	sdelay $0x3  }
0x33: {  	p0 =	seq.s32 s10, $0x1;
	s10 =	sld [smem:$0x3FB9];
	_ =	sdelay $0x3  }
0x34: {  	[smem:$0x3FB9] =	sst s10  }
0x35: {  	s10 =	sld [smem:$0x3FB8];
	_ =	sdelay $0x3  }
0x36: {  	p1 =	seq.s32 s10, $0x1;
	s10 =	sld [smem:$0x3FB9];
	_ =	sdelay $0x3  }
0x37: {  	[smem:$0x3FB9] =	sst s10  }
0x38: {  	s10 =	sld [smem:$0x3FBA]  }
0x39: {  	_ = 	snop;
	(pc) =	sbr.ind lr, $3  }
0x3a: {  	_ = 	snop  }
0x3b: {  	_ = 	snop  }
0x3c: {  	p2 =	seq.s32 s10, $0x1;
	s10 =	sld [smem:$0x3FB9]  }
0x3d: {  	_ =	shalt  }
0x3e: {  	_ =	shalt  }
0x3f: {  	_ =	shalt  }
0x40: {  	_ =	shalt  }
0x41: {  	_ =	shalt  }
0x42: {  	_ =	shalt  }
0x43: {  	_ =	shalt  }
0x44: {  	_ =	shalt  }
0x45: {  	_ =	shalt  }
0x46: {  	_ =	shalt  }
0x47: {  	_ =	shalt  }
0x48: {  	_ =	shalt  }
0x49: {  	_ =	shalt  }
0x4a: {  	_ =	shalt  }
0x4b: {  	_ =	shalt  }
0x4c: {  	_ =	shalt  }
0x4d: {  	_ =	shalt  }
0x4e: {  	_ =	shalt  }
0x4f: {  	_ =	shalt  }
0x50: {  	_ =	shalt  }
0x51: {  	_ =	shalt  }
0x52: {  	_ =	shalt  }
0x53: {  	_ =	shalt  }
0x54: {  	_ =	shalt  }
0x55: {  	_ =	shalt  }
0x56: {  	_ =	shalt  }
0x57: {  	_ =	shalt  }
0x58: {  	_ =	shalt  }
0x59: {  	_ =	shalt  }
0x5a: {  	_ =	shalt  }
0x5b: {  	_ =	shalt  }
0x5c: {  	_ =	shalt  }
0x5d: {  	_ =	shalt  }
0x5e: {  	_ =	shalt  }
0x5f: {  	_ =	shalt  }
0x60: {  	_ =	shalt  }
0x61: {  	_ =	shalt  }
0x62: {  	_ =	shalt  }
0x63: {  	_ =	shalt  }
0x64: {  	_ =	shalt  }
0x65: {  	_ =	shalt  }
0x66: {  	_ =	shalt  }
0x67: {  	_ =	shalt  }
0x68: {  	_ =	shalt  }
0x69: {  	_ =	shalt  }
0x6a: {  	_ =	shalt  }
0x6b: {  	_ =	shalt  }
0x6c: {  	_ =	shalt  }
0x6d: {  	_ =	shalt  }
0x6e: {  	_ =	shalt  }
0x6f: {  	_ =	shalt  }
0x70: {  	_ =	shalt  }
0x71: {  	_ =	shalt  }
0x72: {  	_ =	shalt  }
0x73: {  	_ =	shalt  }
0x74: {  	_ =	shalt  }
0x75: {  	_ =	shalt  }
0x76: {  	_ =	shalt  }
0x77: {  	_ =	shalt  }
0x78: {  	_ =	shalt  }
0x79: {  	_ =	shalt  }
0x7a: {  	_ =	shalt  }
0x7b: {  	_ =	shalt  }
0x7c: {  	_ =	shalt  }
0x7d: {  	_ =	shalt  }
0x7e: {  	_ =	shalt  }
0x7f: {  	_ =	shalt  }
0x80: {  	_ =	shalt  }
0x81: {  	_ =	shalt  }
0x82: {  	_ =	shalt  }
0x83: {  	_ =	shalt  }
0x84: {  	_ =	shalt  }
0x85: {  	_ =	shalt  }
0x86: {  	_ =	shalt  }
0x87: {  	_ =	shalt  }
.Lfunc_end0:
.L_simem_size_0:
called_computation_lowered:
.L_overlay_start_0:
0x88: {  	s2 =	sld [smem:$0x3FD9]  }
0x89: {  	s3 =	sld [smem:$0x3FFE];
	_ =	sdelay $0x1  }
0x8a: {  	s1 =	srdreg.scid  }
0x8b: {  	s0 =	sand.u32 $0x1, s1  }
0x8c: {  	s17 =	sshll.u32 s0, $0xA;
	s2 =	sadd.s32 s3, s2  }
0x8d: {  	s2 =	sadd.s32 s2, s17  }
0x8e: {  	[smem:$0x3FC5] =	sst s2  }
0x8f: {  	_ = 	snop  }
0x90: {  	s2 =	sld [smem:$0x3FD0];
	(tm) =	ssettm $0x1  }
0x91: {  	s18 =	sld [smem:$0x3FFB];
	_ =	sdelay $0x3  }
0x92: {  	_ =	strace s18  }
0x93: {  	s3 =	sld [smem:$0x3FFC];
	_ =	sdelay $0x3  }
0x94: {  	_ =	strace s3  }
0x95: {  	s3 =	sld [smem:$0x3FFD];
	_ =	sdelay $0x3  }
0x96: {  	_ =	strace s3  }
0x97: {  	_ =	strace $0x8FFFFFFF  }
0x98: {  	s19 =	sld [smem:$0x3FDB];
	_ =	sdelay $0x1  }
0x99: {  	s4 =	simm.s32 $_scs_section_size  }
0x9a: {  	s5 =	simm.s32 $_size__tile_overlayer_lowered;
	s6 =	simm.s32 $_tile_overlayer_lowered  }
0x9b: {  	s22 =	simm.s32 $0x1BFF;
	s21 =	sshll.u32 s6, $0x1;
	s3 =	sadd.s32 s4, s19  }
0x9c: {  	s7 =	simm.s32 $0x0;
	s20 =	sshll.u32 s5, $0x1;
	s5 =	sadd.s32 s21, s3  }
0x9d: {  	[timem:s7], [sflag:s22] =	dma.local [hbm:s5], s20  }
0x9e: {  	_ =	swait.ge [sflag:s22], s20  }
0x9f: {  	s4 =	ssub.s32 $0x0, s20;
	[sflag:s22] =	ssyncset.done $0x0  }
0xa0: {  	[sflag:s22] =	ssyncadd.s32 s4;
	_ =	sdelay $0x1  }
0xa1: {  	s23 =	simm.s32 $0x1B8B  }
0xa2: {  	_ =	swait.ge [sflag:s23], $0x1  }
0xa3: {  	[sflag:s23] =	ssyncset.done $0x0  }
0xa4: {  	s25 =	simm.s32 $0x1B8E;
	s24 =	sld [smem:$0x3FFE];
	[sflag:s23] =	ssyncadd.s32 $0xFFFFFFFF  }
0xa5: {  	s26 =	simm.s32 $execute0_lowered;
	[smem:$0x3FD2] =	sst s25  }
0xa6: {  	s5 =	sshll.u32 s26, $0x1;
	_ =	strace $0x80000046;
	[dreg:$0x1] =	wrdreg $0xFFFFFFFF  }
0xa7: {  	s28 =	simm.s32 $_size_execute0_lowered;
	s3 =	sadd.s32 s3, s5;
	[dreg:$0x0] =	wrdreg $0x0  }
0xa8: {  	s5 =	sshll.u32 s28, $0x1;
	[dreg:$0x2] =	wrdreg s3  }
0xa9: {  	[dreg:$0x3] =	wrdreg s5  }
0xaa: {  	[dreg:$0x4] =	wrdreg $0xC0  }
0xab: {  	_ =	task [dreg:s7], $0x5FFFF  }
0xac: {  	[dreg:$0x1] =	wrdreg $0xFFFFFFFF  }
0xad: {  	[dreg:$0x0] =	wrdreg $0x60  }
0xae: {  	[dreg:$0x2] =	wrdreg s2  }
0xaf: {  	[dreg:$0x3] =	wrdreg s24  }
0xb0: {  	[dreg:$0x4] =	wrdreg $0x0  }
0xb1: {  	[dreg:$0x5] =	wrdreg $0x9  }
0xb2: {  	_ =	task.clear_ibuf [dreg:s7], $0x6FFFF;
	_ =	strace $0x90000046  }
0xb3: {  	s29 =	simm.s32 $0x9;
	_ =	strace $0x80000048  }
0xb4: {  	_ =	swait.ge [sflag:s29], $0x1  }
0xb5: {  	[sflag:s29] =	ssyncadd.s32 $0xFFFFFFFF  }
0xb6: {  	_ =	strace $0x90000048  }
0xb7: {  	_ =	sfence  }
0xb8: {  	s30 =	sld [smem:$0x0];
	_ =	sdelay $0x2  }
0xb9: {  	s31 =	sshll.u32 s1, $0xD;
	s1 =	sshrl.u32 s1, $0x2  }
0xba: {  	s3 =	sand.u32 $0x4000, s31;
	s1 =	sadd.s32 s1, s30  }
0xbb: {  	s0 =	sor.u32 s3, s0;
	s1 =	sshll.u32 s1, $0x11  }
0xbc: {  	s0 =	sor.u32 s1, s0  }
0xbd: {  	s0 =	sadd.s32 $0x8F2B, s0  }
0xbe: {  	[sflag:s0] =	ssyncadd.remote.s32 $0x1  }
0xbf: {  	_ =	sfence.sel $0xFFFF  }
0xc0: {  	[dreg:$0x0] =	wrdreg $0xFFFFFFFF;
	(pc) =	sbr.abs _section_cstart, $3  }
0xc1: {  	[dreg:$0x1] =	wrdreg $0xFFFFFFFF  }
0xc2: {  	_ =	task.clear_ibuf [dreg:s7], $0x2FFFF;
	_ =	strace $0x9FFFFFFF  }
0xc3: {  	(tm) =	ssettm $0x7FFFFFFF  }
tec
execute0_lowered:
.L_overlay_start_1:
0x0: {  	(tag) =	ssettag $0x1  }
0x1: {  	s20 =	rddreg [dreg:$0x0]  }
0x2: {  	s5 =	rddreg [dreg:$0x1]  }
0x3: {  	s1 =	rddreg [dreg:$0x2];
	s2 =	simm.s32 $0x0;
	s3 =	srdreg.scid  }
0x4: {  	s28 =	simm.s32 $0x10000;
	s29 =	simm.s32 $0x80;
	s30 =	simm.s32 $0x10100  }
0x5: {  	s31 =	simm.s32 $0x10180;
	[smem:$0x7FF] =	sst s2;
	s6 =	sand.u32 $0x1, s3  }
0x6: {  	s4 =	sadd.s32 $0xA00, s5;
	s13 =	sadd.s32 $0x800, s5;
	s3 =	stileid.u32  }
0x7: {  	s21 =	sadd.s32 $0x2A00, s5;
	_ =	strace $0x80000047;
	s7 =	ssub.s32 $0x2, s6  }
0x8: {  	[dreg:$0x4] =	wrdreg s13;
	s14 =	sshll.u32 s3, $0x1;
	s17 =	sshll.u32 s3, $0x10  }
0x9: {  	s15 =	sshll.u32 s3, $0x6;
	s8 =	sshrl.u32 s7, $0x1;
	s6 =	sor.u32 s6, s14  }
0xa: {  	s23 =	sadd.s32 s17, s1;
	s5 =	sor.u32 $0x1C01, s15;
	s22 =	ssub.s32 s7, s8  }
0xb: {  	s19 =	sshll.u32 s6, $0x7;
	s16 =	sshll.u32 s6, $0x8;
	s18 =	sshll.u32 s6, $0x10  }
0xc: {  	s23 =	sshrl.u32 s23, $0x3;
	s9 =	sor.u32 $0x10, s19;
	s6 =	sadd.s32 s20, s16  }
0xd: {  	s7 =	sadd.s32 s21, s18;
	s10 =	sor.u32 $0x20, s19;
	s25 =	sor.u32 $0x30, s19  }
0xe: {  	s15 =	sor.u32 $0x40, s19;
	s18 =	sor.u32 $0x50, s19;
	s22 =	smax.u32 s22, $0x1  }
0xf: {  	s24 =	sshll.u32 s9, $0x1;
	s9 =	sshll.u32 s9, $0x9;
	s11 =	sshll.u32 s10, $0x1  }
0x10: {  	s12 =	sshll.u32 s10, $0x9;
	s13 =	sshll.u32 s25, $0x1;
	s14 =	sshll.u32 s25, $0x9  }
0x11: {  	s26 =	sshll.u32 s15, $0x1;
	s15 =	sshll.u32 s15, $0x9;
	s16 =	sshll.u32 s18, $0x1  }
0x12: {  	s18 =	sshll.u32 s18, $0x9;
	s8 =	sadd.s32 s20, s24;
	s9 =	sadd.s32 s21, s9  }
0x13: {  	s10 =	sadd.s32 s20, s11;
	s11 =	sadd.s32 s21, s12;
	s12 =	sadd.s32 s20, s13  }
0x14: {  	v0 =	vmov s17;
	s13 =	sadd.s32 s21, s14;
	s14 =	sadd.s32 s20, s26;
	s15 =	sadd.s32 s21, s15  }
0x15: {  	v1 =	vor.u32 $0x1000, v0;
	v2 =	vor.u32 $0x2000, v0;
	v3 =	vor.u32 $0x3000, v0;
	s24 =	sor.u32 $0x60, s19;
	s16 =	sadd.s32 s20, s16;
	s17 =	sadd.s32 s21, s18  }
0x16: {  	v4 =	vor.u32 $0x4000, v0;
	v5 =	vor.u32 $0x5000, v0;
	v6 =	vor.u32 $0x6000, v0;
	s19 =	sor.u32 $0x70, s19;
	s25 =	sshll.u32 s24, $0x1;
	s24 =	sshll.u32 s24, $0x9  }
0x17: {  	v7 =	vor.u32 $0x7000, v0;
	v8 =	vor.u32 $0x8000, v0;
	v9 =	vor.u32 $0x9000, v0;
	s0 =	sshll.u32 s19, $0x1;
	s26 =	sshll.u32 s19, $0x9;
	s18 =	sadd.s32 s20, s25  }
0x18: {  	v10 =	vor.u32 $0xA000, v0;
	v11 =	vor.u32 $0xB000, v0;
	v12 =	vor.u32 $0xC000, v0;
	s19 =	sadd.s32 s21, s24;
	s20 =	sadd.s32 s20, s0;
	s21 =	sadd.s32 s21, s26  }
0x19: {  	v13 =	vor.u32 $0xD000, v0;
	v14 =	vor.u32 $0xE000, v0;
	v15 =	vor.u32 $0xF000, v0;
	s24 =	simm.s32 $0x1;
	s25 =	simm.s32 $0x10200;
	s26 =	simm.s32 $0x10280  }
.LBB2_1:
0x1a: {  	[spmem:s23], [sflag:s5] =	dma.local [hbm:s4], $0x2000  }
0x1b: {  	_ =	swait.ge [sflag:s24], $0x2000  }
0x1c: {  	[sflag:s24] =	ssyncset.done $0x0  }
0x1d: {  	s0 =	rddreg [dreg:$0x4];
	[sflag:s24] =	ssyncadd.s32 $0xFFFFE000  }
0x1e: {  	[tilespmem:s25], [sflag:$0x1] =	stream.linear.gather [hbm4b:s0+s2], $0x80, $0x38;
	[tilespmem:$0x10300] =	vst v63  }
0x1f: {  	_ =	swait.ge [sflag:s24], $0x80  }
0x20: {  	[sflag:s24] =	ssyncset.done $0x0  }
0x21: {  	[sflag:s24] =	ssyncadd.s32 $0xFFFFFF80  }
0x22: {  	[tilespmem:s26], [sflag:$0x1] =	stream.linear.gather [hbm4b:s4+s2], $0x80, $0x38;
	[tilespmem:$0x10300] =	vst v63  }
0x23: {  	_ =	swait.ge [sflag:s24], $0x80  }
0x24: {  	[sflag:s24] =	ssyncset.done $0x0  }
0x25: {  	[sflag:s24] =	ssyncadd.s32 $0xFFFFFF80  }
0x26: {  	[tilespmem:s28], [sflag:$0x1] =	stream.linear.gather [hbm4b:s6+s2], $0x100, $0x38;
	[tilespmem:$0x10300] =	vst v63  }
0x27: {  	_ =	swait.ge [sflag:s24], $0x100  }
0x28: {  	[sflag:s24] =	ssyncset.done $0x0  }
0x29: {  	[sflag:s24] =	ssyncadd.s32 $0xFFFFFF00  }
0x2a: {  	v16 =	vld [tilespmem:$0x10000]  }
0x2b: {  	v17 =	vld [tilespmem:$0x10010]  }
0x2c: {  	v18 =	vld [tilespmem:$0x10020]  }
0x2d: {  	v19 =	vld [tilespmem:$0x10030]  }
0x2e: {  	v20 =	vld [tilespmem:$0x10040]  }
0x2f: {  	v21 =	vld [tilespmem:$0x10050];
	v16 =	vadd.s32 v0, v16  }
0x30: {  	[tilespmem:$0x10100] =	vst v16;
	v16 =	vadd.s32 v17, v1;
	v17 =	vld [tilespmem:$0x10060]  }
0x31: {  	v52 =	vld [tilespmem:$0x10070];
	[tilespmem:$0x10110] =	vst v16;
	v16 =	vadd.s32 v18, v2  }
0x32: {  	v53 =	vld [tilespmem:$0x10080];
	[tilespmem:$0x10120] =	vst v16;
	v16 =	vadd.s32 v19, v3  }
0x33: {  	v54 =	vld [tilespmem:$0x10090];
	[tilespmem:$0x10130] =	vst v16;
	v16 =	vadd.s32 v20, v4  }
0x34: {  	v55 =	vld [tilespmem:$0x100A0];
	[tilespmem:$0x10140] =	vst v16;
	v16 =	vadd.s32 v21, v5  }
0x35: {  	[tilespmem:$0x10150] =	vst v16;
	v16 =	vadd.s32 v17, v6;
	v17 =	vld [tilespmem:$0x100B0]  }
0x36: {  	v56 =	vld [tilespmem:$0x100C0];
	[tilespmem:$0x10160] =	vst v16;
	v16 =	vadd.s32 v52, v7  }
0x37: {  	v57 =	vld [tilespmem:$0x100D0];
	[tilespmem:$0x10170] =	vst v16;
	v16 =	vadd.s32 v53, v8  }
0x38: {  	v58 =	vld [tilespmem:$0x100E0];
	[tilespmem:$0x10180] =	vst v16;
	v16 =	vadd.s32 v54, v9  }
0x39: {  	v59 =	vld [tilespmem:$0x100F0];
	[tilespmem:$0x10190] =	vst v16;
	v16 =	vadd.s32 v55, v10  }
0x3a: {  	[tilespmem:$0x101A0] =	vst v16;
	v16 =	vadd.s32 v17, v11  }
0x3b: {  	[tilespmem:$0x101B0] =	vst v16;
	v16 =	vadd.s32 v56, v12  }
0x3c: {  	[tilespmem:$0x101C0] =	vst v16;
	v16 =	vadd.s32 v57, v13  }
0x3d: {  	[tilespmem:$0x101D0] =	vst v16;
	v16 =	vadd.s32 v58, v14  }
0x3e: {  	[tilespmem:$0x101E0] =	vst v16;
	v16 =	vadd.s32 v59, v15  }
0x3f: {  	[tilespmem:$0x101F0] =	vst v16  }
0x40: {  	[spmem:s1] =	stream.indirect.scatter [tilespmem:s25], [sflag:$0x1], $0x1, s30, s29, $0xb8;
	[tilespmem:$0x10300] =	vst v63  }
0x41: {  	_ =	swait.ge [sflag:s24], $0x80  }
0x42: {  	[sflag:s24] =	ssyncset.done $0x0  }
0x43: {  	[sflag:s24] =	ssyncadd.s32 $0xFFFFFF80  }
0x44: {  	[spmem:s1] =	stream.indirect.scatter [tilespmem:s25], [sflag:$0x1], $0x1, s31, s29, $0xb8;
	[tilespmem:$0x10300] =	vst v63  }
0x45: {  	_ =	swait.ge [sflag:s24], $0x80  }
0x46: {  	[sflag:s24] =	ssyncset.done $0x0  }
0x47: {  	[sflag:s24] =	ssyncadd.s32 $0xFFFFFF80  }
0x48: {  	[hbm:s7], [sflag:s5] =	dma.local [spmem:s23], $0x2000  }
0x49: {  	_ =	swait.ge [sflag:s24], $0x2000  }
0x4a: {  	[sflag:s24] =	ssyncset.done $0x0  }
0x4b: {  	[sflag:s24] =	ssyncadd.s32 $0xFFFFE000  }
0x4c: {  	[spmem:s1] =	stream.indirect.scatter [tilespmem:s26], [sflag:$0x1], $0x1, s30, s29, $0xb8;
	[tilespmem:$0x10300] =	vst v63  }
0x4d: {  	_ =	swait.ge [sflag:s24], $0x80  }
0x4e: {  	[sflag:s24] =	ssyncset.done $0x0  }
0x4f: {  	[sflag:s24] =	ssyncadd.s32 $0xFFFFFF80  }
0x50: {  	[spmem:s1] =	stream.indirect.scatter [tilespmem:s26], [sflag:$0x1], $0x1, s31, s29, $0xb8;
	[tilespmem:$0x10300] =	vst v63  }
0x51: {  	_ =	swait.ge [sflag:s24], $0x80  }
0x52: {  	[sflag:s24] =	ssyncset.done $0x0  }
0x53: {  	[sflag:s24] =	ssyncadd.s32 $0xFFFFFF80  }
0x54: {  	[tilespmem:s28], [sflag:$0x1] =	stream.linear.gather [hbm4b:s8+s2], $0x100, $0x38;
	[tilespmem:$0x10300] =	vst v63  }
0x55: {  	_ =	swait.ge [sflag:s24], $0x100  }
0x56: {  	[sflag:s24] =	ssyncset.done $0x0  }
0x57: {  	[sflag:s24] =	ssyncadd.s32 $0xFFFFFF00  }
0x58: {  	v16 =	vld [tilespmem:$0x10000]  }
0x59: {  	v17 =	vld [tilespmem:$0x10010]  }
0x5a: {  	v60 =	vld [tilespmem:$0x10020]  }
0x5b: {  	v61 =	vld [tilespmem:$0x10030]  }
0x5c: {  	v62 =	vld [tilespmem:$0x10040]  }
0x5d: {  	v63 =	vld [tilespmem:$0x10050];
	v16 =	vadd.s32 v0, v16  }
0x5e: {  	[tilespmem:$0x10100] =	vst v16;
	v16 =	vadd.s32 v17, v1;
	v17 =	vld [tilespmem:$0x10060]  }
0x5f: {  	v24 =	vld [tilespmem:$0x10070];
	[tilespmem:$0x10110] =	vst v16;
	v16 =	vadd.s32 v60, v2  }
0x60: {  	v25 =	vld [tilespmem:$0x10080];
	[tilespmem:$0x10120] =	vst v16;
	v16 =	vadd.s32 v61, v3  }
0x61: {  	v26 =	vld [tilespmem:$0x10090];
	[tilespmem:$0x10130] =	vst v16;
	v16 =	vadd.s32 v62, v4  }
0x62: {  	v27 =	vld [tilespmem:$0x100A0];
	[tilespmem:$0x10140] =	vst v16;
	v16 =	vadd.s32 v63, v5  }
0x63: {  	[tilespmem:$0x10150] =	vst v16;
	v16 =	vadd.s32 v17, v6;
	v17 =	vld [tilespmem:$0x100B0]  }
0x64: {  	v28 =	vld [tilespmem:$0x100C0];
	[tilespmem:$0x10160] =	vst v16;
	v16 =	vadd.s32 v24, v7  }
0x65: {  	v29 =	vld [tilespmem:$0x100D0];
	[tilespmem:$0x10170] =	vst v16;
	v16 =	vadd.s32 v25, v8  }
0x66: {  	v30 =	vld [tilespmem:$0x100E0];
	[tilespmem:$0x10180] =	vst v16;
	v16 =	vadd.s32 v26, v9  }
0x67: {  	v31 =	vld [tilespmem:$0x100F0];
	[tilespmem:$0x10190] =	vst v16;
	v16 =	vadd.s32 v27, v10  }
0x68: {  	[tilespmem:$0x101A0] =	vst v16;
	v16 =	vadd.s32 v17, v11  }
0x69: {  	[tilespmem:$0x101B0] =	vst v16;
	v16 =	vadd.s32 v28, v12  }
0x6a: {  	[tilespmem:$0x101C0] =	vst v16;
	v16 =	vadd.s32 v29, v13  }
0x6b: {  	[tilespmem:$0x101D0] =	vst v16;
	v16 =	vadd.s32 v30, v14  }
0x6c: {  	[tilespmem:$0x101E0] =	vst v16;
	v16 =	vadd.s32 v31, v15  }
0x6d: {  	[tilespmem:$0x101F0] =	vst v16  }
0x6e: {  	[spmem:s1] =	stream.indirect.scatter [tilespmem:s25], [sflag:$0x1], $0x1, s30, s29, $0xb8;
	[tilespmem:$0x10300] =	vst v63  }
0x6f: {  	_ =	swait.ge [sflag:s24], $0x80  }
0x70: {  	[sflag:s24] =	ssyncset.done $0x0  }
0x71: {  	[sflag:s24] =	ssyncadd.s32 $0xFFFFFF80  }
0x72: {  	[spmem:s1] =	stream.indirect.scatter [tilespmem:s25], [sflag:$0x1], $0x1, s31, s29, $0xb8;
	[tilespmem:$0x10300] =	vst v63  }
0x73: {  	_ =	swait.ge [sflag:s24], $0x80  }
0x74: {  	[sflag:s24] =	ssyncset.done $0x0  }
0x75: {  	[sflag:s24] =	ssyncadd.s32 $0xFFFFFF80  }
0x76: {  	[hbm:s9], [sflag:s5] =	dma.local [spmem:s23], $0x2000  }
0x77: {  	_ =	swait.ge [sflag:s24], $0x2000  }
0x78: {  	[sflag:s24] =	ssyncset.done $0x0  }
0x79: {  	[sflag:s24] =	ssyncadd.s32 $0xFFFFE000  }
0x7a: {  	[spmem:s1] =	stream.indirect.scatter [tilespmem:s26], [sflag:$0x1], $0x1, s30, s29, $0xb8;
	[tilespmem:$0x10300] =	vst v63  }
0x7b: {  	_ =	swait.ge [sflag:s24], $0x80  }
0x7c: {  	[sflag:s24] =	ssyncset.done $0x0  }
0x7d: {  	[sflag:s24] =	ssyncadd.s32 $0xFFFFFF80  }
0x7e: {  	[spmem:s1] =	stream.indirect.scatter [tilespmem:s26], [sflag:$0x1], $0x1, s31, s29, $0xb8;
	[tilespmem:$0x10300] =	vst v63  }
0x7f: {  	_ =	swait.ge [sflag:s24], $0x80  }
0x80: {  	[sflag:s24] =	ssyncset.done $0x0  }
0x81: {  	[sflag:s24] =	ssyncadd.s32 $0xFFFFFF80  }
0x82: {  	[tilespmem:s28], [sflag:$0x1] =	stream.linear.gather [hbm4b:s10+s2], $0x100, $0x38;
	[tilespmem:$0x10300] =	vst v63  }
0x83: {  	_ =	swait.ge [sflag:s24], $0x100  }
0x84: {  	[sflag:s24] =	ssyncset.done $0x0  }
0x85: {  	[sflag:s24] =	ssyncadd.s32 $0xFFFFFF00  }
0x86: {  	v16 =	vld [tilespmem:$0x10000]  }
0x87: {  	v17 =	vld [tilespmem:$0x10010]  }
0x88: {  	v32 =	vld [tilespmem:$0x10020]  }
0x89: {  	v33 =	vld [tilespmem:$0x10030]  }
0x8a: {  	v34 =	vld [tilespmem:$0x10040]  }
0x8b: {  	v35 =	vld [tilespmem:$0x10050];
	v16 =	vadd.s32 v0, v16  }
0x8c: {  	[tilespmem:$0x10100] =	vst v16;
	v16 =	vadd.s32 v17, v1;
	v17 =	vld [tilespmem:$0x10060]  }
0x8d: {  	v36 =	vld [tilespmem:$0x10070];
	[tilespmem:$0x10110] =	vst v16;
	v16 =	vadd.s32 v32, v2  }
0x8e: {  	v37 =	vld [tilespmem:$0x10080];
	[tilespmem:$0x10120] =	vst v16;
	v16 =	vadd.s32 v33, v3  }
0x8f: {  	v38 =	vld [tilespmem:$0x10090];
	[tilespmem:$0x10130] =	vst v16;
	v16 =	vadd.s32 v34, v4  }
0x90: {  	v39 =	vld [tilespmem:$0x100A0];
	[tilespmem:$0x10140] =	vst v16;
	v16 =	vadd.s32 v35, v5  }
0x91: {  	[tilespmem:$0x10150] =	vst v16;
	v16 =	vadd.s32 v17, v6;
	v17 =	vld [tilespmem:$0x100B0]  }
0x92: {  	v40 =	vld [tilespmem:$0x100C0];
	[tilespmem:$0x10160] =	vst v16;
	v16 =	vadd.s32 v36, v7  }
0x93: {  	v41 =	vld [tilespmem:$0x100D0];
	[tilespmem:$0x10170] =	vst v16;
	v16 =	vadd.s32 v37, v8  }
0x94: {  	v42 =	vld [tilespmem:$0x100E0];
	[tilespmem:$0x10180] =	vst v16;
	v16 =	vadd.s32 v38, v9  }
0x95: {  	v43 =	vld [tilespmem:$0x100F0];
	[tilespmem:$0x10190] =	vst v16;
	v16 =	vadd.s32 v39, v10  }
0x96: {  	[tilespmem:$0x101A0] =	vst v16;
	v16 =	vadd.s32 v17, v11  }
0x97: {  	[tilespmem:$0x101B0] =	vst v16;
	v16 =	vadd.s32 v40, v12  }
0x98: {  	[tilespmem:$0x101C0] =	vst v16;
	v16 =	vadd.s32 v41, v13  }
0x99: {  	[tilespmem:$0x101D0] =	vst v16;
	v16 =	vadd.s32 v42, v14  }
0x9a: {  	[tilespmem:$0x101E0] =	vst v16;
	v16 =	vadd.s32 v43, v15  }
0x9b: {  	[tilespmem:$0x101F0] =	vst v16  }
0x9c: {  	[spmem:s1] =	stream.indirect.scatter [tilespmem:s25], [sflag:$0x1], $0x1, s30, s29, $0xb8;
	[tilespmem:$0x10300] =	vst v63  }
0x9d: {  	_ =	swait.ge [sflag:s24], $0x80  }
0x9e: {  	[sflag:s24] =	ssyncset.done $0x0  }
0x9f: {  	[sflag:s24] =	ssyncadd.s32 $0xFFFFFF80  }
0xa0: {  	[spmem:s1] =	stream.indirect.scatter [tilespmem:s25], [sflag:$0x1], $0x1, s31, s29, $0xb8;
	[tilespmem:$0x10300] =	vst v63  }
0xa1: {  	_ =	swait.ge [sflag:s24], $0x80  }
0xa2: {  	[sflag:s24] =	ssyncset.done $0x0  }
0xa3: {  	[sflag:s24] =	ssyncadd.s32 $0xFFFFFF80  }
0xa4: {  	[hbm:s11], [sflag:s5] =	dma.local [spmem:s23], $0x2000  }
0xa5: {  	_ =	swait.ge [sflag:s24], $0x2000  }
0xa6: {  	[sflag:s24] =	ssyncset.done $0x0  }
0xa7: {  	[sflag:s24] =	ssyncadd.s32 $0xFFFFE000  }
0xa8: {  	[spmem:s1] =	stream.indirect.scatter [tilespmem:s26], [sflag:$0x1], $0x1, s30, s29, $0xb8;
	[tilespmem:$0x10300] =	vst v63  }
0xa9: {  	_ =	swait.ge [sflag:s24], $0x80  }
0xaa: {  	[sflag:s24] =	ssyncset.done $0x0  }
0xab: {  	[sflag:s24] =	ssyncadd.s32 $0xFFFFFF80  }
0xac: {  	[spmem:s1] =	stream.indirect.scatter [tilespmem:s26], [sflag:$0x1], $0x1, s31, s29, $0xb8;
	[tilespmem:$0x10300] =	vst v63  }
0xad: {  	_ =	swait.ge [sflag:s24], $0x80  }
0xae: {  	[sflag:s24] =	ssyncset.done $0x0  }
0xaf: {  	[sflag:s24] =	ssyncadd.s32 $0xFFFFFF80  }
0xb0: {  	[tilespmem:s28], [sflag:$0x1] =	stream.linear.gather [hbm4b:s12+s2], $0x100, $0x38;
	[tilespmem:$0x10300] =	vst v63  }
0xb1: {  	_ =	swait.ge [sflag:s24], $0x100  }
0xb2: {  	[sflag:s24] =	ssyncset.done $0x0  }
0xb3: {  	[sflag:s24] =	ssyncadd.s32 $0xFFFFFF00  }
0xb4: {  	v16 =	vld [tilespmem:$0x10000]  }
0xb5: {  	v17 =	vld [tilespmem:$0x10010]  }
0xb6: {  	v44 =	vld [tilespmem:$0x10020]  }
0xb7: {  	v45 =	vld [tilespmem:$0x10030]  }
0xb8: {  	v46 =	vld [tilespmem:$0x10040]  }
0xb9: {  	v47 =	vld [tilespmem:$0x10050];
	v16 =	vadd.s32 v0, v16  }
0xba: {  	[tilespmem:$0x10100] =	vst v16;
	v16 =	vadd.s32 v17, v1;
	v17 =	vld [tilespmem:$0x10060]  }
0xbb: {  	v48 =	vld [tilespmem:$0x10070];
	[tilespmem:$0x10110] =	vst v16;
	v16 =	vadd.s32 v44, v2  }
0xbc: {  	v49 =	vld [tilespmem:$0x10080];
	[tilespmem:$0x10120] =	vst v16;
	v16 =	vadd.s32 v45, v3  }
0xbd: {  	v50 =	vld [tilespmem:$0x10090];
	[tilespmem:$0x10130] =	vst v16;
	v16 =	vadd.s32 v46, v4  }
0xbe: {  	v51 =	vld [tilespmem:$0x100A0];
	[tilespmem:$0x10140] =	vst v16;
	v16 =	vadd.s32 v47, v5  }
0xbf: {  	[tilespmem:$0x10150] =	vst v16;
	v16 =	vadd.s32 v17, v6;
	v17 =	vld [tilespmem:$0x100B0]  }
0xc0: {  	v52 =	vld [tilespmem:$0x100C0];
	[tilespmem:$0x10160] =	vst v16;
	v16 =	vadd.s32 v48, v7  }
0xc1: {  	v53 =	vld [tilespmem:$0x100D0];
	[tilespmem:$0x10170] =	vst v16;
	v16 =	vadd.s32 v49, v8  }
0xc2: {  	v54 =	vld [tilespmem:$0x100E0];
	[tilespmem:$0x10180] =	vst v16;
	v16 =	vadd.s32 v50, v9  }
0xc3: {  	v55 =	vld [tilespmem:$0x100F0];
	[tilespmem:$0x10190] =	vst v16;
	v16 =	vadd.s32 v51, v10  }
0xc4: {  	[tilespmem:$0x101A0] =	vst v16;
	v16 =	vadd.s32 v17, v11  }
0xc5: {  	[tilespmem:$0x101B0] =	vst v16;
	v16 =	vadd.s32 v52, v12  }
0xc6: {  	[tilespmem:$0x101C0] =	vst v16;
	v16 =	vadd.s32 v53, v13  }
0xc7: {  	[tilespmem:$0x101D0] =	vst v16;
	v16 =	vadd.s32 v54, v14  }
0xc8: {  	[tilespmem:$0x101E0] =	vst v16;
	v16 =	vadd.s32 v55, v15  }
0xc9: {  	[tilespmem:$0x101F0] =	vst v16  }
0xca: {  	[spmem:s1] =	stream.indirect.scatter [tilespmem:s25], [sflag:$0x1], $0x1, s30, s29, $0xb8;
	[tilespmem:$0x10300] =	vst v63  }
0xcb: {  	_ =	swait.ge [sflag:s24], $0x80  }
0xcc: {  	[sflag:s24] =	ssyncset.done $0x0  }
0xcd: {  	[sflag:s24] =	ssyncadd.s32 $0xFFFFFF80  }
0xce: {  	[spmem:s1] =	stream.indirect.scatter [tilespmem:s25], [sflag:$0x1], $0x1, s31, s29, $0xb8;
	[tilespmem:$0x10300] =	vst v63  }
0xcf: {  	_ =	swait.ge [sflag:s24], $0x80  }
0xd0: {  	[sflag:s24] =	ssyncset.done $0x0  }
0xd1: {  	[sflag:s24] =	ssyncadd.s32 $0xFFFFFF80  }
0xd2: {  	[hbm:s13], [sflag:s5] =	dma.local [spmem:s23], $0x2000  }
0xd3: {  	_ =	swait.ge [sflag:s24], $0x2000  }
0xd4: {  	[sflag:s24] =	ssyncset.done $0x0  }
0xd5: {  	[sflag:s24] =	ssyncadd.s32 $0xFFFFE000  }
0xd6: {  	[spmem:s1] =	stream.indirect.scatter [tilespmem:s26], [sflag:$0x1], $0x1, s30, s29, $0xb8;
	[tilespmem:$0x10300] =	vst v63  }
0xd7: {  	_ =	swait.ge [sflag:s24], $0x80  }
0xd8: {  	[sflag:s24] =	ssyncset.done $0x0  }
0xd9: {  	[sflag:s24] =	ssyncadd.s32 $0xFFFFFF80  }
0xda: {  	[spmem:s1] =	stream.indirect.scatter [tilespmem:s26], [sflag:$0x1], $0x1, s31, s29, $0xb8;
	[tilespmem:$0x10300] =	vst v63  }
0xdb: {  	_ =	swait.ge [sflag:s24], $0x80  }
0xdc: {  	[sflag:s24] =	ssyncset.done $0x0  }
0xdd: {  	[sflag:s24] =	ssyncadd.s32 $0xFFFFFF80  }
0xde: {  	[tilespmem:s28], [sflag:$0x1] =	stream.linear.gather [hbm4b:s14+s2], $0x100, $0x38;
	[tilespmem:$0x10300] =	vst v63  }
0xdf: {  	_ =	swait.ge [sflag:s24], $0x100  }
0xe0: {  	[sflag:s24] =	ssyncset.done $0x0  }
0xe1: {  	[sflag:s24] =	ssyncadd.s32 $0xFFFFFF00  }
0xe2: {  	v16 =	vld [tilespmem:$0x10000]  }
0xe3: {  	v17 =	vld [tilespmem:$0x10010]  }
0xe4: {  	v56 =	vld [tilespmem:$0x10020]  }
0xe5: {  	v57 =	vld [tilespmem:$0x10030]  }
0xe6: {  	v58 =	vld [tilespmem:$0x10040]  }
0xe7: {  	v59 =	vld [tilespmem:$0x10050];
	v16 =	vadd.s32 v0, v16  }
0xe8: {  	[tilespmem:$0x10100] =	vst v16;
	v16 =	vadd.s32 v17, v1;
	v17 =	vld [tilespmem:$0x10060]  }
0xe9: {  	v60 =	vld [tilespmem:$0x10070];
	[tilespmem:$0x10110] =	vst v16;
	v16 =	vadd.s32 v56, v2  }
0xea: {  	v61 =	vld [tilespmem:$0x10080];
	[tilespmem:$0x10120] =	vst v16;
	v16 =	vadd.s32 v57, v3  }
0xeb: {  	v62 =	vld [tilespmem:$0x10090];
	[tilespmem:$0x10130] =	vst v16;
	v16 =	vadd.s32 v58, v4  }
0xec: {  	v63 =	vld [tilespmem:$0x100A0];
	[tilespmem:$0x10140] =	vst v16;
	v16 =	vadd.s32 v59, v5  }
0xed: {  	[tilespmem:$0x10150] =	vst v16;
	v16 =	vadd.s32 v17, v6;
	v17 =	vld [tilespmem:$0x100B0]  }
0xee: {  	v24 =	vld [tilespmem:$0x100C0];
	[tilespmem:$0x10160] =	vst v16;
	v16 =	vadd.s32 v60, v7  }
0xef: {  	v25 =	vld [tilespmem:$0x100D0];
	[tilespmem:$0x10170] =	vst v16;
	v16 =	vadd.s32 v61, v8  }
0xf0: {  	v26 =	vld [tilespmem:$0x100E0];
	[tilespmem:$0x10180] =	vst v16;
	v16 =	vadd.s32 v62, v9  }
0xf1: {  	v27 =	vld [tilespmem:$0x100F0];
	[tilespmem:$0x10190] =	vst v16;
	v16 =	vadd.s32 v63, v10  }
0xf2: {  	[tilespmem:$0x101A0] =	vst v16;
	v16 =	vadd.s32 v17, v11  }
0xf3: {  	[tilespmem:$0x101B0] =	vst v16;
	v16 =	vadd.s32 v24, v12  }
0xf4: {  	[tilespmem:$0x101C0] =	vst v16;
	v16 =	vadd.s32 v25, v13  }
0xf5: {  	[tilespmem:$0x101D0] =	vst v16;
	v16 =	vadd.s32 v26, v14  }
0xf6: {  	[tilespmem:$0x101E0] =	vst v16;
	v16 =	vadd.s32 v27, v15  }
0xf7: {  	[tilespmem:$0x101F0] =	vst v16  }
0xf8: {  	[spmem:s1] =	stream.indirect.scatter [tilespmem:s25], [sflag:$0x1], $0x1, s30, s29, $0xb8;
	[tilespmem:$0x10300] =	vst v63  }
0xf9: {  	_ =	swait.ge [sflag:s24], $0x80  }
0xfa: {  	[sflag:s24] =	ssyncset.done $0x0  }
0xfb: {  	[sflag:s24] =	ssyncadd.s32 $0xFFFFFF80  }
0xfc: {  	[spmem:s1] =	stream.indirect.scatter [tilespmem:s25], [sflag:$0x1], $0x1, s31, s29, $0xb8;
	[tilespmem:$0x10300] =	vst v63  }
0xfd: {  	_ =	swait.ge [sflag:s24], $0x80  }
0xfe: {  	[sflag:s24] =	ssyncset.done $0x0  }
0xff: {  	[sflag:s24] =	ssyncadd.s32 $0xFFFFFF80  }
0x100: {  	[hbm:s15], [sflag:s5] =	dma.local [spmem:s23], $0x2000  }
0x101: {  	_ =	swait.ge [sflag:s24], $0x2000  }
0x102: {  	[sflag:s24] =	ssyncset.done $0x0  }
0x103: {  	[sflag:s24] =	ssyncadd.s32 $0xFFFFE000  }
0x104: {  	[spmem:s1] =	stream.indirect.scatter [tilespmem:s26], [sflag:$0x1], $0x1, s30, s29, $0xb8;
	[tilespmem:$0x10300] =	vst v63  }
0x105: {  	_ =	swait.ge [sflag:s24], $0x80  }
0x106: {  	[sflag:s24] =	ssyncset.done $0x0  }
0x107: {  	[sflag:s24] =	ssyncadd.s32 $0xFFFFFF80  }
0x108: {  	[spmem:s1] =	stream.indirect.scatter [tilespmem:s26], [sflag:$0x1], $0x1, s31, s29, $0xb8;
	[tilespmem:$0x10300] =	vst v63  }
0x109: {  	_ =	swait.ge [sflag:s24], $0x80  }
0x10a: {  	[sflag:s24] =	ssyncset.done $0x0  }
0x10b: {  	[sflag:s24] =	ssyncadd.s32 $0xFFFFFF80  }
0x10c: {  	[tilespmem:s28], [sflag:$0x1] =	stream.linear.gather [hbm4b:s16+s2], $0x100, $0x38;
	[tilespmem:$0x10300] =	vst v63  }
0x10d: {  	_ =	swait.ge [sflag:s24], $0x100  }
0x10e: {  	[sflag:s24] =	ssyncset.done $0x0  }
0x10f: {  	[sflag:s24] =	ssyncadd.s32 $0xFFFFFF00  }
0x110: {  	v16 =	vld [tilespmem:$0x10000]  }
0x111: {  	v17 =	vld [tilespmem:$0x10010]  }
0x112: {  	v28 =	vld [tilespmem:$0x10020]  }
0x113: {  	v29 =	vld [tilespmem:$0x10030]  }
0x114: {  	v30 =	vld [tilespmem:$0x10040]  }
0x115: {  	v31 =	vld [tilespmem:$0x10050];
	v16 =	vadd.s32 v0, v16  }
0x116: {  	[tilespmem:$0x10100] =	vst v16;
	v16 =	vadd.s32 v17, v1;
	v17 =	vld [tilespmem:$0x10060]  }
0x117: {  	v32 =	vld [tilespmem:$0x10070];
	[tilespmem:$0x10110] =	vst v16;
	v16 =	vadd.s32 v28, v2  }
0x118: {  	v33 =	vld [tilespmem:$0x10080];
	[tilespmem:$0x10120] =	vst v16;
	v16 =	vadd.s32 v29, v3  }
0x119: {  	v34 =	vld [tilespmem:$0x10090];
	[tilespmem:$0x10130] =	vst v16;
	v16 =	vadd.s32 v30, v4  }
0x11a: {  	v35 =	vld [tilespmem:$0x100A0];
	[tilespmem:$0x10140] =	vst v16;
	v16 =	vadd.s32 v31, v5  }
0x11b: {  	[tilespmem:$0x10150] =	vst v16;
	v16 =	vadd.s32 v17, v6;
	v17 =	vld [tilespmem:$0x100B0]  }
0x11c: {  	v36 =	vld [tilespmem:$0x100C0];
	[tilespmem:$0x10160] =	vst v16;
	v16 =	vadd.s32 v32, v7  }
0x11d: {  	v37 =	vld [tilespmem:$0x100D0];
	[tilespmem:$0x10170] =	vst v16;
	v16 =	vadd.s32 v33, v8  }
0x11e: {  	v38 =	vld [tilespmem:$0x100E0];
	[tilespmem:$0x10180] =	vst v16;
	v16 =	vadd.s32 v34, v9  }
0x11f: {  	v39 =	vld [tilespmem:$0x100F0];
	[tilespmem:$0x10190] =	vst v16;
	v16 =	vadd.s32 v35, v10  }
0x120: {  	[tilespmem:$0x101A0] =	vst v16;
	v16 =	vadd.s32 v17, v11  }
0x121: {  	[tilespmem:$0x101B0] =	vst v16;
	v16 =	vadd.s32 v36, v12  }
0x122: {  	[tilespmem:$0x101C0] =	vst v16;
	v16 =	vadd.s32 v37, v13  }
0x123: {  	[tilespmem:$0x101D0] =	vst v16;
	v16 =	vadd.s32 v38, v14  }
0x124: {  	[tilespmem:$0x101E0] =	vst v16;
	v16 =	vadd.s32 v39, v15  }
0x125: {  	[tilespmem:$0x101F0] =	vst v16  }
0x126: {  	[spmem:s1] =	stream.indirect.scatter [tilespmem:s25], [sflag:$0x1], $0x1, s30, s29, $0xb8;
	[tilespmem:$0x10300] =	vst v63  }
0x127: {  	_ =	swait.ge [sflag:s24], $0x80  }
0x128: {  	[sflag:s24] =	ssyncset.done $0x0  }
0x129: {  	[sflag:s24] =	ssyncadd.s32 $0xFFFFFF80  }
0x12a: {  	[spmem:s1] =	stream.indirect.scatter [tilespmem:s25], [sflag:$0x1], $0x1, s31, s29, $0xb8;
	[tilespmem:$0x10300] =	vst v63  }
0x12b: {  	_ =	swait.ge [sflag:s24], $0x80  }
0x12c: {  	[sflag:s24] =	ssyncset.done $0x0  }
0x12d: {  	[sflag:s24] =	ssyncadd.s32 $0xFFFFFF80  }
0x12e: {  	[hbm:s17], [sflag:s5] =	dma.local [spmem:s23], $0x2000  }
0x12f: {  	_ =	swait.ge [sflag:s24], $0x2000  }
0x130: {  	[sflag:s24] =	ssyncset.done $0x0  }
0x131: {  	[sflag:s24] =	ssyncadd.s32 $0xFFFFE000  }
0x132: {  	[spmem:s1] =	stream.indirect.scatter [tilespmem:s26], [sflag:$0x1], $0x1, s30, s29, $0xb8;
	[tilespmem:$0x10300] =	vst v63  }
0x133: {  	_ =	swait.ge [sflag:s24], $0x80  }
0x134: {  	[sflag:s24] =	ssyncset.done $0x0  }
0x135: {  	[sflag:s24] =	ssyncadd.s32 $0xFFFFFF80  }
0x136: {  	[spmem:s1] =	stream.indirect.scatter [tilespmem:s26], [sflag:$0x1], $0x1, s31, s29, $0xb8;
	[tilespmem:$0x10300] =	vst v63  }
0x137: {  	_ =	swait.ge [sflag:s24], $0x80  }
0x138: {  	[sflag:s24] =	ssyncset.done $0x0  }
0x139: {  	[sflag:s24] =	ssyncadd.s32 $0xFFFFFF80  }
0x13a: {  	[tilespmem:s28], [sflag:$0x1] =	stream.linear.gather [hbm4b:s18+s2], $0x100, $0x38;
	[tilespmem:$0x10300] =	vst v63  }
0x13b: {  	_ =	swait.ge [sflag:s24], $0x100  }
0x13c: {  	[sflag:s24] =	ssyncset.done $0x0  }
0x13d: {  	[sflag:s24] =	ssyncadd.s32 $0xFFFFFF00  }
0x13e: {  	v16 =	vld [tilespmem:$0x10000]  }
0x13f: {  	v17 =	vld [tilespmem:$0x10010]  }
0x140: {  	v40 =	vld [tilespmem:$0x10020]  }
0x141: {  	v41 =	vld [tilespmem:$0x10030]  }
0x142: {  	v42 =	vld [tilespmem:$0x10040]  }
0x143: {  	v43 =	vld [tilespmem:$0x10050];
	v16 =	vadd.s32 v0, v16  }
0x144: {  	[tilespmem:$0x10100] =	vst v16;
	v16 =	vadd.s32 v17, v1;
	v17 =	vld [tilespmem:$0x10060]  }
0x145: {  	v44 =	vld [tilespmem:$0x10070];
	[tilespmem:$0x10110] =	vst v16;
	v16 =	vadd.s32 v40, v2  }
0x146: {  	v45 =	vld [tilespmem:$0x10080];
	[tilespmem:$0x10120] =	vst v16;
	v16 =	vadd.s32 v41, v3  }
0x147: {  	v46 =	vld [tilespmem:$0x10090];
	[tilespmem:$0x10130] =	vst v16;
	v16 =	vadd.s32 v42, v4  }
0x148: {  	v47 =	vld [tilespmem:$0x100A0];
	[tilespmem:$0x10140] =	vst v16;
	v16 =	vadd.s32 v43, v5  }
0x149: {  	[tilespmem:$0x10150] =	vst v16;
	v16 =	vadd.s32 v17, v6;
	v17 =	vld [tilespmem:$0x100B0]  }
0x14a: {  	v48 =	vld [tilespmem:$0x100C0];
	[tilespmem:$0x10160] =	vst v16;
	v16 =	vadd.s32 v44, v7  }
0x14b: {  	v49 =	vld [tilespmem:$0x100D0];
	[tilespmem:$0x10170] =	vst v16;
	v16 =	vadd.s32 v45, v8  }
0x14c: {  	v50 =	vld [tilespmem:$0x100E0];
	[tilespmem:$0x10180] =	vst v16;
	v16 =	vadd.s32 v46, v9  }
0x14d: {  	v51 =	vld [tilespmem:$0x100F0];
	[tilespmem:$0x10190] =	vst v16;
	v16 =	vadd.s32 v47, v10  }
0x14e: {  	[tilespmem:$0x101A0] =	vst v16;
	v16 =	vadd.s32 v17, v11  }
0x14f: {  	[tilespmem:$0x101B0] =	vst v16;
	v16 =	vadd.s32 v48, v12  }
0x150: {  	[tilespmem:$0x101C0] =	vst v16;
	v16 =	vadd.s32 v49, v13  }
0x151: {  	[tilespmem:$0x101D0] =	vst v16;
	v16 =	vadd.s32 v50, v14  }
0x152: {  	[tilespmem:$0x101E0] =	vst v16;
	v16 =	vadd.s32 v51, v15  }
0x153: {  	[tilespmem:$0x101F0] =	vst v16  }
0x154: {  	[spmem:s1] =	stream.indirect.scatter [tilespmem:s25], [sflag:$0x1], $0x1, s30, s29, $0xb8;
	[tilespmem:$0x10300] =	vst v63  }
0x155: {  	_ =	swait.ge [sflag:s24], $0x80  }
0x156: {  	[sflag:s24] =	ssyncset.done $0x0  }
0x157: {  	[sflag:s24] =	ssyncadd.s32 $0xFFFFFF80  }
0x158: {  	[spmem:s1] =	stream.indirect.scatter [tilespmem:s25], [sflag:$0x1], $0x1, s31, s29, $0xb8;
	[tilespmem:$0x10300] =	vst v63  }
0x159: {  	_ =	swait.ge [sflag:s24], $0x80  }
0x15a: {  	[sflag:s24] =	ssyncset.done $0x0  }
0x15b: {  	[sflag:s24] =	ssyncadd.s32 $0xFFFFFF80  }
0x15c: {  	[hbm:s19], [sflag:s5] =	dma.local [spmem:s23], $0x2000  }
0x15d: {  	_ =	swait.ge [sflag:s24], $0x2000  }
0x15e: {  	[sflag:s24] =	ssyncset.done $0x0  }
0x15f: {  	[sflag:s24] =	ssyncadd.s32 $0xFFFFE000  }
0x160: {  	[spmem:s1] =	stream.indirect.scatter [tilespmem:s26], [sflag:$0x1], $0x1, s30, s29, $0xb8;
	[tilespmem:$0x10300] =	vst v63  }
0x161: {  	_ =	swait.ge [sflag:s24], $0x80  }
0x162: {  	[sflag:s24] =	ssyncset.done $0x0  }
0x163: {  	[sflag:s24] =	ssyncadd.s32 $0xFFFFFF80  }
0x164: {  	[spmem:s1] =	stream.indirect.scatter [tilespmem:s26], [sflag:$0x1], $0x1, s31, s29, $0xb8;
	[tilespmem:$0x10300] =	vst v63  }
0x165: {  	_ =	swait.ge [sflag:s24], $0x80  }
0x166: {  	[sflag:s24] =	ssyncset.done $0x0  }
0x167: {  	[sflag:s24] =	ssyncadd.s32 $0xFFFFFF80  }
0x168: {  	[tilespmem:s28], [sflag:$0x1] =	stream.linear.gather [hbm4b:s20+s2], $0x100, $0x38;
	[tilespmem:$0x10300] =	vst v63  }
0x169: {  	_ =	swait.ge [sflag:s24], $0x100  }
0x16a: {  	[sflag:s24] =	ssyncset.done $0x0  }
0x16b: {  	[sflag:s24] =	ssyncadd.s32 $0xFFFFFF00  }
0x16c: {  	v16 =	vld [tilespmem:$0x10000]  }
0x16d: {  	v17 =	vld [tilespmem:$0x10010]  }
0x16e: {  	v52 =	vld [tilespmem:$0x10020]  }
0x16f: {  	v53 =	vld [tilespmem:$0x10030]  }
0x170: {  	v54 =	vld [tilespmem:$0x10040]  }
0x171: {  	v55 =	vld [tilespmem:$0x10050];
	v16 =	vadd.s32 v0, v16  }
0x172: {  	[tilespmem:$0x10100] =	vst v16;
	v16 =	vadd.s32 v17, v1;
	v17 =	vld [tilespmem:$0x10060]  }
0x173: {  	v56 =	vld [tilespmem:$0x10070];
	[tilespmem:$0x10110] =	vst v16;
	v16 =	vadd.s32 v52, v2  }
0x174: {  	v57 =	vld [tilespmem:$0x10080];
	[tilespmem:$0x10120] =	vst v16;
	v16 =	vadd.s32 v53, v3  }
0x175: {  	v58 =	vld [tilespmem:$0x10090];
	[tilespmem:$0x10130] =	vst v16;
	v16 =	vadd.s32 v54, v4  }
0x176: {  	v59 =	vld [tilespmem:$0x100A0];
	[tilespmem:$0x10140] =	vst v16;
	v16 =	vadd.s32 v55, v5  }
0x177: {  	[tilespmem:$0x10150] =	vst v16;
	v16 =	vadd.s32 v17, v6;
	v17 =	vld [tilespmem:$0x100B0]  }
0x178: {  	v60 =	vld [tilespmem:$0x100C0];
	[tilespmem:$0x10160] =	vst v16;
	v16 =	vadd.s32 v56, v7  }
0x179: {  	v61 =	vld [tilespmem:$0x100D0];
	[tilespmem:$0x10170] =	vst v16;
	v16 =	vadd.s32 v57, v8  }
0x17a: {  	v62 =	vld [tilespmem:$0x100E0];
	[tilespmem:$0x10180] =	vst v16;
	v16 =	vadd.s32 v58, v9  }
0x17b: {  	v63 =	vld [tilespmem:$0x100F0];
	[tilespmem:$0x10190] =	vst v16;
	v16 =	vadd.s32 v59, v10  }
0x17c: {  	[tilespmem:$0x101A0] =	vst v16;
	v16 =	vadd.s32 v17, v11  }
0x17d: {  	[tilespmem:$0x101B0] =	vst v16;
	v16 =	vadd.s32 v60, v12  }
0x17e: {  	[tilespmem:$0x101C0] =	vst v16;
	v16 =	vadd.s32 v61, v13  }
0x17f: {  	[tilespmem:$0x101D0] =	vst v16;
	v16 =	vadd.s32 v62, v14  }
0x180: {  	[tilespmem:$0x101E0] =	vst v16;
	v16 =	vadd.s32 v63, v15  }
0x181: {  	[tilespmem:$0x101F0] =	vst v16  }
0x182: {  	[spmem:s1] =	stream.indirect.scatter [tilespmem:s25], [sflag:$0x1], $0x1, s30, s29, $0xb8;
	[tilespmem:$0x10300] =	vst v63  }
0x183: {  	_ =	swait.ge [sflag:s24], $0x80  }
0x184: {  	[sflag:s24] =	ssyncset.done $0x0  }
0x185: {  	[sflag:s24] =	ssyncadd.s32 $0xFFFFFF80  }
0x186: {  	[spmem:s1] =	stream.indirect.scatter [tilespmem:s25], [sflag:$0x1], $0x1, s31, s29, $0xb8;
	[tilespmem:$0x10300] =	vst v63  }
0x187: {  	_ =	swait.ge [sflag:s24], $0x80  }
0x188: {  	[sflag:s24] =	ssyncset.done $0x0  }
0x189: {  	[sflag:s24] =	ssyncadd.s32 $0xFFFFFF80  }
0x18a: {  	[hbm:s21], [sflag:s5] =	dma.local [spmem:s23], $0x2000  }
0x18b: {  	_ =	swait.ge [sflag:s24], $0x2000  }
0x18c: {  	[sflag:s24] =	ssyncset.done $0x0  }
0x18d: {  	[sflag:s24] =	ssyncadd.s32 $0xFFFFE000  }
0x18e: {  	[spmem:s1] =	stream.indirect.scatter [tilespmem:s26], [sflag:$0x1], $0x1, s30, s29, $0xb8;
	[tilespmem:$0x10300] =	vst v63  }
0x18f: {  	_ =	swait.ge [sflag:s24], $0x80  }
0x190: {  	p0 =	sne.s32 s22, $0x1;
	[sflag:s24] =	ssyncset.done $0x0  }
.Ltmp0:
0x191: {  	[sflag:s24] =	ssyncadd.s32 $0xFFFFFF80;
	(pc) =	sbr.rel @p0 .LBB2_1-.Ltmp0, $4  }
0x192: {  	[spmem:s1] =	stream.indirect.scatter [tilespmem:s26], [sflag:$0x1], $0x1, s31, s29, $0xb8;
	[tilespmem:$0x10300] =	vst v63  }
0x193: {  	_ =	swait.ge [sflag:s24], $0x80  }
0x194: {  	[sflag:s24] =	ssyncset.done $0x0  }
0x195: {  	s22 =	sadd.s32 $0xFFFFFFFF, s22;
	[sflag:s24] =	ssyncadd.s32 $0xFFFFFF80  }
0x196: {  	_ =	sfence.sel $0x180000  }
0x197: {  	[bflag:$0x0] =	sbarrier.arrive $0xFFFF  }
0x198: {  	_ =	strace $0x90000047  }
0x199: {  	[bflag:$0x2] =	sbarrier.arrive $0xFFFF  }
0x19a: {  	p0 =	sne.s32 s3, $0x0;
	s0 =	rddreg [dreg:$0x3]  }
0x19b: {  	s0 =	sadd.s32 @!p0 $0x100000, s0  }
0x19c: {  	[sflag:s0] =	ssyncadd.tile.s32 @!p0 $0x1;
	_ =	shalt  }
.Lfunc_end2:
_tile_overlayer_lowered:
.L_overlay_start_2:
0x19d: {  	(tag) =	ssettag $0x2  }
0x19e: {  	s0 =	rddreg [dreg:$0x0];
	s2 =	stileid.u32  }
0x19f: {  	s1 =	rddreg [dreg:$0x1];
	p0 =	sne.s32 s2, $0x0  }
0x1a0: {  	s3 =	rddreg [dreg:$0x2];
	[bflag:$0x3] =	sbarrier.arrive $0xFFFF;
	s2 =	simm.s32 @!p0 $0x1C01  }
0x1a1: {  	[timem:s3], [sflag:s2] =	dma.local @!p0 [hbm:s0], s1  }
0x1a2: {  	s0 =	simm.s32 @!p0 $0x1  }
0x1a3: {  	_ =	swait.ge @!p0 [sflag:s0], s1  }
0x1a4: {  	s1 =	ssub.s32 @!p0 $0x0, s1;
	[sflag:s0] =	ssyncset.done @!p0 $0x0  }
0x1a5: {  	[sflag:s0] =	ssyncadd.s32 @!p0 s1  }
0x1a6: {  	[bflag:$0x3] =	sbarrier.arrive $0xFFFF  }
0x1a7: {  	_ =	shalt  }

</sc_bundles>
